<compile_context>
chip_gen: v7x
topology: tpu7x:2x2x1
jax: 0.10.2.dev20260603
libtpu: 0.0.44.dev20260713+nightly
codegen_flags: <defaults>
</compile_context>

<pallas_src>
import functools

import jax
import jax.numpy as jnp
from jax import lax
from jax.experimental import pallas as pl
from jax.experimental.pallas import tpu as pltpu
from jax.experimental.pallas import tpu_sc as plsc

B = 4096
L = 200
NUM_USER = 1000000
NUM_MOVIE = 100000
D_USER = 64
D_SMALL = 16
D_MOVIE = 64
D_FEAT = D_USER + 3 * D_SMALL

_INFO = plsc.get_sparse_core_info()
NC = _INFO.num_cores
NS = _INFO.num_subcores
NW = NC * NS

BPW = B // NW
N_CHUNKS = L
N_BLOCKS = N_CHUNKS // 4
N_TILES = L // 8
ULAST = ((NUM_USER - 1) // 128) * 128


def _body(user_id, sex, age, occupation, target_item, seq_t, user_t,
          sex_table, age_table, occupation_table, mt,
          out2d, tgt_t, feat_t,
          uid_v, sid_v, aid_v, oid_v, tid_v,
          sexv, agev, occv, idx_v, ring, trans, ubuf, feat_v,
          gsem, wsem, isem, usem):
    wid = lax.axis_index("s") * NC + lax.axis_index("c")
    b0 = pl.multiple_of(wid * BPW, 128)
    iota = lax.iota(jnp.int32, 16)

    dcols = [dg * 16 + iota for dg in range(4)]

    def extract(rs, tbuf):
        def jbody(i2, jb):
            jb1 = jb + 1
            va = [ring[rs, 2 * i2, pl.ds(dg * 16, 16)] for dg in range(4)]
            vb = [ring[rs, 2 * i2 + 1, pl.ds(dg * 16, 16)] for dg in range(4)]
            for dg in range(4):
                plsc.store_scatter(tbuf, [dcols[dg], jb], va[dg])
            for dg in range(4):
                plsc.store_scatter(tbuf, [dcols[dg], jb1], vb[dg])
            return jb + 2

        lax.fori_loop(0, 64, jbody, jnp.zeros((16,), jnp.int32))

    pltpu.sync_copy(user_id.at[pl.ds(b0, BPW)], uid_v)
    pltpu.sync_copy(sex.at[pl.ds(b0, BPW)], sid_v)
    pltpu.sync_copy(age.at[pl.ds(b0, BPW)], aid_v)
    pltpu.sync_copy(occupation.at[pl.ds(b0, BPW)], oid_v)
    pltpu.sync_copy(target_item.at[pl.ds(b0, BPW)], tid_v)
    pltpu.sync_copy(sex_table, sexv)
    pltpu.sync_copy(age_table, agev)
    pltpu.sync_copy(occupation_table, occv)

    for jg in range(8):
        jsl = pl.ds(jg * 16, 16)
        sv = sid_v[jsl]
        av = aid_v[jsl]
        ov = oid_v[jsl]

        def kbody(k, carry, sv=sv, av=av, ov=ov, jsl=jsl):
            kv = jnp.full((16,), k, jnp.int32)
            feat_v[D_USER + k, jsl] = plsc.load_gather(sexv, [sv, kv])
            feat_v[D_USER + D_SMALL + k, jsl] = plsc.load_gather(agev, [av, kv])
            feat_v[D_USER + 2 * D_SMALL + k, jsl] = plsc.load_gather(occv, [ov, kv])
            return carry

        lax.fori_loop(0, D_SMALL, kbody, None)

    def ucol(j):
        g = (j >> 4) << 4
        uv = uid_v[pl.ds(g, 16)]
        r = lax.reduce_max(jnp.where(iota == j - g, uv, 0), (0,))
        c0 = pl.multiple_of(jnp.minimum((r >> 7) << 7, ULAST), 128)
        return c0, r - c0

    c0_first, _ = ucol(0)
    pltpu.async_copy(user_t.at[:, pl.ds(c0_first, 128)], ubuf.at[0], usem)

    def ubody(j, carry):
        slot = j % 2
        _, col = ucol(j)
        pltpu.make_async_copy(user_t.at[:, pl.ds(0, 128)], ubuf.at[slot], usem).wait()

        @pl.when(j < BPW - 1)
        def _next():
            c0n, _ = ucol(j + 1)
            pltpu.async_copy(user_t.at[:, pl.ds(c0n, 128)], ubuf.at[1 - slot], usem)

        slotv = jnp.full((16,), slot, jnp.int32)
        colv = jnp.full((16,), col, jnp.int32)
        jv16 = jnp.full((16,), j, jnp.int32)
        for dg in range(4):
            dv = dg * 16 + iota
            vals = plsc.load_gather(ubuf, [slotv, dv, colv])
            plsc.store_scatter(feat_v, [dv, jv16], vals)
        return carry

    lax.fori_loop(0, BPW, ubody, None)
    pltpu.sync_copy(feat_v, feat_t.at[:, pl.ds(b0, BPW)])

    pltpu.async_copy(mt.at[tid_v], ring.at[0], gsem).wait()
    extract(0, trans.at[0])
    pltpu.sync_copy(trans.at[0], tgt_t.at[:, pl.ds(b0, BPW)])

    pltpu.sync_copy(seq_t.at[pl.ds(0, 8), pl.ds(b0, BPW)], idx_v.at[0])
    for c in range(4):
        pltpu.async_copy(mt.at[idx_v.at[0, c]], ring.at[c], gsem)

    def out_at(t):
        row = pl.multiple_of(t * D_MOVIE, D_MOVIE)
        return out2d.at[pl.ds(row, D_MOVIE), pl.ds(b0, BPW)]

    def block(i, carry):
        @pl.when((i % 2 == 0) & (i < 2 * (N_TILES - 1)))
        def _tile_fire():
            tn = i // 2 + 1
            trow = pl.multiple_of(tn * 8, 8)
            pltpu.async_copy(seq_t.at[pl.ds(trow, 8), pl.ds(b0, BPW)],
                             idx_v.at[tn % 2], isem)

        @pl.when((i % 2 == 1) & (i < 2 * (N_TILES - 1)))
        def _tile_drain():
            pltpu.make_async_copy(seq_t.at[pl.ds(0, 8), pl.ds(b0, BPW)],
                                  idx_v.at[0], isem).wait()

        for c in range(4):
            t = 4 * i + c
            pltpu.make_async_copy(mt.at[idx_v.at[0, 0]], ring.at[c], gsem).wait()

            @pl.when(t >= 2)
            def _wdrain(t=t, c=c):
                pltpu.make_async_copy(trans.at[c % 2], out_at(t - 2), wsem).wait()

            extract(c, trans.at[c % 2])
            pltpu.async_copy(trans.at[c % 2], out_at(t), wsem)

            @pl.when(t + 4 < N_CHUNKS)
            def _refill(t=t, c=c):
                t4 = t + 4
                pltpu.async_copy(mt.at[idx_v.at[(t4 // 8) % 2, t4 % 8]],
                                 ring.at[c], gsem)
        return carry

    lax.fori_loop(0, N_BLOCKS, block, None)
    pltpu.make_async_copy(trans.at[0], out_at(N_CHUNKS - 2), wsem).wait()
    pltpu.make_async_copy(trans.at[1], out_at(N_CHUNKS - 1), wsem).wait()


@jax.jit
def _run(user_id, sex, age, occupation, target_item, seq_t, user_t,
         sex_table, age_table, occupation_table, mt):
    mesh = plsc.VectorSubcoreMesh(core_axis_name="c", subcore_axis_name="s")
    k = functools.partial(
        pl.kernel,
        mesh=mesh,
        compiler_params=pltpu.CompilerParams(use_tc_tiling_on_sc=True,
                                             needs_layout_passes=False),
        out_type=[
            jax.ShapeDtypeStruct((L * D_MOVIE, B), jnp.float32),
            jax.ShapeDtypeStruct((D_MOVIE, B), jnp.float32),
            jax.ShapeDtypeStruct((D_FEAT, B), jnp.float32),
        ],
        scratch_types=[
            pltpu.VMEM((BPW,), jnp.int32),
            pltpu.VMEM((BPW,), jnp.int32),
            pltpu.VMEM((BPW,), jnp.int32),
            pltpu.VMEM((BPW,), jnp.int32),
            pltpu.VMEM((BPW,), jnp.int32),
            pltpu.VMEM((2, D_SMALL), jnp.float32),
            pltpu.VMEM((7, D_SMALL), jnp.float32),
            pltpu.VMEM((21, D_SMALL), jnp.float32),
            pltpu.VMEM((2, 8, 128), jnp.int32),
            pltpu.VMEM((4, 128, 128), jnp.float32),
            pltpu.VMEM((2, D_MOVIE, 128), jnp.float32),
            pltpu.VMEM((2, D_USER, 128), jnp.float32),
            pltpu.VMEM((D_FEAT, 128), jnp.float32),
            pltpu.SemaphoreType.DMA,
            pltpu.SemaphoreType.DMA,
            pltpu.SemaphoreType.DMA,
            pltpu.SemaphoreType.DMA,
        ],
    )(_body)
    return k(user_id, sex, age, occupation, target_item, seq_t, user_t,
             sex_table, age_table, occupation_table, mt)


def kernel(user_id, sex, age, occupation, seq_item, target_item,
           user_table, sex_table, age_table, occupation_table, movie_table):
    seq_t = jnp.transpose(seq_item.astype(jnp.int32))
    user_t = jnp.transpose(user_table)
    mt = jnp.pad(movie_table, ((0, 0), (0, 64)))
    out2d, tgt_t, feat_t = _run(
        user_id.astype(jnp.int32), sex.astype(jnp.int32), age.astype(jnp.int32),
        occupation.astype(jnp.int32), target_item.astype(jnp.int32),
        seq_t, user_t, sex_table, age_table, occupation_table, mt)
    seq_out = jnp.transpose(out2d.reshape(L, D_MOVIE, B), (2, 0, 1))
    tgt = jnp.transpose(tgt_t)
    feat = jnp.transpose(feat_t)
    return (feat, seq_out, tgt)

# --- scband reference (transcript-rebuilt; emitter-appended) ---
"""Pipeline reference for scband-embedding-layer-4922032521770 (READ-ONLY COPY).

The authoritative reference and input builder live on the scoring server;
editing this copy changes nothing except your own understanding.
"""

import jax, jax.numpy as jnp
import numpy as np

B = 4096
L = 200
NUM_USER = 1000000
NUM_SEX = 2
NUM_AGE = 7
NUM_OCC = 21
NUM_MOVIE = 100000
D_USER = 64
D_SEX = 16
D_AGE = 16
D_OCC = 16
D_MOVIE = 64


def setup_inputs(seed: int = 0) -> dict:
    key = jax.random.key(seed)
    ks = jax.random.split(key, 11)
    return {
        "user_id": jax.random.randint(ks[0], (B,), 0, NUM_USER),
        "sex": jax.random.randint(ks[1], (B,), 0, NUM_SEX),
        "age": jax.random.randint(ks[2], (B,), 0, NUM_AGE),
        "occupation": jax.random.randint(ks[3], (B,), 0, NUM_OCC),
        "seq_item": jax.random.randint(ks[4], (B, L), 0, NUM_MOVIE),
        "target_item": jax.random.randint(ks[5], (B,), 0, NUM_MOVIE),
        "user_table": jax.random.normal(ks[6], (NUM_USER, D_USER), dtype=jnp.float32) * 0.01,
        "sex_table": jax.random.normal(ks[7], (NUM_SEX, D_SEX), dtype=jnp.float32) * 0.01,
        "age_table": jax.random.normal(ks[8], (NUM_AGE, D_AGE), dtype=jnp.float32) * 0.01,
        "occupation_table": jax.random.normal(ks[9], (NUM_OCC, D_OCC), dtype=jnp.float32) * 0.01,
        "movie_table": jax.random.normal(ks[10], (NUM_MOVIE, D_MOVIE), dtype=jnp.float32) * 0.01,
    }


def reference(user_id, sex, age, occupation, seq_item, target_item,
              user_table, sex_table, age_table, occupation_table, movie_table):
    user_emb = jnp.take(user_table, user_id, axis=0)
    sex_emb = jnp.take(sex_table, sex, axis=0)
    age_emb = jnp.take(age_table, age, axis=0)
    occupation_emb = jnp.take(occupation_table, occupation, axis=0)
    seq_item_emb = jnp.take(movie_table, seq_item, axis=0)
    target_item_emb = jnp.take(movie_table, target_item, axis=0)
    user_feat = jnp.concatenate([user_emb, sex_emb, age_emb, occupation_emb], axis=-1)
    return (user_feat, seq_item_emb, target_item_emb)

if __name__ == "__main__":
    import jax
    _d = setup_inputs()
    print(jax.jit(kernel)(*tuple(_d.values())))

</pallas_src>

<mosaic_0001>
#map = affine_map<(d0, d1) -> (0)>
#map1 = affine_map<(d0, d1) -> (0, 0)>
module attributes {stable_mosaic.version = 14 : i64} {
  func.func @_body(%arg0: i32, %arg1: i32, %arg2: memref<4096xi32, #tpu.memory_space<hbm>>, %arg3: memref<4096xi32, #tpu.memory_space<hbm>>, %arg4: memref<4096xi32, #tpu.memory_space<hbm>>, %arg5: memref<4096xi32, #tpu.memory_space<hbm>>, %arg6: memref<4096xi32, #tpu.memory_space<hbm>>, %arg7: memref<200x4096xi32, #tpu.memory_space<hbm>>, %arg8: memref<64x1000000xf32, #tpu.memory_space<hbm>>, %arg9: memref<2x16xf32, #tpu.memory_space<hbm>>, %arg10: memref<7x16xf32, #tpu.memory_space<hbm>>, %arg11: memref<21x16xf32, #tpu.memory_space<hbm>>, %arg12: memref<100000x128xf32, #tpu.memory_space<hbm>>, %arg13: memref<12800x4096xf32, #tpu.memory_space<hbm>>, %arg14: memref<64x4096xf32, #tpu.memory_space<hbm>>, %arg15: memref<112x4096xf32, #tpu.memory_space<hbm>>, %arg16: memref<128xi32, #tpu.memory_space<vmem>>, %arg17: memref<128xi32, #tpu.memory_space<vmem>>, %arg18: memref<128xi32, #tpu.memory_space<vmem>>, %arg19: memref<128xi32, #tpu.memory_space<vmem>>, %arg20: memref<128xi32, #tpu.memory_space<vmem>>, %arg21: memref<2x16xf32, #tpu.memory_space<vmem>>, %arg22: memref<7x16xf32, #tpu.memory_space<vmem>>, %arg23: memref<21x16xf32, #tpu.memory_space<vmem>>, %arg24: memref<2x8x128xi32, #tpu.memory_space<vmem>>, %arg25: memref<4x128x128xf32, #tpu.memory_space<vmem>>, %arg26: memref<2x64x128xf32, #tpu.memory_space<vmem>>, %arg27: memref<2x64x128xf32, #tpu.memory_space<vmem>>, %arg28: memref<112x128xf32, #tpu.memory_space<vmem>>, %arg29: memref<!tpu.dma_semaphore, #tpu.memory_space<semaphore_mem>>, %arg30: memref<!tpu.dma_semaphore, #tpu.memory_space<semaphore_mem>>, %arg31: memref<!tpu.dma_semaphore, #tpu.memory_space<semaphore_mem>>, %arg32: memref<!tpu.dma_semaphore, #tpu.memory_space<semaphore_mem>>) attributes {dimension_semantics = [#tpu.dimension_semantics<core_parallel>, #tpu.dimension_semantics<subcore_parallel>], iteration_bounds = array<i64: 2, 16>, scalar_prefetch = 0 : i64, scratch_operands = 17 : i64, tpu.core_type = #tpu.core_type<sc_vector_subcore>, window_params = [{transform_indices = #map}, {transform_indices = #map}, {transform_indices = #map}, {transform_indices = #map}, {transform_indices = #map}, {transform_indices = #map1}, {transform_indices = #map1}, {transform_indices = #map1}, {transform_indices = #map1}, {transform_indices = #map1}, {transform_indices = #map1}, {transform_indices = #map1}, {transform_indices = #map1}, {transform_indices = #map1}]} {
    %mul3A = arith.constant 2 : i32
    %mul3A_0 = arith.muli %arg1, %mul3A : i32
    %add3A = arith.addi %mul3A_0, %arg0 : i32
    %mul3A_1 = arith.constant 128 : i32
    %mul3A_2 = arith.muli %add3A, %mul3A_1 : i32
    %multiple_of3A = tpu.assume_multiple %mul3A_2, 128 : i32
    %iota3A = tpu.iota {dimensions = array<i32: 0>} : vector<16xi32>
    %add3A_3 = arith.constant 0 : i32
    %add3A_4 = vector.broadcast %add3A_3 : i32 to vector<16xi32>
    %add3A_5 = arith.addi %add3A_4, %iota3A : vector<16xi32>
    %add3A_6 = arith.constant 16 : i32
    %add3A_7 = vector.broadcast %add3A_6 : i32 to vector<16xi32>
    %add3A_8 = arith.addi %add3A_7, %iota3A : vector<16xi32>
    %add3A_9 = arith.constant 32 : i32
    %add3A_10 = vector.broadcast %add3A_9 : i32 to vector<16xi32>
    %add3A_11 = arith.addi %add3A_10, %iota3A : vector<16xi32>
    %add3A_12 = arith.constant 48 : i32
    %add3A_13 = vector.broadcast %add3A_12 : i32 to vector<16xi32>
    %add3A_14 = arith.addi %add3A_13, %iota3A : vector<16xi32>
    "tpu.region"() ({
      %run_scoped3A_241 = tpu.sem_alloc : memref<!tpu.dma_semaphore, #tpu.memory_space<semaphore_mem>>
      %dma_start3A_242 = tpu.memref_slice %arg2[%multiple_of3A] : memref<4096xi32, #tpu.memory_space<hbm>> -> memref<128xi32, #tpu.memory_space<hbm>>
      %dma_start3A_243 = tpu.memref_slice %arg2[%multiple_of3A] : memref<4096xi32, #tpu.memory_space<hbm>> -> memref<128xi32, #tpu.memory_space<hbm>>
      tpu.enqueue_dma source(%dma_start3A_243 : memref<128xi32, #tpu.memory_space<hbm>>) target(%arg16 : memref<128xi32, #tpu.memory_space<vmem>>) target_semaphore(%run_scoped3A_241 : memref<!tpu.dma_semaphore, #tpu.memory_space<semaphore_mem>>)
      %dma_wait3A_244 = tpu.memref_slice %arg2[%multiple_of3A] : memref<4096xi32, #tpu.memory_space<hbm>> -> memref<128xi32, #tpu.memory_space<hbm>>
      %dma_wait3A_245 = tpu.memref_slice %arg2[%multiple_of3A] : memref<4096xi32, #tpu.memory_space<hbm>> -> memref<128xi32, #tpu.memory_space<hbm>>
      tpu.wait_dma2 semaphore(%run_scoped3A_241 : memref<!tpu.dma_semaphore, #tpu.memory_space<semaphore_mem>>) src(%dma_wait3A_245 : memref<128xi32, #tpu.memory_space<hbm>>) dst(%arg16 : memref<128xi32, #tpu.memory_space<vmem>>)
      tpu.yield
    }) : () -> ()
    "tpu.region"() ({
      %run_scoped3A_241 = tpu.sem_alloc : memref<!tpu.dma_semaphore, #tpu.memory_space<semaphore_mem>>
      %dma_start3A_242 = tpu.memref_slice %arg3[%multiple_of3A] : memref<4096xi32, #tpu.memory_space<hbm>> -> memref<128xi32, #tpu.memory_space<hbm>>
      %dma_start3A_243 = tpu.memref_slice %arg3[%multiple_of3A] : memref<4096xi32, #tpu.memory_space<hbm>> -> memref<128xi32, #tpu.memory_space<hbm>>
      tpu.enqueue_dma source(%dma_start3A_243 : memref<128xi32, #tpu.memory_space<hbm>>) target(%arg17 : memref<128xi32, #tpu.memory_space<vmem>>) target_semaphore(%run_scoped3A_241 : memref<!tpu.dma_semaphore, #tpu.memory_space<semaphore_mem>>)
      %dma_wait3A_244 = tpu.memref_slice %arg3[%multiple_of3A] : memref<4096xi32, #tpu.memory_space<hbm>> -> memref<128xi32, #tpu.memory_space<hbm>>
      %dma_wait3A_245 = tpu.memref_slice %arg3[%multiple_of3A] : memref<4096xi32, #tpu.memory_space<hbm>> -> memref<128xi32, #tpu.memory_space<hbm>>
      tpu.wait_dma2 semaphore(%run_scoped3A_241 : memref<!tpu.dma_semaphore, #tpu.memory_space<semaphore_mem>>) src(%dma_wait3A_245 : memref<128xi32, #tpu.memory_space<hbm>>) dst(%arg17 : memref<128xi32, #tpu.memory_space<vmem>>)
      tpu.yield
    }) : () -> ()
    "tpu.region"() ({
      %run_scoped3A_241 = tpu.sem_alloc : memref<!tpu.dma_semaphore, #tpu.memory_space<semaphore_mem>>
      %dma_start3A_242 = tpu.memref_slice %arg4[%multiple_of3A] : memref<4096xi32, #tpu.memory_space<hbm>> -> memref<128xi32, #tpu.memory_space<hbm>>
      %dma_start3A_243 = tpu.memref_slice %arg4[%multiple_of3A] : memref<4096xi32, #tpu.memory_space<hbm>> -> memref<128xi32, #tpu.memory_space<hbm>>
      tpu.enqueue_dma source(%dma_start3A_243 : memref<128xi32, #tpu.memory_space<hbm>>) target(%arg18 : memref<128xi32, #tpu.memory_space<vmem>>) target_semaphore(%run_scoped3A_241 : memref<!tpu.dma_semaphore, #tpu.memory_space<semaphore_mem>>)
      %dma_wait3A_244 = tpu.memref_slice %arg4[%multiple_of3A] : memref<4096xi32, #tpu.memory_space<hbm>> -> memref<128xi32, #tpu.memory_space<hbm>>
      %dma_wait3A_245 = tpu.memref_slice %arg4[%multiple_of3A] : memref<4096xi32, #tpu.memory_space<hbm>> -> memref<128xi32, #tpu.memory_space<hbm>>
      tpu.wait_dma2 semaphore(%run_scoped3A_241 : memref<!tpu.dma_semaphore, #tpu.memory_space<semaphore_mem>>) src(%dma_wait3A_245 : memref<128xi32, #tpu.memory_space<hbm>>) dst(%arg18 : memref<128xi32, #tpu.memory_space<vmem>>)
      tpu.yield
    }) : () -> ()
    "tpu.region"() ({
      %run_scoped3A_241 = tpu.sem_alloc : memref<!tpu.dma_semaphore, #tpu.memory_space<semaphore_mem>>
      %dma_start3A_242 = tpu.memref_slice %arg5[%multiple_of3A] : memref<4096xi32, #tpu.memory_space<hbm>> -> memref<128xi32, #tpu.memory_space<hbm>>
      %dma_start3A_243 = tpu.memref_slice %arg5[%multiple_of3A] : memref<4096xi32, #tpu.memory_space<hbm>> -> memref<128xi32, #tpu.memory_space<hbm>>
      tpu.enqueue_dma source(%dma_start3A_243 : memref<128xi32, #tpu.memory_space<hbm>>) target(%arg19 : memref<128xi32, #tpu.memory_space<vmem>>) target_semaphore(%run_scoped3A_241 : memref<!tpu.dma_semaphore, #tpu.memory_space<semaphore_mem>>)
      %dma_wait3A_244 = tpu.memref_slice %arg5[%multiple_of3A] : memref<4096xi32, #tpu.memory_space<hbm>> -> memref<128xi32, #tpu.memory_space<hbm>>
      %dma_wait3A_245 = tpu.memref_slice %arg5[%multiple_of3A] : memref<4096xi32, #tpu.memory_space<hbm>> -> memref<128xi32, #tpu.memory_space<hbm>>
      tpu.wait_dma2 semaphore(%run_scoped3A_241 : memref<!tpu.dma_semaphore, #tpu.memory_space<semaphore_mem>>) src(%dma_wait3A_245 : memref<128xi32, #tpu.memory_space<hbm>>) dst(%arg19 : memref<128xi32, #tpu.memory_space<vmem>>)
      tpu.yield
    }) : () -> ()
    "tpu.region"() ({
      %run_scoped3A_241 = tpu.sem_alloc : memref<!tpu.dma_semaphore, #tpu.memory_space<semaphore_mem>>
      %dma_start3A_242 = tpu.memref_slice %arg6[%multiple_of3A] : memref<4096xi32, #tpu.memory_space<hbm>> -> memref<128xi32, #tpu.memory_space<hbm>>
      %dma_start3A_243 = tpu.memref_slice %arg6[%multiple_of3A] : memref<4096xi32, #tpu.memory_space<hbm>> -> memref<128xi32, #tpu.memory_space<hbm>>
      tpu.enqueue_dma source(%dma_start3A_243 : memref<128xi32, #tpu.memory_space<hbm>>) target(%arg20 : memref<128xi32, #tpu.memory_space<vmem>>) target_semaphore(%run_scoped3A_241 : memref<!tpu.dma_semaphore, #tpu.memory_space<semaphore_mem>>)
      %dma_wait3A_244 = tpu.memref_slice %arg6[%multiple_of3A] : memref<4096xi32, #tpu.memory_space<hbm>> -> memref<128xi32, #tpu.memory_space<hbm>>
      %dma_wait3A_245 = tpu.memref_slice %arg6[%multiple_of3A] : memref<4096xi32, #tpu.memory_space<hbm>> -> memref<128xi32, #tpu.memory_space<hbm>>
      tpu.wait_dma2 semaphore(%run_scoped3A_241 : memref<!tpu.dma_semaphore, #tpu.memory_space<semaphore_mem>>) src(%dma_wait3A_245 : memref<128xi32, #tpu.memory_space<hbm>>) dst(%arg20 : memref<128xi32, #tpu.memory_space<vmem>>)
      tpu.yield
    }) : () -> ()
    "tpu.region"() ({
      %run_scoped3A_241 = tpu.sem_alloc : memref<!tpu.dma_semaphore, #tpu.memory_space<semaphore_mem>>
      tpu.enqueue_dma source(%arg9 : memref<2x16xf32, #tpu.memory_space<hbm>>) target(%arg21 : memref<2x16xf32, #tpu.memory_space<vmem>>) target_semaphore(%run_scoped3A_241 : memref<!tpu.dma_semaphore, #tpu.memory_space<semaphore_mem>>)
      tpu.wait_dma2 semaphore(%run_scoped3A_241 : memref<!tpu.dma_semaphore, #tpu.memory_space<semaphore_mem>>) src(%arg9 : memref<2x16xf32, #tpu.memory_space<hbm>>) dst(%arg21 : memref<2x16xf32, #tpu.memory_space<vmem>>)
      tpu.yield
    }) : () -> ()
    "tpu.region"() ({
      %run_scoped3A_241 = tpu.sem_alloc : memref<!tpu.dma_semaphore, #tpu.memory_space<semaphore_mem>>
      tpu.enqueue_dma source(%arg10 : memref<7x16xf32, #tpu.memory_space<hbm>>) target(%arg22 : memref<7x16xf32, #tpu.memory_space<vmem>>) target_semaphore(%run_scoped3A_241 : memref<!tpu.dma_semaphore, #tpu.memory_space<semaphore_mem>>)
      tpu.wait_dma2 semaphore(%run_scoped3A_241 : memref<!tpu.dma_semaphore, #tpu.memory_space<semaphore_mem>>) src(%arg10 : memref<7x16xf32, #tpu.memory_space<hbm>>) dst(%arg22 : memref<7x16xf32, #tpu.memory_space<vmem>>)
      tpu.yield
    }) : () -> ()
    "tpu.region"() ({
      %run_scoped3A_241 = tpu.sem_alloc : memref<!tpu.dma_semaphore, #tpu.memory_space<semaphore_mem>>
      tpu.enqueue_dma source(%arg11 : memref<21x16xf32, #tpu.memory_space<hbm>>) target(%arg23 : memref<21x16xf32, #tpu.memory_space<vmem>>) target_semaphore(%run_scoped3A_241 : memref<!tpu.dma_semaphore, #tpu.memory_space<semaphore_mem>>)
      tpu.wait_dma2 semaphore(%run_scoped3A_241 : memref<!tpu.dma_semaphore, #tpu.memory_space<semaphore_mem>>) src(%arg11 : memref<21x16xf32, #tpu.memory_space<hbm>>) dst(%arg23 : memref<21x16xf32, #tpu.memory_space<vmem>>)
      tpu.yield
    }) : () -> ()
    %get3A = arith.constant 0 : index
    %get3A_15 = tpu.vector_load %arg17[%get3A] {strides = array<i32>} : memref<128xi32, #tpu.memory_space<vmem>>, vector<16xi32>,
    %get3A_16 = arith.constant 0 : index
    %get3A_17 = tpu.vector_load %arg18[%get3A_16] {strides = array<i32>} : memref<128xi32, #tpu.memory_space<vmem>>, vector<16xi32>,
    %get3A_18 = arith.constant 0 : index
    %get3A_19 = tpu.vector_load %arg19[%get3A_18] {strides = array<i32>} : memref<128xi32, #tpu.memory_space<vmem>>, vector<16xi32>,
    %scan3A = arith.constant 0 : i32
    %scan3A_20 = arith.constant 16 : i32
    %scan3A_21 = arith.addi %scan3A, %scan3A_20 : i32
    %scan3A_22 = arith.constant 1 : i32
    scf.for %scan3A_241 = %scan3A to %scan3A_21 step %scan3A_22  : i32 {
      %broadcast_in_dim3A_242 = vector.broadcast %scan3A_241 : i32 to vector<16xi32>
      %gather3A = tpu.vector_load_idx %arg21[%get3A_15, %broadcast_in_dim3A_242] : memref<2x16xf32, #tpu.memory_space<vmem>>[vector<16xi32>, vector<16xi32>], vector<16xf32>,
      %add3A_243 = arith.constant 64 : i32
      %add3A_244 = arith.addi %add3A_243, %scan3A_241 : i32
      %swap3A = arith.index_cast %add3A_244 : i32 to index
      %swap3A_245 = arith.constant 0 : index
      %swap3A_246 = tpu.vector_load %arg28[%swap3A, %swap3A_245] {strides = array<i32>} : memref<112x128xf32, #tpu.memory_space<vmem>>, vector<16xf32>,
      tpu.vector_store %arg28[%swap3A, %swap3A_245], %gather3A {strides = array<i32>} : memref<112x128xf32, #tpu.memory_space<vmem>>, vector<16xf32>,
      %gather3A_247 = tpu.vector_load_idx %arg22[%get3A_17, %broadcast_in_dim3A_242] : memref<7x16xf32, #tpu.memory_space<vmem>>[vector<16xi32>, vector<16xi32>], vector<16xf32>,
      %add3A_248 = arith.constant 80 : i32
      %add3A_249 = arith.addi %add3A_248, %scan3A_241 : i32
      %swap3A_250 = arith.index_cast %add3A_249 : i32 to index
      %swap3A_251 = arith.constant 0 : index
      %swap3A_252 = tpu.vector_load %arg28[%swap3A_250, %swap3A_251] {strides = array<i32>} : memref<112x128xf32, #tpu.memory_space<vmem>>, vector<16xf32>,
      tpu.vector_store %arg28[%swap3A_250, %swap3A_251], %gather3A_247 {strides = array<i32>} : memref<112x128xf32, #tpu.memory_space<vmem>>, vector<16xf32>,
      %gather3A_253 = tpu.vector_load_idx %arg23[%get3A_19, %broadcast_in_dim3A_242] : memref<21x16xf32, #tpu.memory_space<vmem>>[vector<16xi32>, vector<16xi32>], vector<16xf32>,
      %add3A_254 = arith.constant 96 : i32
      %add3A_255 = arith.addi %add3A_254, %scan3A_241 : i32
      %swap3A_256 = arith.index_cast %add3A_255 : i32 to index
      %swap3A_257 = arith.constant 0 : index
      %swap3A_258 = tpu.vector_load %arg28[%swap3A_256, %swap3A_257] {strides = array<i32>} : memref<112x128xf32, #tpu.memory_space<vmem>>, vector<16xf32>,
      tpu.vector_store %arg28[%swap3A_256, %swap3A_257], %gather3A_253 {strides = array<i32>} : memref<112x128xf32, #tpu.memory_space<vmem>>, vector<16xf32>,
    }
    %scan3A_23 = arith.constant 16 : i32
    %get3A_24 = arith.constant 16 : index
    %get3A_25 = tpu.vector_load %arg17[%get3A_24] {strides = array<i32>} : memref<128xi32, #tpu.memory_space<vmem>>, vector<16xi32>,
    %get3A_26 = arith.constant 16 : index
    %get3A_27 = tpu.vector_load %arg18[%get3A_26] {strides = array<i32>} : memref<128xi32, #tpu.memory_space<vmem>>, vector<16xi32>,
    %get3A_28 = arith.constant 16 : index
    %get3A_29 = tpu.vector_load %arg19[%get3A_28] {strides = array<i32>} : memref<128xi32, #tpu.memory_space<vmem>>, vector<16xi32>,
    %scan3A_30 = arith.constant 0 : i32
    %scan3A_31 = arith.constant 16 : i32
    %scan3A_32 = arith.addi %scan3A_30, %scan3A_31 : i32
    %scan3A_33 = arith.constant 1 : i32
    scf.for %scan3A_241 = %scan3A_30 to %scan3A_32 step %scan3A_33  : i32 {
      %broadcast_in_dim3A_242 = vector.broadcast %scan3A_241 : i32 to vector<16xi32>
      %gather3A = tpu.vector_load_idx %arg21[%get3A_25, %broadcast_in_dim3A_242] : memref<2x16xf32, #tpu.memory_space<vmem>>[vector<16xi32>, vector<16xi32>], vector<16xf32>,
      %add3A_243 = arith.constant 64 : i32
      %add3A_244 = arith.addi %add3A_243, %scan3A_241 : i32
      %swap3A = arith.index_cast %add3A_244 : i32 to index
      %swap3A_245 = arith.constant 16 : index
      %swap3A_246 = tpu.vector_load %arg28[%swap3A, %swap3A_245] {strides = array<i32>} : memref<112x128xf32, #tpu.memory_space<vmem>>, vector<16xf32>,
      tpu.vector_store %arg28[%swap3A, %swap3A_245], %gather3A {strides = array<i32>} : memref<112x128xf32, #tpu.memory_space<vmem>>, vector<16xf32>,
      %gather3A_247 = tpu.vector_load_idx %arg22[%get3A_27, %broadcast_in_dim3A_242] : memref<7x16xf32, #tpu.memory_space<vmem>>[vector<16xi32>, vector<16xi32>], vector<16xf32>,
      %add3A_248 = arith.constant 80 : i32
      %add3A_249 = arith.addi %add3A_248, %scan3A_241 : i32
      %swap3A_250 = arith.index_cast %add3A_249 : i32 to index
      %swap3A_251 = arith.constant 16 : index
      %swap3A_252 = tpu.vector_load %arg28[%swap3A_250, %swap3A_251] {strides = array<i32>} : memref<112x128xf32, #tpu.memory_space<vmem>>, vector<16xf32>,
      tpu.vector_store %arg28[%swap3A_250, %swap3A_251], %gather3A_247 {strides = array<i32>} : memref<112x128xf32, #tpu.memory_space<vmem>>, vector<16xf32>,
      %gather3A_253 = tpu.vector_load_idx %arg23[%get3A_29, %broadcast_in_dim3A_242] : memref<21x16xf32, #tpu.memory_space<vmem>>[vector<16xi32>, vector<16xi32>], vector<16xf32>,
      %add3A_254 = arith.constant 96 : i32
      %add3A_255 = arith.addi %add3A_254, %scan3A_241 : i32
      %swap3A_256 = arith.index_cast %add3A_255 : i32 to index
      %swap3A_257 = arith.constant 16 : index
      %swap3A_258 = tpu.vector_load %arg28[%swap3A_256, %swap3A_257] {strides = array<i32>} : memref<112x128xf32, #tpu.memory_space<vmem>>, vector<16xf32>,
      tpu.vector_store %arg28[%swap3A_256, %swap3A_257], %gather3A_253 {strides = array<i32>} : memref<112x128xf32, #tpu.memory_space<vmem>>, vector<16xf32>,
    }
    %scan3A_34 = arith.constant 16 : i32
    %get3A_35 = arith.constant 32 : index
    %get3A_36 = tpu.vector_load %arg17[%get3A_35] {strides = array<i32>} : memref<128xi32, #tpu.memory_space<vmem>>, vector<16xi32>,
    %get3A_37 = arith.constant 32 : index
    %get3A_38 = tpu.vector_load %arg18[%get3A_37] {strides = array<i32>} : memref<128xi32, #tpu.memory_space<vmem>>, vector<16xi32>,
    %get3A_39 = arith.constant 32 : index
    %get3A_40 = tpu.vector_load %arg19[%get3A_39] {strides = array<i32>} : memref<128xi32, #tpu.memory_space<vmem>>, vector<16xi32>,
    %scan3A_41 = arith.constant 0 : i32
    %scan3A_42 = arith.constant 16 : i32
    %scan3A_43 = arith.addi %scan3A_41, %scan3A_42 : i32
    %scan3A_44 = arith.constant 1 : i32
    scf.for %scan3A_241 = %scan3A_41 to %scan3A_43 step %scan3A_44  : i32 {
      %broadcast_in_dim3A_242 = vector.broadcast %scan3A_241 : i32 to vector<16xi32>
      %gather3A = tpu.vector_load_idx %arg21[%get3A_36, %broadcast_in_dim3A_242] : memref<2x16xf32, #tpu.memory_space<vmem>>[vector<16xi32>, vector<16xi32>], vector<16xf32>,
      %add3A_243 = arith.constant 64 : i32
      %add3A_244 = arith.addi %add3A_243, %scan3A_241 : i32
      %swap3A = arith.index_cast %add3A_244 : i32 to index
      %swap3A_245 = arith.constant 32 : index
      %swap3A_246 = tpu.vector_load %arg28[%swap3A, %swap3A_245] {strides = array<i32>} : memref<112x128xf32, #tpu.memory_space<vmem>>, vector<16xf32>,
      tpu.vector_store %arg28[%swap3A, %swap3A_245], %gather3A {strides = array<i32>} : memref<112x128xf32, #tpu.memory_space<vmem>>, vector<16xf32>,
      %gather3A_247 = tpu.vector_load_idx %arg22[%get3A_38, %broadcast_in_dim3A_242] : memref<7x16xf32, #tpu.memory_space<vmem>>[vector<16xi32>, vector<16xi32>], vector<16xf32>,
      %add3A_248 = arith.constant 80 : i32
      %add3A_249 = arith.addi %add3A_248, %scan3A_241 : i32
      %swap3A_250 = arith.index_cast %add3A_249 : i32 to index
      %swap3A_251 = arith.constant 32 : index
      %swap3A_252 = tpu.vector_load %arg28[%swap3A_250, %swap3A_251] {strides = array<i32>} : memref<112x128xf32, #tpu.memory_space<vmem>>, vector<16xf32>,
      tpu.vector_store %arg28[%swap3A_250, %swap3A_251], %gather3A_247 {strides = array<i32>} : memref<112x128xf32, #tpu.memory_space<vmem>>, vector<16xf32>,
      %gather3A_253 = tpu.vector_load_idx %arg23[%get3A_40, %broadcast_in_dim3A_242] : memref<21x16xf32, #tpu.memory_space<vmem>>[vector<16xi32>, vector<16xi32>], vector<16xf32>,
      %add3A_254 = arith.constant 96 : i32
      %add3A_255 = arith.addi %add3A_254, %scan3A_241 : i32
      %swap3A_256 = arith.index_cast %add3A_255 : i32 to index
      %swap3A_257 = arith.constant 32 : index
      %swap3A_258 = tpu.vector_load %arg28[%swap3A_256, %swap3A_257] {strides = array<i32>} : memref<112x128xf32, #tpu.memory_space<vmem>>, vector<16xf32>,
      tpu.vector_store %arg28[%swap3A_256, %swap3A_257], %gather3A_253 {strides = array<i32>} : memref<112x128xf32, #tpu.memory_space<vmem>>, vector<16xf32>,
    }
    %scan3A_45 = arith.constant 16 : i32
    %get3A_46 = arith.constant 48 : index
    %get3A_47 = tpu.vector_load %arg17[%get3A_46] {strides = array<i32>} : memref<128xi32, #tpu.memory_space<vmem>>, vector<16xi32>,
    %get3A_48 = arith.constant 48 : index
    %get3A_49 = tpu.vector_load %arg18[%get3A_48] {strides = array<i32>} : memref<128xi32, #tpu.memory_space<vmem>>, vector<16xi32>,
    %get3A_50 = arith.constant 48 : index
    %get3A_51 = tpu.vector_load %arg19[%get3A_50] {strides = array<i32>} : memref<128xi32, #tpu.memory_space<vmem>>, vector<16xi32>,
    %scan3A_52 = arith.constant 0 : i32
    %scan3A_53 = arith.constant 16 : i32
    %scan3A_54 = arith.addi %scan3A_52, %scan3A_53 : i32
    %scan3A_55 = arith.constant 1 : i32
    scf.for %scan3A_241 = %scan3A_52 to %scan3A_54 step %scan3A_55  : i32 {
      %broadcast_in_dim3A_242 = vector.broadcast %scan3A_241 : i32 to vector<16xi32>
      %gather3A = tpu.vector_load_idx %arg21[%get3A_47, %broadcast_in_dim3A_242] : memref<2x16xf32, #tpu.memory_space<vmem>>[vector<16xi32>, vector<16xi32>], vector<16xf32>,
      %add3A_243 = arith.constant 64 : i32
      %add3A_244 = arith.addi %add3A_243, %scan3A_241 : i32
      %swap3A = arith.index_cast %add3A_244 : i32 to index
      %swap3A_245 = arith.constant 48 : index
      %swap3A_246 = tpu.vector_load %arg28[%swap3A, %swap3A_245] {strides = array<i32>} : memref<112x128xf32, #tpu.memory_space<vmem>>, vector<16xf32>,
      tpu.vector_store %arg28[%swap3A, %swap3A_245], %gather3A {strides = array<i32>} : memref<112x128xf32, #tpu.memory_space<vmem>>, vector<16xf32>,
      %gather3A_247 = tpu.vector_load_idx %arg22[%get3A_49, %broadcast_in_dim3A_242] : memref<7x16xf32, #tpu.memory_space<vmem>>[vector<16xi32>, vector<16xi32>], vector<16xf32>,
      %add3A_248 = arith.constant 80 : i32
      %add3A_249 = arith.addi %add3A_248, %scan3A_241 : i32
      %swap3A_250 = arith.index_cast %add3A_249 : i32 to index
      %swap3A_251 = arith.constant 48 : index
      %swap3A_252 = tpu.vector_load %arg28[%swap3A_250, %swap3A_251] {strides = array<i32>} : memref<112x128xf32, #tpu.memory_space<vmem>>, vector<16xf32>,
      tpu.vector_store %arg28[%swap3A_250, %swap3A_251], %gather3A_247 {strides = array<i32>} : memref<112x128xf32, #tpu.memory_space<vmem>>, vector<16xf32>,
      %gather3A_253 = tpu.vector_load_idx %arg23[%get3A_51, %broadcast_in_dim3A_242] : memref<21x16xf32, #tpu.memory_space<vmem>>[vector<16xi32>, vector<16xi32>], vector<16xf32>,
      %add3A_254 = arith.constant 96 : i32
      %add3A_255 = arith.addi %add3A_254, %scan3A_241 : i32
      %swap3A_256 = arith.index_cast %add3A_255 : i32 to index
      %swap3A_257 = arith.constant 48 : index
      %swap3A_258 = tpu.vector_load %arg28[%swap3A_256, %swap3A_257] {strides = array<i32>} : memref<112x128xf32, #tpu.memory_space<vmem>>, vector<16xf32>,
      tpu.vector_store %arg28[%swap3A_256, %swap3A_257], %gather3A_253 {strides = array<i32>} : memref<112x128xf32, #tpu.memory_space<vmem>>, vector<16xf32>,
    }
    %scan3A_56 = arith.constant 16 : i32
    %get3A_57 = arith.constant 64 : index
    %get3A_58 = tpu.vector_load %arg17[%get3A_57] {strides = array<i32>} : memref<128xi32, #tpu.memory_space<vmem>>, vector<16xi32>,
    %get3A_59 = arith.constant 64 : index
    %get3A_60 = tpu.vector_load %arg18[%get3A_59] {strides = array<i32>} : memref<128xi32, #tpu.memory_space<vmem>>, vector<16xi32>,
    %get3A_61 = arith.constant 64 : index
    %get3A_62 = tpu.vector_load %arg19[%get3A_61] {strides = array<i32>} : memref<128xi32, #tpu.memory_space<vmem>>, vector<16xi32>,
    %scan3A_63 = arith.constant 0 : i32
    %scan3A_64 = arith.constant 16 : i32
    %scan3A_65 = arith.addi %scan3A_63, %scan3A_64 : i32
    %scan3A_66 = arith.constant 1 : i32
    scf.for %scan3A_241 = %scan3A_63 to %scan3A_65 step %scan3A_66  : i32 {
      %broadcast_in_dim3A_242 = vector.broadcast %scan3A_241 : i32 to vector<16xi32>
      %gather3A = tpu.vector_load_idx %arg21[%get3A_58, %broadcast_in_dim3A_242] : memref<2x16xf32, #tpu.memory_space<vmem>>[vector<16xi32>, vector<16xi32>], vector<16xf32>,
      %add3A_243 = arith.constant 64 : i32
      %add3A_244 = arith.addi %add3A_243, %scan3A_241 : i32
      %swap3A = arith.index_cast %add3A_244 : i32 to index
      %swap3A_245 = arith.constant 64 : index
      %swap3A_246 = tpu.vector_load %arg28[%swap3A, %swap3A_245] {strides = array<i32>} : memref<112x128xf32, #tpu.memory_space<vmem>>, vector<16xf32>,
      tpu.vector_store %arg28[%swap3A, %swap3A_245], %gather3A {strides = array<i32>} : memref<112x128xf32, #tpu.memory_space<vmem>>, vector<16xf32>,
      %gather3A_247 = tpu.vector_load_idx %arg22[%get3A_60, %broadcast_in_dim3A_242] : memref<7x16xf32, #tpu.memory_space<vmem>>[vector<16xi32>, vector<16xi32>], vector<16xf32>,
      %add3A_248 = arith.constant 80 : i32
      %add3A_249 = arith.addi %add3A_248, %scan3A_241 : i32
      %swap3A_250 = arith.index_cast %add3A_249 : i32 to index
      %swap3A_251 = arith.constant 64 : index
      %swap3A_252 = tpu.vector_load %arg28[%swap3A_250, %swap3A_251] {strides = array<i32>} : memref<112x128xf32, #tpu.memory_space<vmem>>, vector<16xf32>,
      tpu.vector_store %arg28[%swap3A_250, %swap3A_251], %gather3A_247 {strides = array<i32>} : memref<112x128xf32, #tpu.memory_space<vmem>>, vector<16xf32>,
      %gather3A_253 = tpu.vector_load_idx %arg23[%get3A_62, %broadcast_in_dim3A_242] : memref<21x16xf32, #tpu.memory_space<vmem>>[vector<16xi32>, vector<16xi32>], vector<16xf32>,
      %add3A_254 = arith.constant 96 : i32
      %add3A_255 = arith.addi %add3A_254, %scan3A_241 : i32
      %swap3A_256 = arith.index_cast %add3A_255 : i32 to index
      %swap3A_257 = arith.constant 64 : index
      %swap3A_258 = tpu.vector_load %arg28[%swap3A_256, %swap3A_257] {strides = array<i32>} : memref<112x128xf32, #tpu.memory_space<vmem>>, vector<16xf32>,
      tpu.vector_store %arg28[%swap3A_256, %swap3A_257], %gather3A_253 {strides = array<i32>} : memref<112x128xf32, #tpu.memory_space<vmem>>, vector<16xf32>,
    }
    %scan3A_67 = arith.constant 16 : i32
    %get3A_68 = arith.constant 80 : index
    %get3A_69 = tpu.vector_load %arg17[%get3A_68] {strides = array<i32>} : memref<128xi32, #tpu.memory_space<vmem>>, vector<16xi32>,
    %get3A_70 = arith.constant 80 : index
    %get3A_71 = tpu.vector_load %arg18[%get3A_70] {strides = array<i32>} : memref<128xi32, #tpu.memory_space<vmem>>, vector<16xi32>,
    %get3A_72 = arith.constant 80 : index
    %get3A_73 = tpu.vector_load %arg19[%get3A_72] {strides = array<i32>} : memref<128xi32, #tpu.memory_space<vmem>>, vector<16xi32>,
    %scan3A_74 = arith.constant 0 : i32
    %scan3A_75 = arith.constant 16 : i32
    %scan3A_76 = arith.addi %scan3A_74, %scan3A_75 : i32
    %scan3A_77 = arith.constant 1 : i32
    scf.for %scan3A_241 = %scan3A_74 to %scan3A_76 step %scan3A_77  : i32 {
      %broadcast_in_dim3A_242 = vector.broadcast %scan3A_241 : i32 to vector<16xi32>
      %gather3A = tpu.vector_load_idx %arg21[%get3A_69, %broadcast_in_dim3A_242] : memref<2x16xf32, #tpu.memory_space<vmem>>[vector<16xi32>, vector<16xi32>], vector<16xf32>,
      %add3A_243 = arith.constant 64 : i32
      %add3A_244 = arith.addi %add3A_243, %scan3A_241 : i32
      %swap3A = arith.index_cast %add3A_244 : i32 to index
      %swap3A_245 = arith.constant 80 : index
      %swap3A_246 = tpu.vector_load %arg28[%swap3A, %swap3A_245] {strides = array<i32>} : memref<112x128xf32, #tpu.memory_space<vmem>>, vector<16xf32>,
      tpu.vector_store %arg28[%swap3A, %swap3A_245], %gather3A {strides = array<i32>} : memref<112x128xf32, #tpu.memory_space<vmem>>, vector<16xf32>,
      %gather3A_247 = tpu.vector_load_idx %arg22[%get3A_71, %broadcast_in_dim3A_242] : memref<7x16xf32, #tpu.memory_space<vmem>>[vector<16xi32>, vector<16xi32>], vector<16xf32>,
      %add3A_248 = arith.constant 80 : i32
      %add3A_249 = arith.addi %add3A_248, %scan3A_241 : i32
      %swap3A_250 = arith.index_cast %add3A_249 : i32 to index
      %swap3A_251 = arith.constant 80 : index
      %swap3A_252 = tpu.vector_load %arg28[%swap3A_250, %swap3A_251] {strides = array<i32>} : memref<112x128xf32, #tpu.memory_space<vmem>>, vector<16xf32>,
      tpu.vector_store %arg28[%swap3A_250, %swap3A_251], %gather3A_247 {strides = array<i32>} : memref<112x128xf32, #tpu.memory_space<vmem>>, vector<16xf32>,
      %gather3A_253 = tpu.vector_load_idx %arg23[%get3A_73, %broadcast_in_dim3A_242] : memref<21x16xf32, #tpu.memory_space<vmem>>[vector<16xi32>, vector<16xi32>], vector<16xf32>,
      %add3A_254 = arith.constant 96 : i32
      %add3A_255 = arith.addi %add3A_254, %scan3A_241 : i32
      %swap3A_256 = arith.index_cast %add3A_255 : i32 to index
      %swap3A_257 = arith.constant 80 : index
      %swap3A_258 = tpu.vector_load %arg28[%swap3A_256, %swap3A_257] {strides = array<i32>} : memref<112x128xf32, #tpu.memory_space<vmem>>, vector<16xf32>,
      tpu.vector_store %arg28[%swap3A_256, %swap3A_257], %gather3A_253 {strides = array<i32>} : memref<112x128xf32, #tpu.memory_space<vmem>>, vector<16xf32>,
    }
    %scan3A_78 = arith.constant 16 : i32
    %get3A_79 = arith.constant 96 : index
    %get3A_80 = tpu.vector_load %arg17[%get3A_79] {strides = array<i32>} : memref<128xi32, #tpu.memory_space<vmem>>, vector<16xi32>,
    %get3A_81 = arith.constant 96 : index
    %get3A_82 = tpu.vector_load %arg18[%get3A_81] {strides = array<i32>} : memref<128xi32, #tpu.memory_space<vmem>>, vector<16xi32>,
    %get3A_83 = arith.constant 96 : index
    %get3A_84 = tpu.vector_load %arg19[%get3A_83] {strides = array<i32>} : memref<128xi32, #tpu.memory_space<vmem>>, vector<16xi32>,
    %scan3A_85 = arith.constant 0 : i32
    %scan3A_86 = arith.constant 16 : i32
    %scan3A_87 = arith.addi %scan3A_85, %scan3A_86 : i32
    %scan3A_88 = arith.constant 1 : i32
    scf.for %scan3A_241 = %scan3A_85 to %scan3A_87 step %scan3A_88  : i32 {
      %broadcast_in_dim3A_242 = vector.broadcast %scan3A_241 : i32 to vector<16xi32>
      %gather3A = tpu.vector_load_idx %arg21[%get3A_80, %broadcast_in_dim3A_242] : memref<2x16xf32, #tpu.memory_space<vmem>>[vector<16xi32>, vector<16xi32>], vector<16xf32>,
      %add3A_243 = arith.constant 64 : i32
      %add3A_244 = arith.addi %add3A_243, %scan3A_241 : i32
      %swap3A = arith.index_cast %add3A_244 : i32 to index
      %swap3A_245 = arith.constant 96 : index
      %swap3A_246 = tpu.vector_load %arg28[%swap3A, %swap3A_245] {strides = array<i32>} : memref<112x128xf32, #tpu.memory_space<vmem>>, vector<16xf32>,
      tpu.vector_store %arg28[%swap3A, %swap3A_245], %gather3A {strides = array<i32>} : memref<112x128xf32, #tpu.memory_space<vmem>>, vector<16xf32>,
      %gather3A_247 = tpu.vector_load_idx %arg22[%get3A_82, %broadcast_in_dim3A_242] : memref<7x16xf32, #tpu.memory_space<vmem>>[vector<16xi32>, vector<16xi32>], vector<16xf32>,
      %add3A_248 = arith.constant 80 : i32
      %add3A_249 = arith.addi %add3A_248, %scan3A_241 : i32
      %swap3A_250 = arith.index_cast %add3A_249 : i32 to index
      %swap3A_251 = arith.constant 96 : index
      %swap3A_252 = tpu.vector_load %arg28[%swap3A_250, %swap3A_251] {strides = array<i32>} : memref<112x128xf32, #tpu.memory_space<vmem>>, vector<16xf32>,
      tpu.vector_store %arg28[%swap3A_250, %swap3A_251], %gather3A_247 {strides = array<i32>} : memref<112x128xf32, #tpu.memory_space<vmem>>, vector<16xf32>,
      %gather3A_253 = tpu.vector_load_idx %arg23[%get3A_84, %broadcast_in_dim3A_242] : memref<21x16xf32, #tpu.memory_space<vmem>>[vector<16xi32>, vector<16xi32>], vector<16xf32>,
      %add3A_254 = arith.constant 96 : i32
      %add3A_255 = arith.addi %add3A_254, %scan3A_241 : i32
      %swap3A_256 = arith.index_cast %add3A_255 : i32 to index
      %swap3A_257 = arith.constant 96 : index
      %swap3A_258 = tpu.vector_load %arg28[%swap3A_256, %swap3A_257] {strides = array<i32>} : memref<112x128xf32, #tpu.memory_space<vmem>>, vector<16xf32>,
      tpu.vector_store %arg28[%swap3A_256, %swap3A_257], %gather3A_253 {strides = array<i32>} : memref<112x128xf32, #tpu.memory_space<vmem>>, vector<16xf32>,
    }
    %scan3A_89 = arith.constant 16 : i32
    %get3A_90 = arith.constant 112 : index
    %get3A_91 = tpu.vector_load %arg17[%get3A_90] {strides = array<i32>} : memref<128xi32, #tpu.memory_space<vmem>>, vector<16xi32>,
    %get3A_92 = arith.constant 112 : index
    %get3A_93 = tpu.vector_load %arg18[%get3A_92] {strides = array<i32>} : memref<128xi32, #tpu.memory_space<vmem>>, vector<16xi32>,
    %get3A_94 = arith.constant 112 : index
    %get3A_95 = tpu.vector_load %arg19[%get3A_94] {strides = array<i32>} : memref<128xi32, #tpu.memory_space<vmem>>, vector<16xi32>,
    %scan3A_96 = arith.constant 0 : i32
    %scan3A_97 = arith.constant 16 : i32
    %scan3A_98 = arith.addi %scan3A_96, %scan3A_97 : i32
    %scan3A_99 = arith.constant 1 : i32
    scf.for %scan3A_241 = %scan3A_96 to %scan3A_98 step %scan3A_99  : i32 {
      %broadcast_in_dim3A_242 = vector.broadcast %scan3A_241 : i32 to vector<16xi32>
      %gather3A = tpu.vector_load_idx %arg21[%get3A_91, %broadcast_in_dim3A_242] : memref<2x16xf32, #tpu.memory_space<vmem>>[vector<16xi32>, vector<16xi32>], vector<16xf32>,
      %add3A_243 = arith.constant 64 : i32
      %add3A_244 = arith.addi %add3A_243, %scan3A_241 : i32
      %swap3A = arith.index_cast %add3A_244 : i32 to index
      %swap3A_245 = arith.constant 112 : index
      %swap3A_246 = tpu.vector_load %arg28[%swap3A, %swap3A_245] {strides = array<i32>} : memref<112x128xf32, #tpu.memory_space<vmem>>, vector<16xf32>,
      tpu.vector_store %arg28[%swap3A, %swap3A_245], %gather3A {strides = array<i32>} : memref<112x128xf32, #tpu.memory_space<vmem>>, vector<16xf32>,
      %gather3A_247 = tpu.vector_load_idx %arg22[%get3A_93, %broadcast_in_dim3A_242] : memref<7x16xf32, #tpu.memory_space<vmem>>[vector<16xi32>, vector<16xi32>], vector<16xf32>,
      %add3A_248 = arith.constant 80 : i32
      %add3A_249 = arith.addi %add3A_248, %scan3A_241 : i32
      %swap3A_250 = arith.index_cast %add3A_249 : i32 to index
      %swap3A_251 = arith.constant 112 : index
      %swap3A_252 = tpu.vector_load %arg28[%swap3A_250, %swap3A_251] {strides = array<i32>} : memref<112x128xf32, #tpu.memory_space<vmem>>, vector<16xf32>,
      tpu.vector_store %arg28[%swap3A_250, %swap3A_251], %gather3A_247 {strides = array<i32>} : memref<112x128xf32, #tpu.memory_space<vmem>>, vector<16xf32>,
      %gather3A_253 = tpu.vector_load_idx %arg23[%get3A_95, %broadcast_in_dim3A_242] : memref<21x16xf32, #tpu.memory_space<vmem>>[vector<16xi32>, vector<16xi32>], vector<16xf32>,
      %add3A_254 = arith.constant 96 : i32
      %add3A_255 = arith.addi %add3A_254, %scan3A_241 : i32
      %swap3A_256 = arith.index_cast %add3A_255 : i32 to index
      %swap3A_257 = arith.constant 112 : index
      %swap3A_258 = tpu.vector_load %arg28[%swap3A_256, %swap3A_257] {strides = array<i32>} : memref<112x128xf32, #tpu.memory_space<vmem>>, vector<16xf32>,
      tpu.vector_store %arg28[%swap3A_256, %swap3A_257], %gather3A_253 {strides = array<i32>} : memref<112x128xf32, #tpu.memory_space<vmem>>, vector<16xf32>,
    }
    %scan3A_100 = arith.constant 16 : i32
    %get3A_101 = arith.constant 0 : index
    %get3A_102 = tpu.vector_load %arg16[%get3A_101] {strides = array<i32>} : memref<128xi32, #tpu.memory_space<vmem>>, vector<16xi32>,
    %eq3A = arith.constant 0 : i32
    %eq3A_103 = vector.broadcast %eq3A : i32 to vector<16xi32>
    %eq3A_104 = arith.cmpi eq, %iota3A, %eq3A_103 : vector<16xi32>
    %jit3A = arith.constant 0 : i32
    %broadcast_in_dim3A = vector.broadcast %jit3A : i32 to vector<16xi32>
    %select_n3A = arith.select %eq3A_104, %get3A_102, %broadcast_in_dim3A : vector<16xi1>, vector<16xi32>
    %reduce_max3A = arith.constant true
    %reduce_max3A_105 = vector.broadcast %reduce_max3A : i1 to vector<16xi1>
    %reduce_max3A_106 = arith.constant -2147483648 : i32
    %reduce_max3A_107 = vector.broadcast %reduce_max3A_106 : i32 to vector<16xi32>
    %reduce_max3A_108 = arith.xori %select_n3A, %reduce_max3A_107 : vector<16xi32>
    %reduce_max3A_109 = tpu.scan <max>, %reduce_max3A_108 masked %reduce_max3A_105 : vector<16xi32>, vector<16xi1> -> vector<16xi32>
    %reduce_max3A_110 = arith.xori %reduce_max3A_109, %reduce_max3A_107 : vector<16xi32>
    %reduce_max3A_111 = vector.extract %reduce_max3A_110[15] : i32 from vector<16xi32>
    %shift_right_arithmetic3A = arith.constant 7 : i32
    %shift_right_arithmetic3A_112 = arith.shrsi %reduce_max3A_111, %shift_right_arithmetic3A : i32
    %shift_left3A = arith.constant 7 : i32
    %shift_left3A_113 = arith.shli %shift_right_arithmetic3A_112, %shift_left3A : i32
    %min3A = arith.constant 999936 : i32
    %min3A_114 = arith.minsi %shift_left3A_113, %min3A : i32
    %multiple_of3A_115 = tpu.assume_multiple %min3A_114, 128 : i32
    %sub3A = arith.subi %reduce_max3A_111, %multiple_of3A_115 : i32
    %dma_start3A = arith.constant 0 : i32
    %dma_start3A_116 = arith.constant 0 : i32
    %dma_start3A_117 = arith.constant 0 : i32
    %dma_start3A_118 = tpu.memref_slice %arg27[%dma_start3A, %dma_start3A_116, %dma_start3A_117] : memref<2x64x128xf32, #tpu.memory_space<vmem>> -> memref<1x64x128xf32, #tpu.memory_space<vmem>>
    %dma_start3A_119 = tpu.memref_squeeze %dma_start3A_118 : memref<1x64x128xf32, #tpu.memory_space<vmem>> -> memref<64x128xf32, #tpu.memory_space<vmem>>
    %dma_start3A_120 = arith.constant 0 : i32
    %dma_start3A_121 = tpu.memref_slice %arg8[%dma_start3A_120, %multiple_of3A_115] : memref<64x1000000xf32, #tpu.memory_space<hbm>> -> memref<64x128xf32, #tpu.memory_space<hbm>>
    %dma_start3A_122 = arith.constant 0 : i32
    %dma_start3A_123 = arith.constant 0 : i32
    %dma_start3A_124 = tpu.memref_slice %arg27[%dma_start3A, %dma_start3A_122, %dma_start3A_123] : memref<2x64x128xf32, #tpu.memory_space<vmem>> -> memref<1x64x128xf32, #tpu.memory_space<vmem>>
    %dma_start3A_125 = tpu.memref_squeeze %dma_start3A_124 : memref<1x64x128xf32, #tpu.memory_space<vmem>> -> memref<64x128xf32, #tpu.memory_space<vmem>>
    %dma_start3A_126 = arith.constant 0 : i32
    %dma_start3A_127 = tpu.memref_slice %arg8[%dma_start3A_126, %multiple_of3A_115] : memref<64x1000000xf32, #tpu.memory_space<hbm>> -> memref<64x128xf32, #tpu.memory_space<hbm>>
    tpu.enqueue_dma source(%dma_start3A_127 : memref<64x128xf32, #tpu.memory_space<hbm>>) target(%dma_start3A_125 : memref<64x128xf32, #tpu.memory_space<vmem>>) target_semaphore(%arg32 : memref<!tpu.dma_semaphore, #tpu.memory_space<semaphore_mem>>)
    %scan3A_128 = arith.constant 0 : i32
    %scan3A_129 = arith.constant 128 : i32
    %scan3A_130 = arith.addi %scan3A_128, %scan3A_129 : i32
    %scan3A_131 = arith.constant 1 : i32
    scf.for %scan3A_241 = %scan3A_128 to %scan3A_130 step %scan3A_131  : i32 {
      %jit3A_242 = arith.constant 2 : i32
      %eq3A_243 = arith.constant 0 : i32
      %eq3A_244 = arith.cmpi eq, %jit3A_242, %eq3A_243 : i32
      %jit3A_245 = arith.constant 1 : i32
      %select_n3A_246 = arith.select %eq3A_244, %jit3A_245, %jit3A_242 : i32
      %rem3A = arith.remsi %scan3A_241, %select_n3A_246 : i32
      %ne3A = arith.constant 0 : i32
      %ne3A_247 = arith.cmpi ne, %rem3A, %ne3A : i32
      %lt3A = arith.constant 0 : i32
      %lt3A_248 = arith.cmpi slt, %rem3A, %lt3A : i32
      %lt3A_249 = arith.constant 0 : i32
      %lt3A_250 = arith.cmpi slt, %select_n3A_246, %lt3A_249 : i32
      %ne3A_251 = arith.xori %lt3A_248, %lt3A_250 : i1
      %and3A = arith.andi %ne3A_251, %ne3A_247 : i1
      %add3A_252 = arith.addi %rem3A, %select_n3A_246 : i32
      %select_n3A_253 = arith.select %and3A, %add3A_252, %rem3A : i32
      %shift_right_arithmetic3A_254 = arith.constant 4 : i32
      %shift_right_arithmetic3A_255 = arith.shrsi %scan3A_241, %shift_right_arithmetic3A_254 : i32
      %shift_left3A_256 = arith.constant 4 : i32
      %shift_left3A_257 = arith.shli %shift_right_arithmetic3A_255, %shift_left3A_256 : i32
      %get3A_258 = arith.index_cast %shift_left3A_257 : i32 to index
      %get3A_259 = tpu.vector_load %arg16[%get3A_258] {strides = array<i32>} : memref<128xi32, #tpu.memory_space<vmem>>, vector<16xi32>,
      %sub3A_260 = arith.subi %scan3A_241, %shift_left3A_257 : i32
      %eq3A_261 = vector.broadcast %sub3A_260 : i32 to vector<16xi32>
      %eq3A_262 = arith.cmpi eq, %iota3A, %eq3A_261 : vector<16xi32>
      %jit3A_263 = arith.constant 0 : i32
      %broadcast_in_dim3A_264 = vector.broadcast %jit3A_263 : i32 to vector<16xi32>
      %select_n3A_265 = arith.select %eq3A_262, %get3A_259, %broadcast_in_dim3A_264 : vector<16xi1>, vector<16xi32>
      %reduce_max3A_266 = arith.constant true
      %reduce_max3A_267 = vector.broadcast %reduce_max3A_266 : i1 to vector<16xi1>
      %reduce_max3A_268 = arith.constant -2147483648 : i32
      %reduce_max3A_269 = vector.broadcast %reduce_max3A_268 : i32 to vector<16xi32>
      %reduce_max3A_270 = arith.xori %select_n3A_265, %reduce_max3A_269 : vector<16xi32>
      %reduce_max3A_271 = tpu.scan <max>, %reduce_max3A_270 masked %reduce_max3A_267 : vector<16xi32>, vector<16xi1> -> vector<16xi32>
      %reduce_max3A_272 = arith.xori %reduce_max3A_271, %reduce_max3A_269 : vector<16xi32>
      %reduce_max3A_273 = vector.extract %reduce_max3A_272[15] : i32 from vector<16xi32>
      %shift_right_arithmetic3A_274 = arith.constant 7 : i32
      %shift_right_arithmetic3A_275 = arith.shrsi %reduce_max3A_273, %shift_right_arithmetic3A_274 : i32
      %shift_left3A_276 = arith.constant 7 : i32
      %shift_left3A_277 = arith.shli %shift_right_arithmetic3A_275, %shift_left3A_276 : i32
      %min3A_278 = arith.constant 999936 : i32
      %min3A_279 = arith.minsi %shift_left3A_277, %min3A_278 : i32
      %multiple_of3A_280 = tpu.assume_multiple %min3A_279, 128 : i32
      %sub3A_281 = arith.subi %reduce_max3A_273, %multiple_of3A_280 : i32
      %dma_wait3A_282 = arith.constant 0 : i32
      %dma_wait3A_283 = arith.constant 0 : i32
      %dma_wait3A_284 = tpu.memref_slice %arg27[%select_n3A_253, %dma_wait3A_282, %dma_wait3A_283] : memref<2x64x128xf32, #tpu.memory_space<vmem>> -> memref<1x64x128xf32, #tpu.memory_space<vmem>>
      %dma_wait3A_285 = tpu.memref_squeeze %dma_wait3A_284 : memref<1x64x128xf32, #tpu.memory_space<vmem>> -> memref<64x128xf32, #tpu.memory_space<vmem>>
      %dma_wait3A_286 = arith.constant 0 : i32
      %dma_wait3A_287 = arith.constant 0 : i32
      %dma_wait3A_288 = tpu.memref_slice %arg8[%dma_wait3A_286, %dma_wait3A_287] : memref<64x1000000xf32, #tpu.memory_space<hbm>> -> memref<64x128xf32, #tpu.memory_space<hbm>>
      %dma_wait3A_289 = arith.constant 0 : i32
      %dma_wait3A_290 = arith.constant 0 : i32
      %dma_wait3A_291 = tpu.memref_slice %arg27[%select_n3A_253, %dma_wait3A_289, %dma_wait3A_290] : memref<2x64x128xf32, #tpu.memory_space<vmem>> -> memref<1x64x128xf32, #tpu.memory_space<vmem>>
      %dma_wait3A_292 = tpu.memref_squeeze %dma_wait3A_291 : memref<1x64x128xf32, #tpu.memory_space<vmem>> -> memref<64x128xf32, #tpu.memory_space<vmem>>
      %dma_wait3A_293 = arith.constant 0 : i32
      %dma_wait3A_294 = arith.constant 0 : i32
      %dma_wait3A_295 = tpu.memref_slice %arg8[%dma_wait3A_293, %dma_wait3A_294] : memref<64x1000000xf32, #tpu.memory_space<hbm>> -> memref<64x128xf32, #tpu.memory_space<hbm>>
      tpu.wait_dma2 semaphore(%arg32 : memref<!tpu.dma_semaphore, #tpu.memory_space<semaphore_mem>>) src(%dma_wait3A_295 : memref<64x128xf32, #tpu.memory_space<hbm>>) dst(%dma_wait3A_292 : memref<64x128xf32, #tpu.memory_space<vmem>>)
      %lt3A_296 = arith.constant 127 : i32
      %lt3A_297 = arith.cmpi slt, %scan3A_241, %lt3A_296 : i32
      %convert_element_type3A = arith.extui %lt3A_297 : i1 to i32
      %cond3A = arith.constant 0 : i32
      %cond3A_298 = arith.cmpi ne, %convert_element_type3A, %cond3A : i32
      scf.if %cond3A_298 {
        %add3A_317 = arith.constant 1 : i32
        %add3A_318 = arith.addi %scan3A_241, %add3A_317 : i32
        %shift_right_arithmetic3A_319 = arith.constant 4 : i32
        %shift_right_arithmetic3A_320 = arith.shrsi %add3A_318, %shift_right_arithmetic3A_319 : i32
        %shift_left3A_321 = arith.constant 4 : i32
        %shift_left3A_322 = arith.shli %shift_right_arithmetic3A_320, %shift_left3A_321 : i32
        %get3A_323 = arith.index_cast %shift_left3A_322 : i32 to index
        %get3A_324 = tpu.vector_load %arg16[%get3A_323] {strides = array<i32>} : memref<128xi32, #tpu.memory_space<vmem>>, vector<16xi32>,
        %sub3A_325 = arith.subi %add3A_318, %shift_left3A_322 : i32
        %eq3A_326 = vector.broadcast %sub3A_325 : i32 to vector<16xi32>
        %eq3A_327 = arith.cmpi eq, %iota3A, %eq3A_326 : vector<16xi32>
        %jit3A_328 = arith.constant 0 : i32
        %broadcast_in_dim3A_329 = vector.broadcast %jit3A_328 : i32 to vector<16xi32>
        %select_n3A_330 = arith.select %eq3A_327, %get3A_324, %broadcast_in_dim3A_329 : vector<16xi1>, vector<16xi32>
        %reduce_max3A_331 = arith.constant true
        %reduce_max3A_332 = vector.broadcast %reduce_max3A_331 : i1 to vector<16xi1>
        %reduce_max3A_333 = arith.constant -2147483648 : i32
        %reduce_max3A_334 = vector.broadcast %reduce_max3A_333 : i32 to vector<16xi32>
        %reduce_max3A_335 = arith.xori %select_n3A_330, %reduce_max3A_334 : vector<16xi32>
        %reduce_max3A_336 = tpu.scan <max>, %reduce_max3A_335 masked %reduce_max3A_332 : vector<16xi32>, vector<16xi1> -> vector<16xi32>
        %reduce_max3A_337 = arith.xori %reduce_max3A_336, %reduce_max3A_334 : vector<16xi32>
        %reduce_max3A_338 = vector.extract %reduce_max3A_337[15] : i32 from vector<16xi32>
        %shift_right_arithmetic3A_339 = arith.constant 7 : i32
        %shift_right_arithmetic3A_340 = arith.shrsi %reduce_max3A_338, %shift_right_arithmetic3A_339 : i32
        %shift_left3A_341 = arith.constant 7 : i32
        %shift_left3A_342 = arith.shli %shift_right_arithmetic3A_340, %shift_left3A_341 : i32
        %min3A_343 = arith.constant 999936 : i32
        %min3A_344 = arith.minsi %shift_left3A_342, %min3A_343 : i32
        %multiple_of3A_345 = tpu.assume_multiple %min3A_344, 128 : i32
        %sub3A_346 = arith.subi %reduce_max3A_338, %multiple_of3A_345 : i32
        %sub3A_347 = arith.constant 1 : i32
        %sub3A_348 = arith.subi %sub3A_347, %select_n3A_253 : i32
        %dma_start3A_349 = arith.constant 0 : i32
        %dma_start3A_350 = arith.constant 0 : i32
        %dma_start3A_351 = tpu.memref_slice %arg27[%sub3A_348, %dma_start3A_349, %dma_start3A_350] : memref<2x64x128xf32, #tpu.memory_space<vmem>> -> memref<1x64x128xf32, #tpu.memory_space<vmem>>
        %dma_start3A_352 = tpu.memref_squeeze %dma_start3A_351 : memref<1x64x128xf32, #tpu.memory_space<vmem>> -> memref<64x128xf32, #tpu.memory_space<vmem>>
        %dma_start3A_353 = arith.constant 0 : i32
        %dma_start3A_354 = tpu.memref_slice %arg8[%dma_start3A_353, %multiple_of3A_345] : memref<64x1000000xf32, #tpu.memory_space<hbm>> -> memref<64x128xf32, #tpu.memory_space<hbm>>
        %dma_start3A_355 = arith.constant 0 : i32
        %dma_start3A_356 = arith.constant 0 : i32
        %dma_start3A_357 = tpu.memref_slice %arg27[%sub3A_348, %dma_start3A_355, %dma_start3A_356] : memref<2x64x128xf32, #tpu.memory_space<vmem>> -> memref<1x64x128xf32, #tpu.memory_space<vmem>>
        %dma_start3A_358 = tpu.memref_squeeze %dma_start3A_357 : memref<1x64x128xf32, #tpu.memory_space<vmem>> -> memref<64x128xf32, #tpu.memory_space<vmem>>
        %dma_start3A_359 = arith.constant 0 : i32
        %dma_start3A_360 = tpu.memref_slice %arg8[%dma_start3A_359, %multiple_of3A_345] : memref<64x1000000xf32, #tpu.memory_space<hbm>> -> memref<64x128xf32, #tpu.memory_space<hbm>>
        tpu.enqueue_dma source(%dma_start3A_360 : memref<64x128xf32, #tpu.memory_space<hbm>>) target(%dma_start3A_358 : memref<64x128xf32, #tpu.memory_space<vmem>>) target_semaphore(%arg32 : memref<!tpu.dma_semaphore, #tpu.memory_space<semaphore_mem>>)
      } else {
      }
      %broadcast_in_dim3A_299 = vector.broadcast %select_n3A_253 : i32 to vector<16xi32>
      %broadcast_in_dim3A_300 = vector.broadcast %sub3A_281 : i32 to vector<16xi32>
      %broadcast_in_dim3A_301 = vector.broadcast %scan3A_241 : i32 to vector<16xi32>
      %add3A_302 = arith.constant 0 : i32
      %add3A_303 = vector.broadcast %add3A_302 : i32 to vector<16xi32>
      %add3A_304 = arith.addi %add3A_303, %iota3A : vector<16xi32>
      %gather3A = tpu.vector_load_idx %arg27[%broadcast_in_dim3A_299, %add3A_304, %broadcast_in_dim3A_300] : memref<2x64x128xf32, #tpu.memory_space<vmem>>[vector<16xi32>, vector<16xi32>, vector<16xi32>], vector<16xf32>,
      tpu.vector_store_idx %arg28[%add3A_304, %broadcast_in_dim3A_301], %gather3A : memref<112x128xf32, #tpu.memory_space<vmem>>[vector<16xi32>, vector<16xi32>], vector<16xf32>,
      %add3A_305 = arith.constant 16 : i32
      %add3A_306 = vector.broadcast %add3A_305 : i32 to vector<16xi32>
      %add3A_307 = arith.addi %add3A_306, %iota3A : vector<16xi32>
      %gather3A_308 = tpu.vector_load_idx %arg27[%broadcast_in_dim3A_299, %add3A_307, %broadcast_in_dim3A_300] : memref<2x64x128xf32, #tpu.memory_space<vmem>>[vector<16xi32>, vector<16xi32>, vector<16xi32>], vector<16xf32>,
      tpu.vector_store_idx %arg28[%add3A_307, %broadcast_in_dim3A_301], %gather3A_308 : memref<112x128xf32, #tpu.memory_space<vmem>>[vector<16xi32>, vector<16xi32>], vector<16xf32>,
      %add3A_309 = arith.constant 32 : i32
      %add3A_310 = vector.broadcast %add3A_309 : i32 to vector<16xi32>
      %add3A_311 = arith.addi %add3A_310, %iota3A : vector<16xi32>
      %gather3A_312 = tpu.vector_load_idx %arg27[%broadcast_in_dim3A_299, %add3A_311, %broadcast_in_dim3A_300] : memref<2x64x128xf32, #tpu.memory_space<vmem>>[vector<16xi32>, vector<16xi32>, vector<16xi32>], vector<16xf32>,
      tpu.vector_store_idx %arg28[%add3A_311, %broadcast_in_dim3A_301], %gather3A_312 : memref<112x128xf32, #tpu.memory_space<vmem>>[vector<16xi32>, vector<16xi32>], vector<16xf32>,
      %add3A_313 = arith.constant 48 : i32
      %add3A_314 = vector.broadcast %add3A_313 : i32 to vector<16xi32>
      %add3A_315 = arith.addi %add3A_314, %iota3A : vector<16xi32>
      %gather3A_316 = tpu.vector_load_idx %arg27[%broadcast_in_dim3A_299, %add3A_315, %broadcast_in_dim3A_300] : memref<2x64x128xf32, #tpu.memory_space<vmem>>[vector<16xi32>, vector<16xi32>, vector<16xi32>], vector<16xf32>,
      tpu.vector_store_idx %arg28[%add3A_315, %broadcast_in_dim3A_301], %gather3A_316 : memref<112x128xf32, #tpu.memory_space<vmem>>[vector<16xi32>, vector<16xi32>], vector<16xf32>,
    }
    %scan3A_132 = arith.constant 128 : i32
    "tpu.region"() ({
      %run_scoped3A_241 = tpu.sem_alloc : memref<!tpu.dma_semaphore, #tpu.memory_space<semaphore_mem>>
      %dma_start3A_242 = arith.constant 0 : i32
      %dma_start3A_243 = tpu.memref_slice %arg15[%dma_start3A_242, %multiple_of3A] : memref<112x4096xf32, #tpu.memory_space<hbm>> -> memref<112x128xf32, #tpu.memory_space<hbm>>
      %dma_start3A_244 = arith.constant 0 : i32
      %dma_start3A_245 = tpu.memref_slice %arg15[%dma_start3A_244, %multiple_of3A] : memref<112x4096xf32, #tpu.memory_space<hbm>> -> memref<112x128xf32, #tpu.memory_space<hbm>>
      tpu.enqueue_dma source(%arg28 : memref<112x128xf32, #tpu.memory_space<vmem>>) target(%dma_start3A_245 : memref<112x128xf32, #tpu.memory_space<hbm>>) target_semaphore(%run_scoped3A_241 : memref<!tpu.dma_semaphore, #tpu.memory_space<semaphore_mem>>)
      %dma_wait3A_246 = arith.constant 0 : i32
      %dma_wait3A_247 = tpu.memref_slice %arg15[%dma_wait3A_246, %multiple_of3A] : memref<112x4096xf32, #tpu.memory_space<hbm>> -> memref<112x128xf32, #tpu.memory_space<hbm>>
      %dma_wait3A_248 = arith.constant 0 : i32
      %dma_wait3A_249 = tpu.memref_slice %arg15[%dma_wait3A_248, %multiple_of3A] : memref<112x4096xf32, #tpu.memory_space<hbm>> -> memref<112x128xf32, #tpu.memory_space<hbm>>
      tpu.wait_dma2 semaphore(%run_scoped3A_241 : memref<!tpu.dma_semaphore, #tpu.memory_space<semaphore_mem>>) src(%arg28 : memref<112x128xf32, #tpu.memory_space<vmem>>) dst(%dma_wait3A_249 : memref<112x128xf32, #tpu.memory_space<hbm>>)
      tpu.yield
    }) : () -> ()
    %dma_start3A_133 = arith.constant 0 : i32
    %dma_start3A_134 = arith.constant 0 : i32
    %dma_start3A_135 = arith.constant 0 : i32
    %dma_start3A_136 = tpu.memref_slice %arg25[%dma_start3A_133, %dma_start3A_134, %dma_start3A_135] : memref<4x128x128xf32, #tpu.memory_space<vmem>> -> memref<1x128x128xf32, #tpu.memory_space<vmem>>
    %dma_start3A_137 = tpu.memref_squeeze %dma_start3A_136 : memref<1x128x128xf32, #tpu.memory_space<vmem>> -> memref<128x128xf32, #tpu.memory_space<vmem>>
    %dma_start3A_138 = arith.constant 0 : i32
    %dma_start3A_139 = arith.constant 0 : i32
    %dma_start3A_140 = tpu.memref_slice %arg12[%dma_start3A_138, %dma_start3A_139] : memref<100000x128xf32, #tpu.memory_space<hbm>> -> memref<100000x128xf32, #tpu.memory_space<hbm>>
    tpu.enqueue_indirect_dma source(%dma_start3A_140 : memref<100000x128xf32, #tpu.memory_space<hbm>>) target(%dma_start3A_137 : memref<128x128xf32, #tpu.memory_space<vmem>>) offsets(%arg20 : memref<128xi32, #tpu.memory_space<vmem>>) semaphore(%arg29 : memref<!tpu.dma_semaphore, #tpu.memory_space<semaphore_mem>>)
    %dma_wait3A = arith.constant 0 : i32
    %dma_wait3A_141 = arith.constant 0 : i32
    %dma_wait3A_142 = arith.constant 0 : i32
    %dma_wait3A_143 = tpu.memref_slice %arg25[%dma_wait3A, %dma_wait3A_141, %dma_wait3A_142] : memref<4x128x128xf32, #tpu.memory_space<vmem>> -> memref<1x128x128xf32, #tpu.memory_space<vmem>>
    %dma_wait3A_144 = tpu.memref_squeeze %dma_wait3A_143 : memref<1x128x128xf32, #tpu.memory_space<vmem>> -> memref<128x128xf32, #tpu.memory_space<vmem>>
    %dma_wait3A_145 = arith.constant 0 : i32
    %dma_wait3A_146 = arith.constant 0 : i32
    %dma_wait3A_147 = tpu.memref_slice %arg12[%dma_wait3A_145, %dma_wait3A_146] : memref<100000x128xf32, #tpu.memory_space<hbm>> -> memref<100000x128xf32, #tpu.memory_space<hbm>>
    tpu.wait_indirect_dma semaphore(%arg29 : memref<!tpu.dma_semaphore, #tpu.memory_space<semaphore_mem>>) src(%dma_wait3A_147 : memref<100000x128xf32, #tpu.memory_space<hbm>>) dst(%dma_wait3A_144 : memref<128x128xf32, #tpu.memory_space<vmem>>)
    %broadcast_in_dim3A_148 = arith.constant 0 : i32
    %broadcast_in_dim3A_149 = vector.broadcast %broadcast_in_dim3A_148 : i32 to vector<16xi32>
    %scan3A_150 = arith.constant 0 : i32
    %scan3A_151 = arith.constant 0 : i32
    %scan3A_152 = arith.constant 64 : i32
    %scan3A_153 = arith.addi %scan3A_151, %scan3A_152 : i32
    %scan3A_154 = arith.constant 1 : i32
    %scan3A_155 = scf.for %scan3A_241 = %scan3A_151 to %scan3A_153 step %scan3A_154 iter_args(%scan3A_242 = %broadcast_in_dim3A_149) -> (vector<16xi32>)  : i32 {
      %add3A_243 = arith.constant 1 : i32
      %add3A_244 = vector.broadcast %add3A_243 : i32 to vector<16xi32>
      %add3A_245 = arith.addi %scan3A_242, %add3A_244 : vector<16xi32>
      %mul3A_246 = arith.constant 2 : i32
      %mul3A_247 = arith.muli %mul3A_246, %scan3A_241 : i32
      %get3A_248 = arith.constant 0 : i32
      %get3A_249 = arith.index_cast %get3A_248 : i32 to index
      %get3A_250 = arith.index_cast %mul3A_247 : i32 to index
      %get3A_251 = arith.constant 0 : index
      %get3A_252 = tpu.vector_load %arg25[%get3A_249, %get3A_250, %get3A_251] {strides = array<i32>} : memref<4x128x128xf32, #tpu.memory_space<vmem>>, vector<16xf32>,
      %mul3A_253 = arith.constant 2 : i32
      %mul3A_254 = arith.muli %mul3A_253, %scan3A_241 : i32
      %get3A_255 = arith.constant 0 : i32
      %get3A_256 = arith.index_cast %get3A_255 : i32 to index
      %get3A_257 = arith.index_cast %mul3A_254 : i32 to index
      %get3A_258 = arith.constant 16 : index
      %get3A_259 = tpu.vector_load %arg25[%get3A_256, %get3A_257, %get3A_258] {strides = array<i32>} : memref<4x128x128xf32, #tpu.memory_space<vmem>>, vector<16xf32>,
      %mul3A_260 = arith.constant 2 : i32
      %mul3A_261 = arith.muli %mul3A_260, %scan3A_241 : i32
      %get3A_262 = arith.constant 0 : i32
      %get3A_263 = arith.index_cast %get3A_262 : i32 to index
      %get3A_264 = arith.index_cast %mul3A_261 : i32 to index
      %get3A_265 = arith.constant 32 : index
      %get3A_266 = tpu.vector_load %arg25[%get3A_263, %get3A_264, %get3A_265] {strides = array<i32>} : memref<4x128x128xf32, #tpu.memory_space<vmem>>, vector<16xf32>,
      %mul3A_267 = arith.constant 2 : i32
      %mul3A_268 = arith.muli %mul3A_267, %scan3A_241 : i32
      %get3A_269 = arith.constant 0 : i32
      %get3A_270 = arith.index_cast %get3A_269 : i32 to index
      %get3A_271 = arith.index_cast %mul3A_268 : i32 to index
      %get3A_272 = arith.constant 48 : index
      %get3A_273 = tpu.vector_load %arg25[%get3A_270, %get3A_271, %get3A_272] {strides = array<i32>} : memref<4x128x128xf32, #tpu.memory_space<vmem>>, vector<16xf32>,
      %mul3A_274 = arith.constant 2 : i32
      %mul3A_275 = arith.muli %mul3A_274, %scan3A_241 : i32
      %add3A_276 = arith.constant 1 : i32
      %add3A_277 = arith.addi %mul3A_275, %add3A_276 : i32
      %get3A_278 = arith.constant 0 : i32
      %get3A_279 = arith.index_cast %get3A_278 : i32 to index
      %get3A_280 = arith.index_cast %add3A_277 : i32 to index
      %get3A_281 = arith.constant 0 : index
      %get3A_282 = tpu.vector_load %arg25[%get3A_279, %get3A_280, %get3A_281] {strides = array<i32>} : memref<4x128x128xf32, #tpu.memory_space<vmem>>, vector<16xf32>,
      %mul3A_283 = arith.constant 2 : i32
      %mul3A_284 = arith.muli %mul3A_283, %scan3A_241 : i32
      %add3A_285 = arith.constant 1 : i32
      %add3A_286 = arith.addi %mul3A_284, %add3A_285 : i32
      %get3A_287 = arith.constant 0 : i32
      %get3A_288 = arith.index_cast %get3A_287 : i32 to index
      %get3A_289 = arith.index_cast %add3A_286 : i32 to index
      %get3A_290 = arith.constant 16 : index
      %get3A_291 = tpu.vector_load %arg25[%get3A_288, %get3A_289, %get3A_290] {strides = array<i32>} : memref<4x128x128xf32, #tpu.memory_space<vmem>>, vector<16xf32>,
      %mul3A_292 = arith.constant 2 : i32
      %mul3A_293 = arith.muli %mul3A_292, %scan3A_241 : i32
      %add3A_294 = arith.constant 1 : i32
      %add3A_295 = arith.addi %mul3A_293, %add3A_294 : i32
      %get3A_296 = arith.constant 0 : i32
      %get3A_297 = arith.index_cast %get3A_296 : i32 to index
      %get3A_298 = arith.index_cast %add3A_295 : i32 to index
      %get3A_299 = arith.constant 32 : index
      %get3A_300 = tpu.vector_load %arg25[%get3A_297, %get3A_298, %get3A_299] {strides = array<i32>} : memref<4x128x128xf32, #tpu.memory_space<vmem>>, vector<16xf32>,
      %mul3A_301 = arith.constant 2 : i32
      %mul3A_302 = arith.muli %mul3A_301, %scan3A_241 : i32
      %add3A_303 = arith.constant 1 : i32
      %add3A_304 = arith.addi %mul3A_302, %add3A_303 : i32
      %get3A_305 = arith.constant 0 : i32
      %get3A_306 = arith.index_cast %get3A_305 : i32 to index
      %get3A_307 = arith.index_cast %add3A_304 : i32 to index
      %get3A_308 = arith.constant 48 : index
      %get3A_309 = tpu.vector_load %arg25[%get3A_306, %get3A_307, %get3A_308] {strides = array<i32>} : memref<4x128x128xf32, #tpu.memory_space<vmem>>, vector<16xf32>,
      %scatter3A = arith.constant 0 : i32
      %scatter3A_310 = arith.constant 0 : i32
      %scatter3A_311 = tpu.memref_slice %arg26[%scan3A_150, %scatter3A, %scatter3A_310] : memref<2x64x128xf32, #tpu.memory_space<vmem>> -> memref<1x64x128xf32, #tpu.memory_space<vmem>>
      %scatter3A_312 = tpu.memref_squeeze %scatter3A_311 : memref<1x64x128xf32, #tpu.memory_space<vmem>> -> memref<64x128xf32, #tpu.memory_space<vmem>>
      tpu.vector_store_idx %scatter3A_312[%add3A_5, %scan3A_242], %get3A_252 : memref<64x128xf32, #tpu.memory_space<vmem>>[vector<16xi32>, vector<16xi32>], vector<16xf32>,
      %scatter3A_313 = arith.constant 0 : i32
      %scatter3A_314 = arith.constant 0 : i32
      %scatter3A_315 = tpu.memref_slice %arg26[%scan3A_150, %scatter3A_313, %scatter3A_314] : memref<2x64x128xf32, #tpu.memory_space<vmem>> -> memref<1x64x128xf32, #tpu.memory_space<vmem>>
      %scatter3A_316 = tpu.memref_squeeze %scatter3A_315 : memref<1x64x128xf32, #tpu.memory_space<vmem>> -> memref<64x128xf32, #tpu.memory_space<vmem>>
      tpu.vector_store_idx %scatter3A_316[%add3A_8, %scan3A_242], %get3A_259 : memref<64x128xf32, #tpu.memory_space<vmem>>[vector<16xi32>, vector<16xi32>], vector<16xf32>,
      %scatter3A_317 = arith.constant 0 : i32
      %scatter3A_318 = arith.constant 0 : i32
      %scatter3A_319 = tpu.memref_slice %arg26[%scan3A_150, %scatter3A_317, %scatter3A_318] : memref<2x64x128xf32, #tpu.memory_space<vmem>> -> memref<1x64x128xf32, #tpu.memory_space<vmem>>
      %scatter3A_320 = tpu.memref_squeeze %scatter3A_319 : memref<1x64x128xf32, #tpu.memory_space<vmem>> -> memref<64x128xf32, #tpu.memory_space<vmem>>
      tpu.vector_store_idx %scatter3A_320[%add3A_11, %scan3A_242], %get3A_266 : memref<64x128xf32, #tpu.memory_space<vmem>>[vector<16xi32>, vector<16xi32>], vector<16xf32>,
      %scatter3A_321 = arith.constant 0 : i32
      %scatter3A_322 = arith.constant 0 : i32
      %scatter3A_323 = tpu.memref_slice %arg26[%scan3A_150, %scatter3A_321, %scatter3A_322] : memref<2x64x128xf32, #tpu.memory_space<vmem>> -> memref<1x64x128xf32, #tpu.memory_space<vmem>>
      %scatter3A_324 = tpu.memref_squeeze %scatter3A_323 : memref<1x64x128xf32, #tpu.memory_space<vmem>> -> memref<64x128xf32, #tpu.memory_space<vmem>>
      tpu.vector_store_idx %scatter3A_324[%add3A_14, %scan3A_242], %get3A_273 : memref<64x128xf32, #tpu.memory_space<vmem>>[vector<16xi32>, vector<16xi32>], vector<16xf32>,
      %scatter3A_325 = arith.constant 0 : i32
      %scatter3A_326 = arith.constant 0 : i32
      %scatter3A_327 = tpu.memref_slice %arg26[%scan3A_150, %scatter3A_325, %scatter3A_326] : memref<2x64x128xf32, #tpu.memory_space<vmem>> -> memref<1x64x128xf32, #tpu.memory_space<vmem>>
      %scatter3A_328 = tpu.memref_squeeze %scatter3A_327 : memref<1x64x128xf32, #tpu.memory_space<vmem>> -> memref<64x128xf32, #tpu.memory_space<vmem>>
      tpu.vector_store_idx %scatter3A_328[%add3A_5, %add3A_245], %get3A_282 : memref<64x128xf32, #tpu.memory_space<vmem>>[vector<16xi32>, vector<16xi32>], vector<16xf32>,
      %scatter3A_329 = arith.constant 0 : i32
      %scatter3A_330 = arith.constant 0 : i32
      %scatter3A_331 = tpu.memref_slice %arg26[%scan3A_150, %scatter3A_329, %scatter3A_330] : memref<2x64x128xf32, #tpu.memory_space<vmem>> -> memref<1x64x128xf32, #tpu.memory_space<vmem>>
      %scatter3A_332 = tpu.memref_squeeze %scatter3A_331 : memref<1x64x128xf32, #tpu.memory_space<vmem>> -> memref<64x128xf32, #tpu.memory_space<vmem>>
      tpu.vector_store_idx %scatter3A_332[%add3A_8, %add3A_245], %get3A_291 : memref<64x128xf32, #tpu.memory_space<vmem>>[vector<16xi32>, vector<16xi32>], vector<16xf32>,
      %scatter3A_333 = arith.constant 0 : i32
      %scatter3A_334 = arith.constant 0 : i32
      %scatter3A_335 = tpu.memref_slice %arg26[%scan3A_150, %scatter3A_333, %scatter3A_334] : memref<2x64x128xf32, #tpu.memory_space<vmem>> -> memref<1x64x128xf32, #tpu.memory_space<vmem>>
      %scatter3A_336 = tpu.memref_squeeze %scatter3A_335 : memref<1x64x128xf32, #tpu.memory_space<vmem>> -> memref<64x128xf32, #tpu.memory_space<vmem>>
      tpu.vector_store_idx %scatter3A_336[%add3A_11, %add3A_245], %get3A_300 : memref<64x128xf32, #tpu.memory_space<vmem>>[vector<16xi32>, vector<16xi32>], vector<16xf32>,
      %scatter3A_337 = arith.constant 0 : i32
      %scatter3A_338 = arith.constant 0 : i32
      %scatter3A_339 = tpu.memref_slice %arg26[%scan3A_150, %scatter3A_337, %scatter3A_338] : memref<2x64x128xf32, #tpu.memory_space<vmem>> -> memref<1x64x128xf32, #tpu.memory_space<vmem>>
      %scatter3A_340 = tpu.memref_squeeze %scatter3A_339 : memref<1x64x128xf32, #tpu.memory_space<vmem>> -> memref<64x128xf32, #tpu.memory_space<vmem>>
      tpu.vector_store_idx %scatter3A_340[%add3A_14, %add3A_245], %get3A_309 : memref<64x128xf32, #tpu.memory_space<vmem>>[vector<16xi32>, vector<16xi32>], vector<16xf32>,
      %add3A_341 = arith.constant 2 : i32
      %add3A_342 = vector.broadcast %add3A_341 : i32 to vector<16xi32>
      %add3A_343 = arith.addi %scan3A_242, %add3A_342 : vector<16xi32>
      scf.yield %add3A_343 : vector<16xi32>
    }
    %scan3A_156 = arith.constant 64 : i32
    %run_scoped3A = arith.constant 0 : i32
    "tpu.region"() ({
      %run_scoped3A_241 = tpu.sem_alloc : memref<!tpu.dma_semaphore, #tpu.memory_space<semaphore_mem>>
      %dma_start3A_242 = arith.constant 0 : i32
      %dma_start3A_243 = arith.constant 0 : i32
      %dma_start3A_244 = tpu.memref_slice %arg26[%run_scoped3A, %dma_start3A_242, %dma_start3A_243] : memref<2x64x128xf32, #tpu.memory_space<vmem>> -> memref<1x64x128xf32, #tpu.memory_space<vmem>>
      %dma_start3A_245 = tpu.memref_squeeze %dma_start3A_244 : memref<1x64x128xf32, #tpu.memory_space<vmem>> -> memref<64x128xf32, #tpu.memory_space<vmem>>
      %dma_start3A_246 = arith.constant 0 : i32
      %dma_start3A_247 = tpu.memref_slice %arg14[%dma_start3A_246, %multiple_of3A] : memref<64x4096xf32, #tpu.memory_space<hbm>> -> memref<64x128xf32, #tpu.memory_space<hbm>>
      %dma_start3A_248 = arith.constant 0 : i32
      %dma_start3A_249 = tpu.memref_slice %arg14[%dma_start3A_248, %multiple_of3A] : memref<64x4096xf32, #tpu.memory_space<hbm>> -> memref<64x128xf32, #tpu.memory_space<hbm>>
      %dma_start3A_250 = arith.constant 0 : i32
      %dma_start3A_251 = arith.constant 0 : i32
      %dma_start3A_252 = tpu.memref_slice %arg26[%run_scoped3A, %dma_start3A_250, %dma_start3A_251] : memref<2x64x128xf32, #tpu.memory_space<vmem>> -> memref<1x64x128xf32, #tpu.memory_space<vmem>>
      %dma_start3A_253 = tpu.memref_squeeze %dma_start3A_252 : memref<1x64x128xf32, #tpu.memory_space<vmem>> -> memref<64x128xf32, #tpu.memory_space<vmem>>
      tpu.enqueue_dma source(%dma_start3A_253 : memref<64x128xf32, #tpu.memory_space<vmem>>) target(%dma_start3A_249 : memref<64x128xf32, #tpu.memory_space<hbm>>) target_semaphore(%run_scoped3A_241 : memref<!tpu.dma_semaphore, #tpu.memory_space<semaphore_mem>>)
      %dma_wait3A_254 = arith.constant 0 : i32
      %dma_wait3A_255 = arith.constant 0 : i32
      %dma_wait3A_256 = tpu.memref_slice %arg26[%run_scoped3A, %dma_wait3A_254, %dma_wait3A_255] : memref<2x64x128xf32, #tpu.memory_space<vmem>> -> memref<1x64x128xf32, #tpu.memory_space<vmem>>
      %dma_wait3A_257 = tpu.memref_squeeze %dma_wait3A_256 : memref<1x64x128xf32, #tpu.memory_space<vmem>> -> memref<64x128xf32, #tpu.memory_space<vmem>>
      %dma_wait3A_258 = arith.constant 0 : i32
      %dma_wait3A_259 = tpu.memref_slice %arg14[%dma_wait3A_258, %multiple_of3A] : memref<64x4096xf32, #tpu.memory_space<hbm>> -> memref<64x128xf32, #tpu.memory_space<hbm>>
      %dma_wait3A_260 = arith.constant 0 : i32
      %dma_wait3A_261 = tpu.memref_slice %arg14[%dma_wait3A_260, %multiple_of3A] : memref<64x4096xf32, #tpu.memory_space<hbm>> -> memref<64x128xf32, #tpu.memory_space<hbm>>
      %dma_wait3A_262 = arith.constant 0 : i32
      %dma_wait3A_263 = arith.constant 0 : i32
      %dma_wait3A_264 = tpu.memref_slice %arg26[%run_scoped3A, %dma_wait3A_262, %dma_wait3A_263] : memref<2x64x128xf32, #tpu.memory_space<vmem>> -> memref<1x64x128xf32, #tpu.memory_space<vmem>>
      %dma_wait3A_265 = tpu.memref_squeeze %dma_wait3A_264 : memref<1x64x128xf32, #tpu.memory_space<vmem>> -> memref<64x128xf32, #tpu.memory_space<vmem>>
      tpu.wait_dma2 semaphore(%run_scoped3A_241 : memref<!tpu.dma_semaphore, #tpu.memory_space<semaphore_mem>>) src(%dma_wait3A_265 : memref<64x128xf32, #tpu.memory_space<vmem>>) dst(%dma_wait3A_261 : memref<64x128xf32, #tpu.memory_space<hbm>>)
      tpu.yield
    }) : () -> ()
    %run_scoped3A_157 = arith.constant 0 : i32
    "tpu.region"() ({
      %run_scoped3A_241 = tpu.sem_alloc : memref<!tpu.dma_semaphore, #tpu.memory_space<semaphore_mem>>
      %dma_start3A_242 = arith.constant 0 : i32
      %dma_start3A_243 = arith.constant 0 : i32
      %dma_start3A_244 = tpu.memref_slice %arg24[%run_scoped3A_157, %dma_start3A_242, %dma_start3A_243] : memref<2x8x128xi32, #tpu.memory_space<vmem>> -> memref<1x8x128xi32, #tpu.memory_space<vmem>>
      %dma_start3A_245 = tpu.memref_squeeze %dma_start3A_244 : memref<1x8x128xi32, #tpu.memory_space<vmem>> -> memref<8x128xi32, #tpu.memory_space<vmem>>
      %dma_start3A_246 = arith.constant 0 : i32
      %dma_start3A_247 = tpu.memref_slice %arg7[%dma_start3A_246, %multiple_of3A] : memref<200x4096xi32, #tpu.memory_space<hbm>> -> memref<8x128xi32, #tpu.memory_space<hbm>>
      %dma_start3A_248 = arith.constant 0 : i32
      %dma_start3A_249 = arith.constant 0 : i32
      %dma_start3A_250 = tpu.memref_slice %arg24[%run_scoped3A_157, %dma_start3A_248, %dma_start3A_249] : memref<2x8x128xi32, #tpu.memory_space<vmem>> -> memref<1x8x128xi32, #tpu.memory_space<vmem>>
      %dma_start3A_251 = tpu.memref_squeeze %dma_start3A_250 : memref<1x8x128xi32, #tpu.memory_space<vmem>> -> memref<8x128xi32, #tpu.memory_space<vmem>>
      %dma_start3A_252 = arith.constant 0 : i32
      %dma_start3A_253 = tpu.memref_slice %arg7[%dma_start3A_252, %multiple_of3A] : memref<200x4096xi32, #tpu.memory_space<hbm>> -> memref<8x128xi32, #tpu.memory_space<hbm>>
      tpu.enqueue_dma source(%dma_start3A_253 : memref<8x128xi32, #tpu.memory_space<hbm>>) target(%dma_start3A_251 : memref<8x128xi32, #tpu.memory_space<vmem>>) target_semaphore(%run_scoped3A_241 : memref<!tpu.dma_semaphore, #tpu.memory_space<semaphore_mem>>)
      %dma_wait3A_254 = arith.constant 0 : i32
      %dma_wait3A_255 = arith.constant 0 : i32
      %dma_wait3A_256 = tpu.memref_slice %arg24[%run_scoped3A_157, %dma_wait3A_254, %dma_wait3A_255] : memref<2x8x128xi32, #tpu.memory_space<vmem>> -> memref<1x8x128xi32, #tpu.memory_space<vmem>>
      %dma_wait3A_257 = tpu.memref_squeeze %dma_wait3A_256 : memref<1x8x128xi32, #tpu.memory_space<vmem>> -> memref<8x128xi32, #tpu.memory_space<vmem>>
      %dma_wait3A_258 = arith.constant 0 : i32
      %dma_wait3A_259 = tpu.memref_slice %arg7[%dma_wait3A_258, %multiple_of3A] : memref<200x4096xi32, #tpu.memory_space<hbm>> -> memref<8x128xi32, #tpu.memory_space<hbm>>
      %dma_wait3A_260 = arith.constant 0 : i32
      %dma_wait3A_261 = arith.constant 0 : i32
      %dma_wait3A_262 = tpu.memref_slice %arg24[%run_scoped3A_157, %dma_wait3A_260, %dma_wait3A_261] : memref<2x8x128xi32, #tpu.memory_space<vmem>> -> memref<1x8x128xi32, #tpu.memory_space<vmem>>
      %dma_wait3A_263 = tpu.memref_squeeze %dma_wait3A_262 : memref<1x8x128xi32, #tpu.memory_space<vmem>> -> memref<8x128xi32, #tpu.memory_space<vmem>>
      %dma_wait3A_264 = arith.constant 0 : i32
      %dma_wait3A_265 = tpu.memref_slice %arg7[%dma_wait3A_264, %multiple_of3A] : memref<200x4096xi32, #tpu.memory_space<hbm>> -> memref<8x128xi32, #tpu.memory_space<hbm>>
      tpu.wait_dma2 semaphore(%run_scoped3A_241 : memref<!tpu.dma_semaphore, #tpu.memory_space<semaphore_mem>>) src(%dma_wait3A_265 : memref<8x128xi32, #tpu.memory_space<hbm>>) dst(%dma_wait3A_263 : memref<8x128xi32, #tpu.memory_space<vmem>>)
      tpu.yield
    }) : () -> ()
    %dma_start3A_158 = arith.constant 0 : i32
    %dma_start3A_159 = arith.constant 0 : i32
    %dma_start3A_160 = arith.constant 0 : i32
    %dma_start3A_161 = arith.constant 0 : i32
    %dma_start3A_162 = arith.constant 0 : i32
    %dma_start3A_163 = tpu.memref_slice %arg25[%dma_start3A_160, %dma_start3A_161, %dma_start3A_162] : memref<4x128x128xf32, #tpu.memory_space<vmem>> -> memref<1x128x128xf32, #tpu.memory_space<vmem>>
    %dma_start3A_164 = tpu.memref_squeeze %dma_start3A_163 : memref<1x128x128xf32, #tpu.memory_space<vmem>> -> memref<128x128xf32, #tpu.memory_space<vmem>>
    %dma_start3A_165 = arith.constant 0 : i32
    %dma_start3A_166 = tpu.memref_slice %arg24[%dma_start3A_158, %dma_start3A_159, %dma_start3A_165] : memref<2x8x128xi32, #tpu.memory_space<vmem>> -> memref<1x1x128xi32, #tpu.memory_space<vmem>>
    %dma_start3A_167 = tpu.memref_squeeze %dma_start3A_166 : memref<1x1x128xi32, #tpu.memory_space<vmem>> -> memref<128xi32, #tpu.memory_space<vmem>>
    %dma_start3A_168 = arith.constant 0 : i32
    %dma_start3A_169 = arith.constant 0 : i32
    %dma_start3A_170 = tpu.memref_slice %arg12[%dma_start3A_168, %dma_start3A_169] : memref<100000x128xf32, #tpu.memory_space<hbm>> -> memref<100000x128xf32, #tpu.memory_space<hbm>>
    tpu.enqueue_indirect_dma source(%dma_start3A_170 : memref<100000x128xf32, #tpu.memory_space<hbm>>) target(%dma_start3A_164 : memref<128x128xf32, #tpu.memory_space<vmem>>) offsets(%dma_start3A_167 : memref<128xi32, #tpu.memory_space<vmem>>) semaphore(%arg29 : memref<!tpu.dma_semaphore, #tpu.memory_space<semaphore_mem>>)
    %dma_start3A_171 = arith.constant 0 : i32
    %dma_start3A_172 = arith.constant 1 : i32
    %dma_start3A_173 = arith.constant 1 : i32
    %dma_start3A_174 = arith.constant 0 : i32
    %dma_start3A_175 = arith.constant 0 : i32
    %dma_start3A_176 = tpu.memref_slice %arg25[%dma_start3A_173, %dma_start3A_174, %dma_start3A_175] : memref<4x128x128xf32, #tpu.memory_space<vmem>> -> memref<1x128x128xf32, #tpu.memory_space<vmem>>
    %dma_start3A_177 = tpu.memref_squeeze %dma_start3A_176 : memref<1x128x128xf32, #tpu.memory_space<vmem>> -> memref<128x128xf32, #tpu.memory_space<vmem>>
    %dma_start3A_178 = arith.constant 0 : i32
    %dma_start3A_179 = tpu.memref_slice %arg24[%dma_start3A_171, %dma_start3A_172, %dma_start3A_178] : memref<2x8x128xi32, #tpu.memory_space<vmem>> -> memref<1x1x128xi32, #tpu.memory_space<vmem>>
    %dma_start3A_180 = tpu.memref_squeeze %dma_start3A_179 : memref<1x1x128xi32, #tpu.memory_space<vmem>> -> memref<128xi32, #tpu.memory_space<vmem>>
    %dma_start3A_181 = arith.constant 0 : i32
    %dma_start3A_182 = arith.constant 0 : i32
    %dma_start3A_183 = tpu.memref_slice %arg12[%dma_start3A_181, %dma_start3A_182] : memref<100000x128xf32, #tpu.memory_space<hbm>> -> memref<100000x128xf32, #tpu.memory_space<hbm>>
    tpu.enqueue_indirect_dma source(%dma_start3A_183 : memref<100000x128xf32, #tpu.memory_space<hbm>>) target(%dma_start3A_177 : memref<128x128xf32, #tpu.memory_space<vmem>>) offsets(%dma_start3A_180 : memref<128xi32, #tpu.memory_space<vmem>>) semaphore(%arg29 : memref<!tpu.dma_semaphore, #tpu.memory_space<semaphore_mem>>)
    %dma_start3A_184 = arith.constant 0 : i32
    %dma_start3A_185 = arith.constant 2 : i32
    %dma_start3A_186 = arith.constant 2 : i32
    %dma_start3A_187 = arith.constant 0 : i32
    %dma_start3A_188 = arith.constant 0 : i32
    %dma_start3A_189 = tpu.memref_slice %arg25[%dma_start3A_186, %dma_start3A_187, %dma_start3A_188] : memref<4x128x128xf32, #tpu.memory_space<vmem>> -> memref<1x128x128xf32, #tpu.memory_space<vmem>>
    %dma_start3A_190 = tpu.memref_squeeze %dma_start3A_189 : memref<1x128x128xf32, #tpu.memory_space<vmem>> -> memref<128x128xf32, #tpu.memory_space<vmem>>
    %dma_start3A_191 = arith.constant 0 : i32
    %dma_start3A_192 = tpu.memref_slice %arg24[%dma_start3A_184, %dma_start3A_185, %dma_start3A_191] : memref<2x8x128xi32, #tpu.memory_space<vmem>> -> memref<1x1x128xi32, #tpu.memory_space<vmem>>
    %dma_start3A_193 = tpu.memref_squeeze %dma_start3A_192 : memref<1x1x128xi32, #tpu.memory_space<vmem>> -> memref<128xi32, #tpu.memory_space<vmem>>
    %dma_start3A_194 = arith.constant 0 : i32
    %dma_start3A_195 = arith.constant 0 : i32
    %dma_start3A_196 = tpu.memref_slice %arg12[%dma_start3A_194, %dma_start3A_195] : memref<100000x128xf32, #tpu.memory_space<hbm>> -> memref<100000x128xf32, #tpu.memory_space<hbm>>
    tpu.enqueue_indirect_dma source(%dma_start3A_196 : memref<100000x128xf32, #tpu.memory_space<hbm>>) target(%dma_start3A_190 : memref<128x128xf32, #tpu.memory_space<vmem>>) offsets(%dma_start3A_193 : memref<128xi32, #tpu.memory_space<vmem>>) semaphore(%arg29 : memref<!tpu.dma_semaphore, #tpu.memory_space<semaphore_mem>>)
    %dma_start3A_197 = arith.constant 0 : i32
    %dma_start3A_198 = arith.constant 3 : i32
    %dma_start3A_199 = arith.constant 3 : i32
    %dma_start3A_200 = arith.constant 0 : i32
    %dma_start3A_201 = arith.constant 0 : i32
    %dma_start3A_202 = tpu.memref_slice %arg25[%dma_start3A_199, %dma_start3A_200, %dma_start3A_201] : memref<4x128x128xf32, #tpu.memory_space<vmem>> -> memref<1x128x128xf32, #tpu.memory_space<vmem>>
    %dma_start3A_203 = tpu.memref_squeeze %dma_start3A_202 : memref<1x128x128xf32, #tpu.memory_space<vmem>> -> memref<128x128xf32, #tpu.memory_space<vmem>>
    %dma_start3A_204 = arith.constant 0 : i32
    %dma_start3A_205 = tpu.memref_slice %arg24[%dma_start3A_197, %dma_start3A_198, %dma_start3A_204] : memref<2x8x128xi32, #tpu.memory_space<vmem>> -> memref<1x1x128xi32, #tpu.memory_space<vmem>>
    %dma_start3A_206 = tpu.memref_squeeze %dma_start3A_205 : memref<1x1x128xi32, #tpu.memory_space<vmem>> -> memref<128xi32, #tpu.memory_space<vmem>>
    %dma_start3A_207 = arith.constant 0 : i32
    %dma_start3A_208 = arith.constant 0 : i32
    %dma_start3A_209 = tpu.memref_slice %arg12[%dma_start3A_207, %dma_start3A_208] : memref<100000x128xf32, #tpu.memory_space<hbm>> -> memref<100000x128xf32, #tpu.memory_space<hbm>>
    tpu.enqueue_indirect_dma source(%dma_start3A_209 : memref<100000x128xf32, #tpu.memory_space<hbm>>) target(%dma_start3A_203 : memref<128x128xf32, #tpu.memory_space<vmem>>) offsets(%dma_start3A_206 : memref<128xi32, #tpu.memory_space<vmem>>) semaphore(%arg29 : memref<!tpu.dma_semaphore, #tpu.memory_space<semaphore_mem>>)
    %scan3A_210 = arith.constant 0 : i32
    %scan3A_211 = arith.constant 50 : i32
    %scan3A_212 = arith.addi %scan3A_210, %scan3A_211 : i32
    %scan3A_213 = arith.constant 1 : i32
    scf.for %scan3A_241 = %scan3A_210 to %scan3A_212 step %scan3A_213  : i32 {
      %jit3A_242 = arith.constant 2 : i32
      %eq3A_243 = arith.constant 0 : i32
      %eq3A_244 = arith.cmpi eq, %jit3A_242, %eq3A_243 : i32
      %jit3A_245 = arith.constant 1 : i32
      %select_n3A_246 = arith.select %eq3A_244, %jit3A_245, %jit3A_242 : i32
      %rem3A = arith.remsi %scan3A_241, %select_n3A_246 : i32
      %ne3A = arith.constant 0 : i32
      %ne3A_247 = arith.cmpi ne, %rem3A, %ne3A : i32
      %lt3A = arith.constant 0 : i32
      %lt3A_248 = arith.cmpi slt, %rem3A, %lt3A : i32
      %lt3A_249 = arith.constant 0 : i32
      %lt3A_250 = arith.cmpi slt, %select_n3A_246, %lt3A_249 : i32
      %ne3A_251 = arith.xori %lt3A_248, %lt3A_250 : i1
      %and3A = arith.andi %ne3A_251, %ne3A_247 : i1
      %add3A_252 = arith.addi %rem3A, %select_n3A_246 : i32
      %select_n3A_253 = arith.select %and3A, %add3A_252, %rem3A : i32
      %eq3A_254 = arith.constant 0 : i32
      %eq3A_255 = arith.cmpi eq, %select_n3A_253, %eq3A_254 : i32
      %lt3A_256 = arith.constant 48 : i32
      %lt3A_257 = arith.cmpi slt, %scan3A_241, %lt3A_256 : i32
      %and3A_258 = arith.andi %eq3A_255, %lt3A_257 : i1
      %convert_element_type3A = arith.extui %and3A_258 : i1 to i32
      %cond3A = arith.constant 0 : i32
      %cond3A_259 = arith.cmpi ne, %convert_element_type3A, %cond3A : i32
      scf.if %cond3A_259 {
        %jit3A_491 = arith.constant 2 : i32
        %div3A = arith.divsi %scan3A_241, %jit3A_491 : i32
        %sign3A = arith.constant 0 : i32
        %sign3A_492 = arith.cmpi sgt, %scan3A_241, %sign3A : i32
        %sign3A_493 = arith.extui %sign3A_492 : i1 to i32
        %sign3A_494 = arith.constant 0 : i32
        %sign3A_495 = arith.cmpi slt, %scan3A_241, %sign3A_494 : i32
        %sign3A_496 = arith.extui %sign3A_495 : i1 to i32
        %sign3A_497 = arith.subi %sign3A_493, %sign3A_496 : i32
        %sign3A_498 = arith.constant 0 : i32
        %sign3A_499 = arith.cmpi sgt, %jit3A_491, %sign3A_498 : i32
        %sign3A_500 = arith.extui %sign3A_499 : i1 to i32
        %sign3A_501 = arith.constant 0 : i32
        %sign3A_502 = arith.cmpi slt, %jit3A_491, %sign3A_501 : i32
        %sign3A_503 = arith.extui %sign3A_502 : i1 to i32
        %sign3A_504 = arith.subi %sign3A_500, %sign3A_503 : i32
        %ne3A_505 = arith.cmpi ne, %sign3A_497, %sign3A_504 : i32
        %rem3A_506 = arith.remsi %scan3A_241, %jit3A_491 : i32
        %ne3A_507 = arith.constant 0 : i32
        %ne3A_508 = arith.cmpi ne, %rem3A_506, %ne3A_507 : i32
        %and3A_509 = arith.andi %ne3A_505, %ne3A_508 : i1
        %sub3A_510 = arith.constant 1 : i32
        %sub3A_511 = arith.subi %div3A, %sub3A_510 : i32
        %select_n3A_512 = arith.select %and3A_509, %sub3A_511, %div3A : i32
        %add3A_513 = arith.constant 1 : i32
        %add3A_514 = arith.addi %select_n3A_512, %add3A_513 : i32
        %mul3A_515 = arith.constant 8 : i32
        %mul3A_516 = arith.muli %add3A_514, %mul3A_515 : i32
        %multiple_of3A_517 = tpu.assume_multiple %mul3A_516, 8 : i32
        %jit3A_518 = arith.constant 2 : i32
        %eq3A_519 = arith.constant 0 : i32
        %eq3A_520 = arith.cmpi eq, %jit3A_518, %eq3A_519 : i32
        %jit3A_521 = arith.constant 1 : i32
        %select_n3A_522 = arith.select %eq3A_520, %jit3A_521, %jit3A_518 : i32
        %rem3A_523 = arith.remsi %add3A_514, %select_n3A_522 : i32
        %ne3A_524 = arith.constant 0 : i32
        %ne3A_525 = arith.cmpi ne, %rem3A_523, %ne3A_524 : i32
        %lt3A_526 = arith.constant 0 : i32
        %lt3A_527 = arith.cmpi slt, %rem3A_523, %lt3A_526 : i32
        %lt3A_528 = arith.constant 0 : i32
        %lt3A_529 = arith.cmpi slt, %select_n3A_522, %lt3A_528 : i32
        %ne3A_530 = arith.xori %lt3A_527, %lt3A_529 : i1
        %and3A_531 = arith.andi %ne3A_530, %ne3A_525 : i1
        %add3A_532 = arith.addi %rem3A_523, %select_n3A_522 : i32
        %select_n3A_533 = arith.select %and3A_531, %add3A_532, %rem3A_523 : i32
        %dma_start3A_534 = arith.constant 0 : i32
        %dma_start3A_535 = arith.constant 0 : i32
        %dma_start3A_536 = tpu.memref_slice %arg24[%select_n3A_533, %dma_start3A_534, %dma_start3A_535] : memref<2x8x128xi32, #tpu.memory_space<vmem>> -> memref<1x8x128xi32, #tpu.memory_space<vmem>>
        %dma_start3A_537 = tpu.memref_squeeze %dma_start3A_536 : memref<1x8x128xi32, #tpu.memory_space<vmem>> -> memref<8x128xi32, #tpu.memory_space<vmem>>
        %dma_start3A_538 = tpu.memref_slice %arg7[%multiple_of3A_517, %multiple_of3A] : memref<200x4096xi32, #tpu.memory_space<hbm>> -> memref<8x128xi32, #tpu.memory_space<hbm>>
        %dma_start3A_539 = arith.constant 0 : i32
        %dma_start3A_540 = arith.constant 0 : i32
        %dma_start3A_541 = tpu.memref_slice %arg24[%select_n3A_533, %dma_start3A_539, %dma_start3A_540] : memref<2x8x128xi32, #tpu.memory_space<vmem>> -> memref<1x8x128xi32, #tpu.memory_space<vmem>>
        %dma_start3A_542 = tpu.memref_squeeze %dma_start3A_541 : memref<1x8x128xi32, #tpu.memory_space<vmem>> -> memref<8x128xi32, #tpu.memory_space<vmem>>
        %dma_start3A_543 = tpu.memref_slice %arg7[%multiple_of3A_517, %multiple_of3A] : memref<200x4096xi32, #tpu.memory_space<hbm>> -> memref<8x128xi32, #tpu.memory_space<hbm>>
        tpu.enqueue_dma source(%dma_start3A_543 : memref<8x128xi32, #tpu.memory_space<hbm>>) target(%dma_start3A_542 : memref<8x128xi32, #tpu.memory_space<vmem>>) target_semaphore(%arg31 : memref<!tpu.dma_semaphore, #tpu.memory_space<semaphore_mem>>)
      } else {
      }
      %jit3A_260 = arith.constant 2 : i32
      %eq3A_261 = arith.constant 0 : i32
      %eq3A_262 = arith.cmpi eq, %jit3A_260, %eq3A_261 : i32
      %jit3A_263 = arith.constant 1 : i32
      %select_n3A_264 = arith.select %eq3A_262, %jit3A_263, %jit3A_260 : i32
      %rem3A_265 = arith.remsi %scan3A_241, %select_n3A_264 : i32
      %ne3A_266 = arith.constant 0 : i32
      %ne3A_267 = arith.cmpi ne, %rem3A_265, %ne3A_266 : i32
      %lt3A_268 = arith.constant 0 : i32
      %lt3A_269 = arith.cmpi slt, %rem3A_265, %lt3A_268 : i32
      %lt3A_270 = arith.constant 0 : i32
      %lt3A_271 = arith.cmpi slt, %select_n3A_264, %lt3A_270 : i32
      %ne3A_272 = arith.xori %lt3A_269, %lt3A_271 : i1
      %and3A_273 = arith.andi %ne3A_272, %ne3A_267 : i1
      %add3A_274 = arith.addi %rem3A_265, %select_n3A_264 : i32
      %select_n3A_275 = arith.select %and3A_273, %add3A_274, %rem3A_265 : i32
      %eq3A_276 = arith.constant 1 : i32
      %eq3A_277 = arith.cmpi eq, %select_n3A_275, %eq3A_276 : i32
      %lt3A_278 = arith.constant 48 : i32
      %lt3A_279 = arith.cmpi slt, %scan3A_241, %lt3A_278 : i32
      %and3A_280 = arith.andi %eq3A_277, %lt3A_279 : i1
      %convert_element_type3A_281 = arith.extui %and3A_280 : i1 to i32
      %cond3A_282 = arith.constant 0 : i32
      %cond3A_283 = arith.cmpi ne, %convert_element_type3A_281, %cond3A_282 : i32
      scf.if %cond3A_283 {
        %dma_wait3A_491 = arith.constant 0 : i32
        %dma_wait3A_492 = arith.constant 0 : i32
        %dma_wait3A_493 = arith.constant 0 : i32
        %dma_wait3A_494 = tpu.memref_slice %arg24[%dma_wait3A_491, %dma_wait3A_492, %dma_wait3A_493] : memref<2x8x128xi32, #tpu.memory_space<vmem>> -> memref<1x8x128xi32, #tpu.memory_space<vmem>>
        %dma_wait3A_495 = tpu.memref_squeeze %dma_wait3A_494 : memref<1x8x128xi32, #tpu.memory_space<vmem>> -> memref<8x128xi32, #tpu.memory_space<vmem>>
        %dma_wait3A_496 = arith.constant 0 : i32
        %dma_wait3A_497 = tpu.memref_slice %arg7[%dma_wait3A_496, %multiple_of3A] : memref<200x4096xi32, #tpu.memory_space<hbm>> -> memref<8x128xi32, #tpu.memory_space<hbm>>
        %dma_wait3A_498 = arith.constant 0 : i32
        %dma_wait3A_499 = arith.constant 0 : i32
        %dma_wait3A_500 = tpu.memref_slice %arg24[%dma_wait3A_491, %dma_wait3A_498, %dma_wait3A_499] : memref<2x8x128xi32, #tpu.memory_space<vmem>> -> memref<1x8x128xi32, #tpu.memory_space<vmem>>
        %dma_wait3A_501 = tpu.memref_squeeze %dma_wait3A_500 : memref<1x8x128xi32, #tpu.memory_space<vmem>> -> memref<8x128xi32, #tpu.memory_space<vmem>>
        %dma_wait3A_502 = arith.constant 0 : i32
        %dma_wait3A_503 = tpu.memref_slice %arg7[%dma_wait3A_502, %multiple_of3A] : memref<200x4096xi32, #tpu.memory_space<hbm>> -> memref<8x128xi32, #tpu.memory_space<hbm>>
        tpu.wait_dma2 semaphore(%arg31 : memref<!tpu.dma_semaphore, #tpu.memory_space<semaphore_mem>>) src(%dma_wait3A_503 : memref<8x128xi32, #tpu.memory_space<hbm>>) dst(%dma_wait3A_501 : memref<8x128xi32, #tpu.memory_space<vmem>>)
      } else {
      }
      %mul3A_284 = arith.constant 4 : i32
      %mul3A_285 = arith.muli %mul3A_284, %scan3A_241 : i32
      %add3A_286 = arith.constant 0 : i32
      %add3A_287 = arith.addi %mul3A_285, %add3A_286 : i32
      %dma_wait3A_288 = arith.constant 0 : i32
      %dma_wait3A_289 = arith.constant 0 : i32
      %dma_wait3A_290 = arith.constant 0 : i32
      %dma_wait3A_291 = arith.constant 0 : i32
      %dma_wait3A_292 = arith.constant 0 : i32
      %dma_wait3A_293 = tpu.memref_slice %arg25[%dma_wait3A_290, %dma_wait3A_291, %dma_wait3A_292] : memref<4x128x128xf32, #tpu.memory_space<vmem>> -> memref<1x128x128xf32, #tpu.memory_space<vmem>>
      %dma_wait3A_294 = tpu.memref_squeeze %dma_wait3A_293 : memref<1x128x128xf32, #tpu.memory_space<vmem>> -> memref<128x128xf32, #tpu.memory_space<vmem>>
      %dma_wait3A_295 = arith.constant 0 : i32
      %dma_wait3A_296 = tpu.memref_slice %arg24[%dma_wait3A_288, %dma_wait3A_289, %dma_wait3A_295] : memref<2x8x128xi32, #tpu.memory_space<vmem>> -> memref<1x1x128xi32, #tpu.memory_space<vmem>>
      %dma_wait3A_297 = tpu.memref_squeeze %dma_wait3A_296 : memref<1x1x128xi32, #tpu.memory_space<vmem>> -> memref<128xi32, #tpu.memory_space<vmem>>
      %dma_wait3A_298 = arith.constant 0 : i32
      %dma_wait3A_299 = arith.constant 0 : i32
      %dma_wait3A_300 = tpu.memref_slice %arg12[%dma_wait3A_298, %dma_wait3A_299] : memref<100000x128xf32, #tpu.memory_space<hbm>> -> memref<100000x128xf32, #tpu.memory_space<hbm>>
      tpu.wait_indirect_dma semaphore(%arg29 : memref<!tpu.dma_semaphore, #tpu.memory_space<semaphore_mem>>) src(%dma_wait3A_300 : memref<100000x128xf32, #tpu.memory_space<hbm>>) dst(%dma_wait3A_294 : memref<128x128xf32, #tpu.memory_space<vmem>>)
      %ge3A = arith.constant 2 : i32
      %ge3A_301 = arith.cmpi sge, %add3A_287, %ge3A : i32
      %convert_element_type3A_302 = arith.extui %ge3A_301 : i1 to i32
      %cond3A_303 = arith.constant 0 : i32
      %cond3A_304 = arith.cmpi ne, %convert_element_type3A_302, %cond3A_303 : i32
      scf.if %cond3A_304 {
        %sub3A_491 = arith.constant 2 : i32
        %sub3A_492 = arith.subi %add3A_287, %sub3A_491 : i32
        %mul3A_493 = arith.constant 64 : i32
        %mul3A_494 = arith.muli %sub3A_492, %mul3A_493 : i32
        %multiple_of3A_495 = tpu.assume_multiple %mul3A_494, 64 : i32
        %dma_wait3A_496 = arith.constant 0 : i32
        %dma_wait3A_497 = arith.constant 0 : i32
        %dma_wait3A_498 = arith.constant 0 : i32
        %dma_wait3A_499 = tpu.memref_slice %arg26[%dma_wait3A_496, %dma_wait3A_497, %dma_wait3A_498] : memref<2x64x128xf32, #tpu.memory_space<vmem>> -> memref<1x64x128xf32, #tpu.memory_space<vmem>>
        %dma_wait3A_500 = tpu.memref_squeeze %dma_wait3A_499 : memref<1x64x128xf32, #tpu.memory_space<vmem>> -> memref<64x128xf32, #tpu.memory_space<vmem>>
        %dma_wait3A_501 = tpu.memref_slice %arg13[%multiple_of3A_495, %multiple_of3A] : memref<12800x4096xf32, #tpu.memory_space<hbm>> -> memref<64x128xf32, #tpu.memory_space<hbm>>
        %dma_wait3A_502 = tpu.memref_slice %arg13[%multiple_of3A_495, %multiple_of3A] : memref<12800x4096xf32, #tpu.memory_space<hbm>> -> memref<64x128xf32, #tpu.memory_space<hbm>>
        %dma_wait3A_503 = arith.constant 0 : i32
        %dma_wait3A_504 = arith.constant 0 : i32
        %dma_wait3A_505 = tpu.memref_slice %arg26[%dma_wait3A_496, %dma_wait3A_503, %dma_wait3A_504] : memref<2x64x128xf32, #tpu.memory_space<vmem>> -> memref<1x64x128xf32, #tpu.memory_space<vmem>>
        %dma_wait3A_506 = tpu.memref_squeeze %dma_wait3A_505 : memref<1x64x128xf32, #tpu.memory_space<vmem>> -> memref<64x128xf32, #tpu.memory_space<vmem>>
        tpu.wait_dma2 semaphore(%arg30 : memref<!tpu.dma_semaphore, #tpu.memory_space<semaphore_mem>>) src(%dma_wait3A_506 : memref<64x128xf32, #tpu.memory_space<vmem>>) dst(%dma_wait3A_502 : memref<64x128xf32, #tpu.memory_space<hbm>>)
      } else {
      }
      %broadcast_in_dim3A_305 = arith.constant 0 : i32
      %broadcast_in_dim3A_306 = vector.broadcast %broadcast_in_dim3A_305 : i32 to vector<16xi32>
      %scan3A_307 = arith.constant 0 : i32
      %scan3A_308 = arith.constant 0 : i32
      %scan3A_309 = arith.constant 64 : i32
      %scan3A_310 = arith.addi %scan3A_308, %scan3A_309 : i32
      %scan3A_311 = arith.constant 1 : i32
      %scan3A_312 = scf.for %scan3A_491 = %scan3A_308 to %scan3A_310 step %scan3A_311 iter_args(%scan3A_492 = %broadcast_in_dim3A_306) -> (vector<16xi32>)  : i32 {
        %add3A_493 = arith.constant 1 : i32
        %add3A_494 = vector.broadcast %add3A_493 : i32 to vector<16xi32>
        %add3A_495 = arith.addi %scan3A_492, %add3A_494 : vector<16xi32>
        %mul3A_496 = arith.constant 2 : i32
        %mul3A_497 = arith.muli %mul3A_496, %scan3A_491 : i32
        %get3A_498 = arith.constant 0 : i32
        %get3A_499 = arith.index_cast %get3A_498 : i32 to index
        %get3A_500 = arith.index_cast %mul3A_497 : i32 to index
        %get3A_501 = arith.constant 0 : index
        %get3A_502 = tpu.vector_load %arg25[%get3A_499, %get3A_500, %get3A_501] {strides = array<i32>} : memref<4x128x128xf32, #tpu.memory_space<vmem>>, vector<16xf32>,
        %mul3A_503 = arith.constant 2 : i32
        %mul3A_504 = arith.muli %mul3A_503, %scan3A_491 : i32
        %get3A_505 = arith.constant 0 : i32
        %get3A_506 = arith.index_cast %get3A_505 : i32 to index
        %get3A_507 = arith.index_cast %mul3A_504 : i32 to index
        %get3A_508 = arith.constant 16 : index
        %get3A_509 = tpu.vector_load %arg25[%get3A_506, %get3A_507, %get3A_508] {strides = array<i32>} : memref<4x128x128xf32, #tpu.memory_space<vmem>>, vector<16xf32>,
        %mul3A_510 = arith.constant 2 : i32
        %mul3A_511 = arith.muli %mul3A_510, %scan3A_491 : i32
        %get3A_512 = arith.constant 0 : i32
        %get3A_513 = arith.index_cast %get3A_512 : i32 to index
        %get3A_514 = arith.index_cast %mul3A_511 : i32 to index
        %get3A_515 = arith.constant 32 : index
        %get3A_516 = tpu.vector_load %arg25[%get3A_513, %get3A_514, %get3A_515] {strides = array<i32>} : memref<4x128x128xf32, #tpu.memory_space<vmem>>, vector<16xf32>,
        %mul3A_517 = arith.constant 2 : i32
        %mul3A_518 = arith.muli %mul3A_517, %scan3A_491 : i32
        %get3A_519 = arith.constant 0 : i32
        %get3A_520 = arith.index_cast %get3A_519 : i32 to index
        %get3A_521 = arith.index_cast %mul3A_518 : i32 to index
        %get3A_522 = arith.constant 48 : index
        %get3A_523 = tpu.vector_load %arg25[%get3A_520, %get3A_521, %get3A_522] {strides = array<i32>} : memref<4x128x128xf32, #tpu.memory_space<vmem>>, vector<16xf32>,
        %mul3A_524 = arith.constant 2 : i32
        %mul3A_525 = arith.muli %mul3A_524, %scan3A_491 : i32
        %add3A_526 = arith.constant 1 : i32
        %add3A_527 = arith.addi %mul3A_525, %add3A_526 : i32
        %get3A_528 = arith.constant 0 : i32
        %get3A_529 = arith.index_cast %get3A_528 : i32 to index
        %get3A_530 = arith.index_cast %add3A_527 : i32 to index
        %get3A_531 = arith.constant 0 : index
        %get3A_532 = tpu.vector_load %arg25[%get3A_529, %get3A_530, %get3A_531] {strides = array<i32>} : memref<4x128x128xf32, #tpu.memory_space<vmem>>, vector<16xf32>,
        %mul3A_533 = arith.constant 2 : i32
        %mul3A_534 = arith.muli %mul3A_533, %scan3A_491 : i32
        %add3A_535 = arith.constant 1 : i32
        %add3A_536 = arith.addi %mul3A_534, %add3A_535 : i32
        %get3A_537 = arith.constant 0 : i32
        %get3A_538 = arith.index_cast %get3A_537 : i32 to index
        %get3A_539 = arith.index_cast %add3A_536 : i32 to index
        %get3A_540 = arith.constant 16 : index
        %get3A_541 = tpu.vector_load %arg25[%get3A_538, %get3A_539, %get3A_540] {strides = array<i32>} : memref<4x128x128xf32, #tpu.memory_space<vmem>>, vector<16xf32>,
        %mul3A_542 = arith.constant 2 : i32
        %mul3A_543 = arith.muli %mul3A_542, %scan3A_491 : i32
        %add3A_544 = arith.constant 1 : i32
        %add3A_545 = arith.addi %mul3A_543, %add3A_544 : i32
        %get3A_546 = arith.constant 0 : i32
        %get3A_547 = arith.index_cast %get3A_546 : i32 to index
        %get3A_548 = arith.index_cast %add3A_545 : i32 to index
        %get3A_549 = arith.constant 32 : index
        %get3A_550 = tpu.vector_load %arg25[%get3A_547, %get3A_548, %get3A_549] {strides = array<i32>} : memref<4x128x128xf32, #tpu.memory_space<vmem>>, vector<16xf32>,
        %mul3A_551 = arith.constant 2 : i32
        %mul3A_552 = arith.muli %mul3A_551, %scan3A_491 : i32
        %add3A_553 = arith.constant 1 : i32
        %add3A_554 = arith.addi %mul3A_552, %add3A_553 : i32
        %get3A_555 = arith.constant 0 : i32
        %get3A_556 = arith.index_cast %get3A_555 : i32 to index
        %get3A_557 = arith.index_cast %add3A_554 : i32 to index
        %get3A_558 = arith.constant 48 : index
        %get3A_559 = tpu.vector_load %arg25[%get3A_556, %get3A_557, %get3A_558] {strides = array<i32>} : memref<4x128x128xf32, #tpu.memory_space<vmem>>, vector<16xf32>,
        %scatter3A = arith.constant 0 : i32
        %scatter3A_560 = arith.constant 0 : i32
        %scatter3A_561 = tpu.memref_slice %arg26[%scan3A_307, %scatter3A, %scatter3A_560] : memref<2x64x128xf32, #tpu.memory_space<vmem>> -> memref<1x64x128xf32, #tpu.memory_space<vmem>>
        %scatter3A_562 = tpu.memref_squeeze %scatter3A_561 : memref<1x64x128xf32, #tpu.memory_space<vmem>> -> memref<64x128xf32, #tpu.memory_space<vmem>>
        tpu.vector_store_idx %scatter3A_562[%add3A_5, %scan3A_492], %get3A_502 : memref<64x128xf32, #tpu.memory_space<vmem>>[vector<16xi32>, vector<16xi32>], vector<16xf32>,
        %scatter3A_563 = arith.constant 0 : i32
        %scatter3A_564 = arith.constant 0 : i32
        %scatter3A_565 = tpu.memref_slice %arg26[%scan3A_307, %scatter3A_563, %scatter3A_564] : memref<2x64x128xf32, #tpu.memory_space<vmem>> -> memref<1x64x128xf32, #tpu.memory_space<vmem>>
        %scatter3A_566 = tpu.memref_squeeze %scatter3A_565 : memref<1x64x128xf32, #tpu.memory_space<vmem>> -> memref<64x128xf32, #tpu.memory_space<vmem>>
        tpu.vector_store_idx %scatter3A_566[%add3A_8, %scan3A_492], %get3A_509 : memref<64x128xf32, #tpu.memory_space<vmem>>[vector<16xi32>, vector<16xi32>], vector<16xf32>,
        %scatter3A_567 = arith.constant 0 : i32
        %scatter3A_568 = arith.constant 0 : i32
        %scatter3A_569 = tpu.memref_slice %arg26[%scan3A_307, %scatter3A_567, %scatter3A_568] : memref<2x64x128xf32, #tpu.memory_space<vmem>> -> memref<1x64x128xf32, #tpu.memory_space<vmem>>
        %scatter3A_570 = tpu.memref_squeeze %scatter3A_569 : memref<1x64x128xf32, #tpu.memory_space<vmem>> -> memref<64x128xf32, #tpu.memory_space<vmem>>
        tpu.vector_store_idx %scatter3A_570[%add3A_11, %scan3A_492], %get3A_516 : memref<64x128xf32, #tpu.memory_space<vmem>>[vector<16xi32>, vector<16xi32>], vector<16xf32>,
        %scatter3A_571 = arith.constant 0 : i32
        %scatter3A_572 = arith.constant 0 : i32
        %scatter3A_573 = tpu.memref_slice %arg26[%scan3A_307, %scatter3A_571, %scatter3A_572] : memref<2x64x128xf32, #tpu.memory_space<vmem>> -> memref<1x64x128xf32, #tpu.memory_space<vmem>>
        %scatter3A_574 = tpu.memref_squeeze %scatter3A_573 : memref<1x64x128xf32, #tpu.memory_space<vmem>> -> memref<64x128xf32, #tpu.memory_space<vmem>>
        tpu.vector_store_idx %scatter3A_574[%add3A_14, %scan3A_492], %get3A_523 : memref<64x128xf32, #tpu.memory_space<vmem>>[vector<16xi32>, vector<16xi32>], vector<16xf32>,
        %scatter3A_575 = arith.constant 0 : i32
        %scatter3A_576 = arith.constant 0 : i32
        %scatter3A_577 = tpu.memref_slice %arg26[%scan3A_307, %scatter3A_575, %scatter3A_576] : memref<2x64x128xf32, #tpu.memory_space<vmem>> -> memref<1x64x128xf32, #tpu.memory_space<vmem>>
        %scatter3A_578 = tpu.memref_squeeze %scatter3A_577 : memref<1x64x128xf32, #tpu.memory_space<vmem>> -> memref<64x128xf32, #tpu.memory_space<vmem>>
        tpu.vector_store_idx %scatter3A_578[%add3A_5, %add3A_495], %get3A_532 : memref<64x128xf32, #tpu.memory_space<vmem>>[vector<16xi32>, vector<16xi32>], vector<16xf32>,
        %scatter3A_579 = arith.constant 0 : i32
        %scatter3A_580 = arith.constant 0 : i32
        %scatter3A_581 = tpu.memref_slice %arg26[%scan3A_307, %scatter3A_579, %scatter3A_580] : memref<2x64x128xf32, #tpu.memory_space<vmem>> -> memref<1x64x128xf32, #tpu.memory_space<vmem>>
        %scatter3A_582 = tpu.memref_squeeze %scatter3A_581 : memref<1x64x128xf32, #tpu.memory_space<vmem>> -> memref<64x128xf32, #tpu.memory_space<vmem>>
        tpu.vector_store_idx %scatter3A_582[%add3A_8, %add3A_495], %get3A_541 : memref<64x128xf32, #tpu.memory_space<vmem>>[vector<16xi32>, vector<16xi32>], vector<16xf32>,
        %scatter3A_583 = arith.constant 0 : i32
        %scatter3A_584 = arith.constant 0 : i32
        %scatter3A_585 = tpu.memref_slice %arg26[%scan3A_307, %scatter3A_583, %scatter3A_584] : memref<2x64x128xf32, #tpu.memory_space<vmem>> -> memref<1x64x128xf32, #tpu.memory_space<vmem>>
        %scatter3A_586 = tpu.memref_squeeze %scatter3A_585 : memref<1x64x128xf32, #tpu.memory_space<vmem>> -> memref<64x128xf32, #tpu.memory_space<vmem>>
        tpu.vector_store_idx %scatter3A_586[%add3A_11, %add3A_495], %get3A_550 : memref<64x128xf32, #tpu.memory_space<vmem>>[vector<16xi32>, vector<16xi32>], vector<16xf32>,
        %scatter3A_587 = arith.constant 0 : i32
        %scatter3A_588 = arith.constant 0 : i32
        %scatter3A_589 = tpu.memref_slice %arg26[%scan3A_307, %scatter3A_587, %scatter3A_588] : memref<2x64x128xf32, #tpu.memory_space<vmem>> -> memref<1x64x128xf32, #tpu.memory_space<vmem>>
        %scatter3A_590 = tpu.memref_squeeze %scatter3A_589 : memref<1x64x128xf32, #tpu.memory_space<vmem>> -> memref<64x128xf32, #tpu.memory_space<vmem>>
        tpu.vector_store_idx %scatter3A_590[%add3A_14, %add3A_495], %get3A_559 : memref<64x128xf32, #tpu.memory_space<vmem>>[vector<16xi32>, vector<16xi32>], vector<16xf32>,
        %add3A_591 = arith.constant 2 : i32
        %add3A_592 = vector.broadcast %add3A_591 : i32 to vector<16xi32>
        %add3A_593 = arith.addi %scan3A_492, %add3A_592 : vector<16xi32>
        scf.yield %add3A_593 : vector<16xi32>
      }
      %scan3A_313 = arith.constant 64 : i32
      %mul3A_314 = arith.constant 64 : i32
      %mul3A_315 = arith.muli %add3A_287, %mul3A_314 : i32
      %multiple_of3A_316 = tpu.assume_multiple %mul3A_315, 64 : i32
      %dma_start3A_317 = arith.constant 0 : i32
      %dma_start3A_318 = arith.constant 0 : i32
      %dma_start3A_319 = arith.constant 0 : i32
      %dma_start3A_320 = tpu.memref_slice %arg26[%dma_start3A_317, %dma_start3A_318, %dma_start3A_319] : memref<2x64x128xf32, #tpu.memory_space<vmem>> -> memref<1x64x128xf32, #tpu.memory_space<vmem>>
      %dma_start3A_321 = tpu.memref_squeeze %dma_start3A_320 : memref<1x64x128xf32, #tpu.memory_space<vmem>> -> memref<64x128xf32, #tpu.memory_space<vmem>>
      %dma_start3A_322 = tpu.memref_slice %arg13[%multiple_of3A_316, %multiple_of3A] : memref<12800x4096xf32, #tpu.memory_space<hbm>> -> memref<64x128xf32, #tpu.memory_space<hbm>>
      %dma_start3A_323 = tpu.memref_slice %arg13[%multiple_of3A_316, %multiple_of3A] : memref<12800x4096xf32, #tpu.memory_space<hbm>> -> memref<64x128xf32, #tpu.memory_space<hbm>>
      %dma_start3A_324 = arith.constant 0 : i32
      %dma_start3A_325 = arith.constant 0 : i32
      %dma_start3A_326 = tpu.memref_slice %arg26[%dma_start3A_317, %dma_start3A_324, %dma_start3A_325] : memref<2x64x128xf32, #tpu.memory_space<vmem>> -> memref<1x64x128xf32, #tpu.memory_space<vmem>>
      %dma_start3A_327 = tpu.memref_squeeze %dma_start3A_326 : memref<1x64x128xf32, #tpu.memory_space<vmem>> -> memref<64x128xf32, #tpu.memory_space<vmem>>
      tpu.enqueue_dma source(%dma_start3A_327 : memref<64x128xf32, #tpu.memory_space<vmem>>) target(%dma_start3A_323 : memref<64x128xf32, #tpu.memory_space<hbm>>) target_semaphore(%arg30 : memref<!tpu.dma_semaphore, #tpu.memory_space<semaphore_mem>>)
      %add3A_328 = arith.constant 4 : i32
      %add3A_329 = arith.addi %add3A_287, %add3A_328 : i32
      %lt3A_330 = arith.constant 200 : i32
      %lt3A_331 = arith.cmpi slt, %add3A_329, %lt3A_330 : i32
      %convert_element_type3A_332 = arith.extui %lt3A_331 : i1 to i32
      %cond3A_333 = arith.constant 0 : i32
      %cond3A_334 = arith.cmpi ne, %convert_element_type3A_332, %cond3A_333 : i32
      scf.if %cond3A_334 {
        %add3A_491 = arith.constant 4 : i32
        %add3A_492 = arith.addi %add3A_287, %add3A_491 : i32
        %jit3A_493 = arith.constant 8 : i32
        %div3A = arith.divsi %add3A_492, %jit3A_493 : i32
        %sign3A = arith.constant 0 : i32
        %sign3A_494 = arith.cmpi sgt, %add3A_492, %sign3A : i32
        %sign3A_495 = arith.extui %sign3A_494 : i1 to i32
        %sign3A_496 = arith.constant 0 : i32
        %sign3A_497 = arith.cmpi slt, %add3A_492, %sign3A_496 : i32
        %sign3A_498 = arith.extui %sign3A_497 : i1 to i32
        %sign3A_499 = arith.subi %sign3A_495, %sign3A_498 : i32
        %sign3A_500 = arith.constant 0 : i32
        %sign3A_501 = arith.cmpi sgt, %jit3A_493, %sign3A_500 : i32
        %sign3A_502 = arith.extui %sign3A_501 : i1 to i32
        %sign3A_503 = arith.constant 0 : i32
        %sign3A_504 = arith.cmpi slt, %jit3A_493, %sign3A_503 : i32
        %sign3A_505 = arith.extui %sign3A_504 : i1 to i32
        %sign3A_506 = arith.subi %sign3A_502, %sign3A_505 : i32
        %ne3A_507 = arith.cmpi ne, %sign3A_499, %sign3A_506 : i32
        %rem3A_508 = arith.remsi %add3A_492, %jit3A_493 : i32
        %ne3A_509 = arith.constant 0 : i32
        %ne3A_510 = arith.cmpi ne, %rem3A_508, %ne3A_509 : i32
        %and3A_511 = arith.andi %ne3A_507, %ne3A_510 : i1
        %sub3A_512 = arith.constant 1 : i32
        %sub3A_513 = arith.subi %div3A, %sub3A_512 : i32
        %select_n3A_514 = arith.select %and3A_511, %sub3A_513, %div3A : i32
        %jit3A_515 = arith.constant 2 : i32
        %eq3A_516 = arith.constant 0 : i32
        %eq3A_517 = arith.cmpi eq, %jit3A_515, %eq3A_516 : i32
        %jit3A_518 = arith.constant 1 : i32
        %select_n3A_519 = arith.select %eq3A_517, %jit3A_518, %jit3A_515 : i32
        %rem3A_520 = arith.remsi %select_n3A_514, %select_n3A_519 : i32
        %ne3A_521 = arith.constant 0 : i32
        %ne3A_522 = arith.cmpi ne, %rem3A_520, %ne3A_521 : i32
        %lt3A_523 = arith.constant 0 : i32
        %lt3A_524 = arith.cmpi slt, %rem3A_520, %lt3A_523 : i32
        %lt3A_525 = arith.constant 0 : i32
        %lt3A_526 = arith.cmpi slt, %select_n3A_519, %lt3A_525 : i32
        %ne3A_527 = arith.xori %lt3A_524, %lt3A_526 : i1
        %and3A_528 = arith.andi %ne3A_527, %ne3A_522 : i1
        %add3A_529 = arith.addi %rem3A_520, %select_n3A_519 : i32
        %select_n3A_530 = arith.select %and3A_528, %add3A_529, %rem3A_520 : i32
        %jit3A_531 = arith.constant 8 : i32
        %eq3A_532 = arith.constant 0 : i32
        %eq3A_533 = arith.cmpi eq, %jit3A_531, %eq3A_532 : i32
        %jit3A_534 = arith.constant 1 : i32
        %select_n3A_535 = arith.select %eq3A_533, %jit3A_534, %jit3A_531 : i32
        %rem3A_536 = arith.remsi %add3A_492, %select_n3A_535 : i32
        %ne3A_537 = arith.constant 0 : i32
        %ne3A_538 = arith.cmpi ne, %rem3A_536, %ne3A_537 : i32
        %lt3A_539 = arith.constant 0 : i32
        %lt3A_540 = arith.cmpi slt, %rem3A_536, %lt3A_539 : i32
        %lt3A_541 = arith.constant 0 : i32
        %lt3A_542 = arith.cmpi slt, %select_n3A_535, %lt3A_541 : i32
        %ne3A_543 = arith.xori %lt3A_540, %lt3A_542 : i1
        %and3A_544 = arith.andi %ne3A_543, %ne3A_538 : i1
        %add3A_545 = arith.addi %rem3A_536, %select_n3A_535 : i32
        %select_n3A_546 = arith.select %and3A_544, %add3A_545, %rem3A_536 : i32
        %dma_start3A_547 = arith.constant 0 : i32
        %dma_start3A_548 = arith.constant 0 : i32
        %dma_start3A_549 = arith.constant 0 : i32
        %dma_start3A_550 = tpu.memref_slice %arg25[%dma_start3A_547, %dma_start3A_548, %dma_start3A_549] : memref<4x128x128xf32, #tpu.memory_space<vmem>> -> memref<1x128x128xf32, #tpu.memory_space<vmem>>
        %dma_start3A_551 = tpu.memref_squeeze %dma_start3A_550 : memref<1x128x128xf32, #tpu.memory_space<vmem>> -> memref<128x128xf32, #tpu.memory_space<vmem>>
        %dma_start3A_552 = arith.constant 0 : i32
        %dma_start3A_553 = tpu.memref_slice %arg24[%select_n3A_530, %select_n3A_546, %dma_start3A_552] : memref<2x8x128xi32, #tpu.memory_space<vmem>> -> memref<1x1x128xi32, #tpu.memory_space<vmem>>
        %dma_start3A_554 = tpu.memref_squeeze %dma_start3A_553 : memref<1x1x128xi32, #tpu.memory_space<vmem>> -> memref<128xi32, #tpu.memory_space<vmem>>
        %dma_start3A_555 = arith.constant 0 : i32
        %dma_start3A_556 = arith.constant 0 : i32
        %dma_start3A_557 = tpu.memref_slice %arg12[%dma_start3A_555, %dma_start3A_556] : memref<100000x128xf32, #tpu.memory_space<hbm>> -> memref<100000x128xf32, #tpu.memory_space<hbm>>
        tpu.enqueue_indirect_dma source(%dma_start3A_557 : memref<100000x128xf32, #tpu.memory_space<hbm>>) target(%dma_start3A_551 : memref<128x128xf32, #tpu.memory_space<vmem>>) offsets(%dma_start3A_554 : memref<128xi32, #tpu.memory_space<vmem>>) semaphore(%arg29 : memref<!tpu.dma_semaphore, #tpu.memory_space<semaphore_mem>>)
      } else {
      }
      %mul3A_335 = arith.constant 4 : i32
      %mul3A_336 = arith.muli %mul3A_335, %scan3A_241 : i32
      %add3A_337 = arith.constant 1 : i32
      %add3A_338 = arith.addi %mul3A_336, %add3A_337 : i32
      %dma_wait3A_339 = arith.constant 0 : i32
      %dma_wait3A_340 = arith.constant 0 : i32
      %dma_wait3A_341 = arith.constant 1 : i32
      %dma_wait3A_342 = arith.constant 0 : i32
      %dma_wait3A_343 = arith.constant 0 : i32
      %dma_wait3A_344 = tpu.memref_slice %arg25[%dma_wait3A_341, %dma_wait3A_342, %dma_wait3A_343] : memref<4x128x128xf32, #tpu.memory_space<vmem>> -> memref<1x128x128xf32, #tpu.memory_space<vmem>>
      %dma_wait3A_345 = tpu.memref_squeeze %dma_wait3A_344 : memref<1x128x128xf32, #tpu.memory_space<vmem>> -> memref<128x128xf32, #tpu.memory_space<vmem>>
      %dma_wait3A_346 = arith.constant 0 : i32
      %dma_wait3A_347 = tpu.memref_slice %arg24[%dma_wait3A_339, %dma_wait3A_340, %dma_wait3A_346] : memref<2x8x128xi32, #tpu.memory_space<vmem>> -> memref<1x1x128xi32, #tpu.memory_space<vmem>>
      %dma_wait3A_348 = tpu.memref_squeeze %dma_wait3A_347 : memref<1x1x128xi32, #tpu.memory_space<vmem>> -> memref<128xi32, #tpu.memory_space<vmem>>
      %dma_wait3A_349 = arith.constant 0 : i32
      %dma_wait3A_350 = arith.constant 0 : i32
      %dma_wait3A_351 = tpu.memref_slice %arg12[%dma_wait3A_349, %dma_wait3A_350] : memref<100000x128xf32, #tpu.memory_space<hbm>> -> memref<100000x128xf32, #tpu.memory_space<hbm>>
      tpu.wait_indirect_dma semaphore(%arg29 : memref<!tpu.dma_semaphore, #tpu.memory_space<semaphore_mem>>) src(%dma_wait3A_351 : memref<100000x128xf32, #tpu.memory_space<hbm>>) dst(%dma_wait3A_345 : memref<128x128xf32, #tpu.memory_space<vmem>>)
      %ge3A_352 = arith.constant 2 : i32
      %ge3A_353 = arith.cmpi sge, %add3A_338, %ge3A_352 : i32
      %convert_element_type3A_354 = arith.extui %ge3A_353 : i1 to i32
      %cond3A_355 = arith.constant 0 : i32
      %cond3A_356 = arith.cmpi ne, %convert_element_type3A_354, %cond3A_355 : i32
      scf.if %cond3A_356 {
        %sub3A_491 = arith.constant 2 : i32
        %sub3A_492 = arith.subi %add3A_338, %sub3A_491 : i32
        %mul3A_493 = arith.constant 64 : i32
        %mul3A_494 = arith.muli %sub3A_492, %mul3A_493 : i32
        %multiple_of3A_495 = tpu.assume_multiple %mul3A_494, 64 : i32
        %dma_wait3A_496 = arith.constant 1 : i32
        %dma_wait3A_497 = arith.constant 0 : i32
        %dma_wait3A_498 = arith.constant 0 : i32
        %dma_wait3A_499 = tpu.memref_slice %arg26[%dma_wait3A_496, %dma_wait3A_497, %dma_wait3A_498] : memref<2x64x128xf32, #tpu.memory_space<vmem>> -> memref<1x64x128xf32, #tpu.memory_space<vmem>>
        %dma_wait3A_500 = tpu.memref_squeeze %dma_wait3A_499 : memref<1x64x128xf32, #tpu.memory_space<vmem>> -> memref<64x128xf32, #tpu.memory_space<vmem>>
        %dma_wait3A_501 = tpu.memref_slice %arg13[%multiple_of3A_495, %multiple_of3A] : memref<12800x4096xf32, #tpu.memory_space<hbm>> -> memref<64x128xf32, #tpu.memory_space<hbm>>
        %dma_wait3A_502 = tpu.memref_slice %arg13[%multiple_of3A_495, %multiple_of3A] : memref<12800x4096xf32, #tpu.memory_space<hbm>> -> memref<64x128xf32, #tpu.memory_space<hbm>>
        %dma_wait3A_503 = arith.constant 0 : i32
        %dma_wait3A_504 = arith.constant 0 : i32
        %dma_wait3A_505 = tpu.memref_slice %arg26[%dma_wait3A_496, %dma_wait3A_503, %dma_wait3A_504] : memref<2x64x128xf32, #tpu.memory_space<vmem>> -> memref<1x64x128xf32, #tpu.memory_space<vmem>>
        %dma_wait3A_506 = tpu.memref_squeeze %dma_wait3A_505 : memref<1x64x128xf32, #tpu.memory_space<vmem>> -> memref<64x128xf32, #tpu.memory_space<vmem>>
        tpu.wait_dma2 semaphore(%arg30 : memref<!tpu.dma_semaphore, #tpu.memory_space<semaphore_mem>>) src(%dma_wait3A_506 : memref<64x128xf32, #tpu.memory_space<vmem>>) dst(%dma_wait3A_502 : memref<64x128xf32, #tpu.memory_space<hbm>>)
      } else {
      }
      %broadcast_in_dim3A_357 = arith.constant 0 : i32
      %broadcast_in_dim3A_358 = vector.broadcast %broadcast_in_dim3A_357 : i32 to vector<16xi32>
      %scan3A_359 = arith.constant 1 : i32
      %scan3A_360 = arith.constant 0 : i32
      %scan3A_361 = arith.constant 64 : i32
      %scan3A_362 = arith.addi %scan3A_360, %scan3A_361 : i32
      %scan3A_363 = arith.constant 1 : i32
      %scan3A_364 = scf.for %scan3A_491 = %scan3A_360 to %scan3A_362 step %scan3A_363 iter_args(%scan3A_492 = %broadcast_in_dim3A_358) -> (vector<16xi32>)  : i32 {
        %add3A_493 = arith.constant 1 : i32
        %add3A_494 = vector.broadcast %add3A_493 : i32 to vector<16xi32>
        %add3A_495 = arith.addi %scan3A_492, %add3A_494 : vector<16xi32>
        %mul3A_496 = arith.constant 2 : i32
        %mul3A_497 = arith.muli %mul3A_496, %scan3A_491 : i32
        %get3A_498 = arith.constant 1 : i32
        %get3A_499 = arith.index_cast %get3A_498 : i32 to index
        %get3A_500 = arith.index_cast %mul3A_497 : i32 to index
        %get3A_501 = arith.constant 0 : index
        %get3A_502 = tpu.vector_load %arg25[%get3A_499, %get3A_500, %get3A_501] {strides = array<i32>} : memref<4x128x128xf32, #tpu.memory_space<vmem>>, vector<16xf32>,
        %mul3A_503 = arith.constant 2 : i32
        %mul3A_504 = arith.muli %mul3A_503, %scan3A_491 : i32
        %get3A_505 = arith.constant 1 : i32
        %get3A_506 = arith.index_cast %get3A_505 : i32 to index
        %get3A_507 = arith.index_cast %mul3A_504 : i32 to index
        %get3A_508 = arith.constant 16 : index
        %get3A_509 = tpu.vector_load %arg25[%get3A_506, %get3A_507, %get3A_508] {strides = array<i32>} : memref<4x128x128xf32, #tpu.memory_space<vmem>>, vector<16xf32>,
        %mul3A_510 = arith.constant 2 : i32
        %mul3A_511 = arith.muli %mul3A_510, %scan3A_491 : i32
        %get3A_512 = arith.constant 1 : i32
        %get3A_513 = arith.index_cast %get3A_512 : i32 to index
        %get3A_514 = arith.index_cast %mul3A_511 : i32 to index
        %get3A_515 = arith.constant 32 : index
        %get3A_516 = tpu.vector_load %arg25[%get3A_513, %get3A_514, %get3A_515] {strides = array<i32>} : memref<4x128x128xf32, #tpu.memory_space<vmem>>, vector<16xf32>,
        %mul3A_517 = arith.constant 2 : i32
        %mul3A_518 = arith.muli %mul3A_517, %scan3A_491 : i32
        %get3A_519 = arith.constant 1 : i32
        %get3A_520 = arith.index_cast %get3A_519 : i32 to index
        %get3A_521 = arith.index_cast %mul3A_518 : i32 to index
        %get3A_522 = arith.constant 48 : index
        %get3A_523 = tpu.vector_load %arg25[%get3A_520, %get3A_521, %get3A_522] {strides = array<i32>} : memref<4x128x128xf32, #tpu.memory_space<vmem>>, vector<16xf32>,
        %mul3A_524 = arith.constant 2 : i32
        %mul3A_525 = arith.muli %mul3A_524, %scan3A_491 : i32
        %add3A_526 = arith.constant 1 : i32
        %add3A_527 = arith.addi %mul3A_525, %add3A_526 : i32
        %get3A_528 = arith.constant 1 : i32
        %get3A_529 = arith.index_cast %get3A_528 : i32 to index
        %get3A_530 = arith.index_cast %add3A_527 : i32 to index
        %get3A_531 = arith.constant 0 : index
        %get3A_532 = tpu.vector_load %arg25[%get3A_529, %get3A_530, %get3A_531] {strides = array<i32>} : memref<4x128x128xf32, #tpu.memory_space<vmem>>, vector<16xf32>,
        %mul3A_533 = arith.constant 2 : i32
        %mul3A_534 = arith.muli %mul3A_533, %scan3A_491 : i32
        %add3A_535 = arith.constant 1 : i32
        %add3A_536 = arith.addi %mul3A_534, %add3A_535 : i32
        %get3A_537 = arith.constant 1 : i32
        %get3A_538 = arith.index_cast %get3A_537 : i32 to index
        %get3A_539 = arith.index_cast %add3A_536 : i32 to index
        %get3A_540 = arith.constant 16 : index
        %get3A_541 = tpu.vector_load %arg25[%get3A_538, %get3A_539, %get3A_540] {strides = array<i32>} : memref<4x128x128xf32, #tpu.memory_space<vmem>>, vector<16xf32>,
        %mul3A_542 = arith.constant 2 : i32
        %mul3A_543 = arith.muli %mul3A_542, %scan3A_491 : i32
        %add3A_544 = arith.constant 1 : i32
        %add3A_545 = arith.addi %mul3A_543, %add3A_544 : i32
        %get3A_546 = arith.constant 1 : i32
        %get3A_547 = arith.index_cast %get3A_546 : i32 to index
        %get3A_548 = arith.index_cast %add3A_545 : i32 to index
        %get3A_549 = arith.constant 32 : index
        %get3A_550 = tpu.vector_load %arg25[%get3A_547, %get3A_548, %get3A_549] {strides = array<i32>} : memref<4x128x128xf32, #tpu.memory_space<vmem>>, vector<16xf32>,
        %mul3A_551 = arith.constant 2 : i32
        %mul3A_552 = arith.muli %mul3A_551, %scan3A_491 : i32
        %add3A_553 = arith.constant 1 : i32
        %add3A_554 = arith.addi %mul3A_552, %add3A_553 : i32
        %get3A_555 = arith.constant 1 : i32
        %get3A_556 = arith.index_cast %get3A_555 : i32 to index
        %get3A_557 = arith.index_cast %add3A_554 : i32 to index
        %get3A_558 = arith.constant 48 : index
        %get3A_559 = tpu.vector_load %arg25[%get3A_556, %get3A_557, %get3A_558] {strides = array<i32>} : memref<4x128x128xf32, #tpu.memory_space<vmem>>, vector<16xf32>,
        %scatter3A = arith.constant 0 : i32
        %scatter3A_560 = arith.constant 0 : i32
        %scatter3A_561 = tpu.memref_slice %arg26[%scan3A_359, %scatter3A, %scatter3A_560] : memref<2x64x128xf32, #tpu.memory_space<vmem>> -> memref<1x64x128xf32, #tpu.memory_space<vmem>>
        %scatter3A_562 = tpu.memref_squeeze %scatter3A_561 : memref<1x64x128xf32, #tpu.memory_space<vmem>> -> memref<64x128xf32, #tpu.memory_space<vmem>>
        tpu.vector_store_idx %scatter3A_562[%add3A_5, %scan3A_492], %get3A_502 : memref<64x128xf32, #tpu.memory_space<vmem>>[vector<16xi32>, vector<16xi32>], vector<16xf32>,
        %scatter3A_563 = arith.constant 0 : i32
        %scatter3A_564 = arith.constant 0 : i32
        %scatter3A_565 = tpu.memref_slice %arg26[%scan3A_359, %scatter3A_563, %scatter3A_564] : memref<2x64x128xf32, #tpu.memory_space<vmem>> -> memref<1x64x128xf32, #tpu.memory_space<vmem>>
        %scatter3A_566 = tpu.memref_squeeze %scatter3A_565 : memref<1x64x128xf32, #tpu.memory_space<vmem>> -> memref<64x128xf32, #tpu.memory_space<vmem>>
        tpu.vector_store_idx %scatter3A_566[%add3A_8, %scan3A_492], %get3A_509 : memref<64x128xf32, #tpu.memory_space<vmem>>[vector<16xi32>, vector<16xi32>], vector<16xf32>,
        %scatter3A_567 = arith.constant 0 : i32
        %scatter3A_568 = arith.constant 0 : i32
        %scatter3A_569 = tpu.memref_slice %arg26[%scan3A_359, %scatter3A_567, %scatter3A_568] : memref<2x64x128xf32, #tpu.memory_space<vmem>> -> memref<1x64x128xf32, #tpu.memory_space<vmem>>
        %scatter3A_570 = tpu.memref_squeeze %scatter3A_569 : memref<1x64x128xf32, #tpu.memory_space<vmem>> -> memref<64x128xf32, #tpu.memory_space<vmem>>
        tpu.vector_store_idx %scatter3A_570[%add3A_11, %scan3A_492], %get3A_516 : memref<64x128xf32, #tpu.memory_space<vmem>>[vector<16xi32>, vector<16xi32>], vector<16xf32>,
        %scatter3A_571 = arith.constant 0 : i32
        %scatter3A_572 = arith.constant 0 : i32
        %scatter3A_573 = tpu.memref_slice %arg26[%scan3A_359, %scatter3A_571, %scatter3A_572] : memref<2x64x128xf32, #tpu.memory_space<vmem>> -> memref<1x64x128xf32, #tpu.memory_space<vmem>>
        %scatter3A_574 = tpu.memref_squeeze %scatter3A_573 : memref<1x64x128xf32, #tpu.memory_space<vmem>> -> memref<64x128xf32, #tpu.memory_space<vmem>>
        tpu.vector_store_idx %scatter3A_574[%add3A_14, %scan3A_492], %get3A_523 : memref<64x128xf32, #tpu.memory_space<vmem>>[vector<16xi32>, vector<16xi32>], vector<16xf32>,
        %scatter3A_575 = arith.constant 0 : i32
        %scatter3A_576 = arith.constant 0 : i32
        %scatter3A_577 = tpu.memref_slice %arg26[%scan3A_359, %scatter3A_575, %scatter3A_576] : memref<2x64x128xf32, #tpu.memory_space<vmem>> -> memref<1x64x128xf32, #tpu.memory_space<vmem>>
        %scatter3A_578 = tpu.memref_squeeze %scatter3A_577 : memref<1x64x128xf32, #tpu.memory_space<vmem>> -> memref<64x128xf32, #tpu.memory_space<vmem>>
        tpu.vector_store_idx %scatter3A_578[%add3A_5, %add3A_495], %get3A_532 : memref<64x128xf32, #tpu.memory_space<vmem>>[vector<16xi32>, vector<16xi32>], vector<16xf32>,
        %scatter3A_579 = arith.constant 0 : i32
        %scatter3A_580 = arith.constant 0 : i32
        %scatter3A_581 = tpu.memref_slice %arg26[%scan3A_359, %scatter3A_579, %scatter3A_580] : memref<2x64x128xf32, #tpu.memory_space<vmem>> -> memref<1x64x128xf32, #tpu.memory_space<vmem>>
        %scatter3A_582 = tpu.memref_squeeze %scatter3A_581 : memref<1x64x128xf32, #tpu.memory_space<vmem>> -> memref<64x128xf32, #tpu.memory_space<vmem>>
        tpu.vector_store_idx %scatter3A_582[%add3A_8, %add3A_495], %get3A_541 : memref<64x128xf32, #tpu.memory_space<vmem>>[vector<16xi32>, vector<16xi32>], vector<16xf32>,
        %scatter3A_583 = arith.constant 0 : i32
        %scatter3A_584 = arith.constant 0 : i32
        %scatter3A_585 = tpu.memref_slice %arg26[%scan3A_359, %scatter3A_583, %scatter3A_584] : memref<2x64x128xf32, #tpu.memory_space<vmem>> -> memref<1x64x128xf32, #tpu.memory_space<vmem>>
        %scatter3A_586 = tpu.memref_squeeze %scatter3A_585 : memref<1x64x128xf32, #tpu.memory_space<vmem>> -> memref<64x128xf32, #tpu.memory_space<vmem>>
        tpu.vector_store_idx %scatter3A_586[%add3A_11, %add3A_495], %get3A_550 : memref<64x128xf32, #tpu.memory_space<vmem>>[vector<16xi32>, vector<16xi32>], vector<16xf32>,
        %scatter3A_587 = arith.constant 0 : i32
        %scatter3A_588 = arith.constant 0 : i32
        %scatter3A_589 = tpu.memref_slice %arg26[%scan3A_359, %scatter3A_587, %scatter3A_588] : memref<2x64x128xf32, #tpu.memory_space<vmem>> -> memref<1x64x128xf32, #tpu.memory_space<vmem>>
        %scatter3A_590 = tpu.memref_squeeze %scatter3A_589 : memref<1x64x128xf32, #tpu.memory_space<vmem>> -> memref<64x128xf32, #tpu.memory_space<vmem>>
        tpu.vector_store_idx %scatter3A_590[%add3A_14, %add3A_495], %get3A_559 : memref<64x128xf32, #tpu.memory_space<vmem>>[vector<16xi32>, vector<16xi32>], vector<16xf32>,
        %add3A_591 = arith.constant 2 : i32
        %add3A_592 = vector.broadcast %add3A_591 : i32 to vector<16xi32>
        %add3A_593 = arith.addi %scan3A_492, %add3A_592 : vector<16xi32>
        scf.yield %add3A_593 : vector<16xi32>
      }
      %scan3A_365 = arith.constant 64 : i32
      %mul3A_366 = arith.constant 64 : i32
      %mul3A_367 = arith.muli %add3A_338, %mul3A_366 : i32
      %multiple_of3A_368 = tpu.assume_multiple %mul3A_367, 64 : i32
      %dma_start3A_369 = arith.constant 1 : i32
      %dma_start3A_370 = arith.constant 0 : i32
      %dma_start3A_371 = arith.constant 0 : i32
      %dma_start3A_372 = tpu.memref_slice %arg26[%dma_start3A_369, %dma_start3A_370, %dma_start3A_371] : memref<2x64x128xf32, #tpu.memory_space<vmem>> -> memref<1x64x128xf32, #tpu.memory_space<vmem>>
      %dma_start3A_373 = tpu.memref_squeeze %dma_start3A_372 : memref<1x64x128xf32, #tpu.memory_space<vmem>> -> memref<64x128xf32, #tpu.memory_space<vmem>>
      %dma_start3A_374 = tpu.memref_slice %arg13[%multiple_of3A_368, %multiple_of3A] : memref<12800x4096xf32, #tpu.memory_space<hbm>> -> memref<64x128xf32, #tpu.memory_space<hbm>>
      %dma_start3A_375 = tpu.memref_slice %arg13[%multiple_of3A_368, %multiple_of3A] : memref<12800x4096xf32, #tpu.memory_space<hbm>> -> memref<64x128xf32, #tpu.memory_space<hbm>>
      %dma_start3A_376 = arith.constant 0 : i32
      %dma_start3A_377 = arith.constant 0 : i32
      %dma_start3A_378 = tpu.memref_slice %arg26[%dma_start3A_369, %dma_start3A_376, %dma_start3A_377] : memref<2x64x128xf32, #tpu.memory_space<vmem>> -> memref<1x64x128xf32, #tpu.memory_space<vmem>>
      %dma_start3A_379 = tpu.memref_squeeze %dma_start3A_378 : memref<1x64x128xf32, #tpu.memory_space<vmem>> -> memref<64x128xf32, #tpu.memory_space<vmem>>
      tpu.enqueue_dma source(%dma_start3A_379 : memref<64x128xf32, #tpu.memory_space<vmem>>) target(%dma_start3A_375 : memref<64x128xf32, #tpu.memory_space<hbm>>) target_semaphore(%arg30 : memref<!tpu.dma_semaphore, #tpu.memory_space<semaphore_mem>>)
      %add3A_380 = arith.constant 4 : i32
      %add3A_381 = arith.addi %add3A_338, %add3A_380 : i32
      %lt3A_382 = arith.constant 200 : i32
      %lt3A_383 = arith.cmpi slt, %add3A_381, %lt3A_382 : i32
      %convert_element_type3A_384 = arith.extui %lt3A_383 : i1 to i32
      %cond3A_385 = arith.constant 0 : i32
      %cond3A_386 = arith.cmpi ne, %convert_element_type3A_384, %cond3A_385 : i32
      scf.if %cond3A_386 {
        %add3A_491 = arith.constant 4 : i32
        %add3A_492 = arith.addi %add3A_338, %add3A_491 : i32
        %jit3A_493 = arith.constant 8 : i32
        %div3A = arith.divsi %add3A_492, %jit3A_493 : i32
        %sign3A = arith.constant 0 : i32
        %sign3A_494 = arith.cmpi sgt, %add3A_492, %sign3A : i32
        %sign3A_495 = arith.extui %sign3A_494 : i1 to i32
        %sign3A_496 = arith.constant 0 : i32
        %sign3A_497 = arith.cmpi slt, %add3A_492, %sign3A_496 : i32
        %sign3A_498 = arith.extui %sign3A_497 : i1 to i32
        %sign3A_499 = arith.subi %sign3A_495, %sign3A_498 : i32
        %sign3A_500 = arith.constant 0 : i32
        %sign3A_501 = arith.cmpi sgt, %jit3A_493, %sign3A_500 : i32
        %sign3A_502 = arith.extui %sign3A_501 : i1 to i32
        %sign3A_503 = arith.constant 0 : i32
        %sign3A_504 = arith.cmpi slt, %jit3A_493, %sign3A_503 : i32
        %sign3A_505 = arith.extui %sign3A_504 : i1 to i32
        %sign3A_506 = arith.subi %sign3A_502, %sign3A_505 : i32
        %ne3A_507 = arith.cmpi ne, %sign3A_499, %sign3A_506 : i32
        %rem3A_508 = arith.remsi %add3A_492, %jit3A_493 : i32
        %ne3A_509 = arith.constant 0 : i32
        %ne3A_510 = arith.cmpi ne, %rem3A_508, %ne3A_509 : i32
        %and3A_511 = arith.andi %ne3A_507, %ne3A_510 : i1
        %sub3A_512 = arith.constant 1 : i32
        %sub3A_513 = arith.subi %div3A, %sub3A_512 : i32
        %select_n3A_514 = arith.select %and3A_511, %sub3A_513, %div3A : i32
        %jit3A_515 = arith.constant 2 : i32
        %eq3A_516 = arith.constant 0 : i32
        %eq3A_517 = arith.cmpi eq, %jit3A_515, %eq3A_516 : i32
        %jit3A_518 = arith.constant 1 : i32
        %select_n3A_519 = arith.select %eq3A_517, %jit3A_518, %jit3A_515 : i32
        %rem3A_520 = arith.remsi %select_n3A_514, %select_n3A_519 : i32
        %ne3A_521 = arith.constant 0 : i32
        %ne3A_522 = arith.cmpi ne, %rem3A_520, %ne3A_521 : i32
        %lt3A_523 = arith.constant 0 : i32
        %lt3A_524 = arith.cmpi slt, %rem3A_520, %lt3A_523 : i32
        %lt3A_525 = arith.constant 0 : i32
        %lt3A_526 = arith.cmpi slt, %select_n3A_519, %lt3A_525 : i32
        %ne3A_527 = arith.xori %lt3A_524, %lt3A_526 : i1
        %and3A_528 = arith.andi %ne3A_527, %ne3A_522 : i1
        %add3A_529 = arith.addi %rem3A_520, %select_n3A_519 : i32
        %select_n3A_530 = arith.select %and3A_528, %add3A_529, %rem3A_520 : i32
        %jit3A_531 = arith.constant 8 : i32
        %eq3A_532 = arith.constant 0 : i32
        %eq3A_533 = arith.cmpi eq, %jit3A_531, %eq3A_532 : i32
        %jit3A_534 = arith.constant 1 : i32
        %select_n3A_535 = arith.select %eq3A_533, %jit3A_534, %jit3A_531 : i32
        %rem3A_536 = arith.remsi %add3A_492, %select_n3A_535 : i32
        %ne3A_537 = arith.constant 0 : i32
        %ne3A_538 = arith.cmpi ne, %rem3A_536, %ne3A_537 : i32
        %lt3A_539 = arith.constant 0 : i32
        %lt3A_540 = arith.cmpi slt, %rem3A_536, %lt3A_539 : i32
        %lt3A_541 = arith.constant 0 : i32
        %lt3A_542 = arith.cmpi slt, %select_n3A_535, %lt3A_541 : i32
        %ne3A_543 = arith.xori %lt3A_540, %lt3A_542 : i1
        %and3A_544 = arith.andi %ne3A_543, %ne3A_538 : i1
        %add3A_545 = arith.addi %rem3A_536, %select_n3A_535 : i32
        %select_n3A_546 = arith.select %and3A_544, %add3A_545, %rem3A_536 : i32
        %dma_start3A_547 = arith.constant 1 : i32
        %dma_start3A_548 = arith.constant 0 : i32
        %dma_start3A_549 = arith.constant 0 : i32
        %dma_start3A_550 = tpu.memref_slice %arg25[%dma_start3A_547, %dma_start3A_548, %dma_start3A_549] : memref<4x128x128xf32, #tpu.memory_space<vmem>> -> memref<1x128x128xf32, #tpu.memory_space<vmem>>
        %dma_start3A_551 = tpu.memref_squeeze %dma_start3A_550 : memref<1x128x128xf32, #tpu.memory_space<vmem>> -> memref<128x128xf32, #tpu.memory_space<vmem>>
        %dma_start3A_552 = arith.constant 0 : i32
        %dma_start3A_553 = tpu.memref_slice %arg24[%select_n3A_530, %select_n3A_546, %dma_start3A_552] : memref<2x8x128xi32, #tpu.memory_space<vmem>> -> memref<1x1x128xi32, #tpu.memory_space<vmem>>
        %dma_start3A_554 = tpu.memref_squeeze %dma_start3A_553 : memref<1x1x128xi32, #tpu.memory_space<vmem>> -> memref<128xi32, #tpu.memory_space<vmem>>
        %dma_start3A_555 = arith.constant 0 : i32
        %dma_start3A_556 = arith.constant 0 : i32
        %dma_start3A_557 = tpu.memref_slice %arg12[%dma_start3A_555, %dma_start3A_556] : memref<100000x128xf32, #tpu.memory_space<hbm>> -> memref<100000x128xf32, #tpu.memory_space<hbm>>
        tpu.enqueue_indirect_dma source(%dma_start3A_557 : memref<100000x128xf32, #tpu.memory_space<hbm>>) target(%dma_start3A_551 : memref<128x128xf32, #tpu.memory_space<vmem>>) offsets(%dma_start3A_554 : memref<128xi32, #tpu.memory_space<vmem>>) semaphore(%arg29 : memref<!tpu.dma_semaphore, #tpu.memory_space<semaphore_mem>>)
      } else {
      }
      %mul3A_387 = arith.constant 4 : i32
      %mul3A_388 = arith.muli %mul3A_387, %scan3A_241 : i32
      %add3A_389 = arith.constant 2 : i32
      %add3A_390 = arith.addi %mul3A_388, %add3A_389 : i32
      %dma_wait3A_391 = arith.constant 0 : i32
      %dma_wait3A_392 = arith.constant 0 : i32
      %dma_wait3A_393 = arith.constant 2 : i32
      %dma_wait3A_394 = arith.constant 0 : i32
      %dma_wait3A_395 = arith.constant 0 : i32
      %dma_wait3A_396 = tpu.memref_slice %arg25[%dma_wait3A_393, %dma_wait3A_394, %dma_wait3A_395] : memref<4x128x128xf32, #tpu.memory_space<vmem>> -> memref<1x128x128xf32, #tpu.memory_space<vmem>>
      %dma_wait3A_397 = tpu.memref_squeeze %dma_wait3A_396 : memref<1x128x128xf32, #tpu.memory_space<vmem>> -> memref<128x128xf32, #tpu.memory_space<vmem>>
      %dma_wait3A_398 = arith.constant 0 : i32
      %dma_wait3A_399 = tpu.memref_slice %arg24[%dma_wait3A_391, %dma_wait3A_392, %dma_wait3A_398] : memref<2x8x128xi32, #tpu.memory_space<vmem>> -> memref<1x1x128xi32, #tpu.memory_space<vmem>>
      %dma_wait3A_400 = tpu.memref_squeeze %dma_wait3A_399 : memref<1x1x128xi32, #tpu.memory_space<vmem>> -> memref<128xi32, #tpu.memory_space<vmem>>
      %dma_wait3A_401 = arith.constant 0 : i32
      %dma_wait3A_402 = arith.constant 0 : i32
      %dma_wait3A_403 = tpu.memref_slice %arg12[%dma_wait3A_401, %dma_wait3A_402] : memref<100000x128xf32, #tpu.memory_space<hbm>> -> memref<100000x128xf32, #tpu.memory_space<hbm>>
      tpu.wait_indirect_dma semaphore(%arg29 : memref<!tpu.dma_semaphore, #tpu.memory_space<semaphore_mem>>) src(%dma_wait3A_403 : memref<100000x128xf32, #tpu.memory_space<hbm>>) dst(%dma_wait3A_397 : memref<128x128xf32, #tpu.memory_space<vmem>>)
      %ge3A_404 = arith.constant 2 : i32
      %ge3A_405 = arith.cmpi sge, %add3A_390, %ge3A_404 : i32
      %convert_element_type3A_406 = arith.extui %ge3A_405 : i1 to i32
      %cond3A_407 = arith.constant 0 : i32
      %cond3A_408 = arith.cmpi ne, %convert_element_type3A_406, %cond3A_407 : i32
      scf.if %cond3A_408 {
        %sub3A_491 = arith.constant 2 : i32
        %sub3A_492 = arith.subi %add3A_390, %sub3A_491 : i32
        %mul3A_493 = arith.constant 64 : i32
        %mul3A_494 = arith.muli %sub3A_492, %mul3A_493 : i32
        %multiple_of3A_495 = tpu.assume_multiple %mul3A_494, 64 : i32
        %dma_wait3A_496 = arith.constant 0 : i32
        %dma_wait3A_497 = arith.constant 0 : i32
        %dma_wait3A_498 = arith.constant 0 : i32
        %dma_wait3A_499 = tpu.memref_slice %arg26[%dma_wait3A_496, %dma_wait3A_497, %dma_wait3A_498] : memref<2x64x128xf32, #tpu.memory_space<vmem>> -> memref<1x64x128xf32, #tpu.memory_space<vmem>>
        %dma_wait3A_500 = tpu.memref_squeeze %dma_wait3A_499 : memref<1x64x128xf32, #tpu.memory_space<vmem>> -> memref<64x128xf32, #tpu.memory_space<vmem>>
        %dma_wait3A_501 = tpu.memref_slice %arg13[%multiple_of3A_495, %multiple_of3A] : memref<12800x4096xf32, #tpu.memory_space<hbm>> -> memref<64x128xf32, #tpu.memory_space<hbm>>
        %dma_wait3A_502 = tpu.memref_slice %arg13[%multiple_of3A_495, %multiple_of3A] : memref<12800x4096xf32, #tpu.memory_space<hbm>> -> memref<64x128xf32, #tpu.memory_space<hbm>>
        %dma_wait3A_503 = arith.constant 0 : i32
        %dma_wait3A_504 = arith.constant 0 : i32
        %dma_wait3A_505 = tpu.memref_slice %arg26[%dma_wait3A_496, %dma_wait3A_503, %dma_wait3A_504] : memref<2x64x128xf32, #tpu.memory_space<vmem>> -> memref<1x64x128xf32, #tpu.memory_space<vmem>>
        %dma_wait3A_506 = tpu.memref_squeeze %dma_wait3A_505 : memref<1x64x128xf32, #tpu.memory_space<vmem>> -> memref<64x128xf32, #tpu.memory_space<vmem>>
        tpu.wait_dma2 semaphore(%arg30 : memref<!tpu.dma_semaphore, #tpu.memory_space<semaphore_mem>>) src(%dma_wait3A_506 : memref<64x128xf32, #tpu.memory_space<vmem>>) dst(%dma_wait3A_502 : memref<64x128xf32, #tpu.memory_space<hbm>>)
      } else {
      }
      %broadcast_in_dim3A_409 = arith.constant 0 : i32
      %broadcast_in_dim3A_410 = vector.broadcast %broadcast_in_dim3A_409 : i32 to vector<16xi32>
      %scan3A_411 = arith.constant 0 : i32
      %scan3A_412 = arith.constant 0 : i32
      %scan3A_413 = arith.constant 64 : i32
      %scan3A_414 = arith.addi %scan3A_412, %scan3A_413 : i32
      %scan3A_415 = arith.constant 1 : i32
      %scan3A_416 = scf.for %scan3A_491 = %scan3A_412 to %scan3A_414 step %scan3A_415 iter_args(%scan3A_492 = %broadcast_in_dim3A_410) -> (vector<16xi32>)  : i32 {
        %add3A_493 = arith.constant 1 : i32
        %add3A_494 = vector.broadcast %add3A_493 : i32 to vector<16xi32>
        %add3A_495 = arith.addi %scan3A_492, %add3A_494 : vector<16xi32>
        %mul3A_496 = arith.constant 2 : i32
        %mul3A_497 = arith.muli %mul3A_496, %scan3A_491 : i32
        %get3A_498 = arith.constant 2 : i32
        %get3A_499 = arith.index_cast %get3A_498 : i32 to index
        %get3A_500 = arith.index_cast %mul3A_497 : i32 to index
        %get3A_501 = arith.constant 0 : index
        %get3A_502 = tpu.vector_load %arg25[%get3A_499, %get3A_500, %get3A_501] {strides = array<i32>} : memref<4x128x128xf32, #tpu.memory_space<vmem>>, vector<16xf32>,
        %mul3A_503 = arith.constant 2 : i32
        %mul3A_504 = arith.muli %mul3A_503, %scan3A_491 : i32
        %get3A_505 = arith.constant 2 : i32
        %get3A_506 = arith.index_cast %get3A_505 : i32 to index
        %get3A_507 = arith.index_cast %mul3A_504 : i32 to index
        %get3A_508 = arith.constant 16 : index
        %get3A_509 = tpu.vector_load %arg25[%get3A_506, %get3A_507, %get3A_508] {strides = array<i32>} : memref<4x128x128xf32, #tpu.memory_space<vmem>>, vector<16xf32>,
        %mul3A_510 = arith.constant 2 : i32
        %mul3A_511 = arith.muli %mul3A_510, %scan3A_491 : i32
        %get3A_512 = arith.constant 2 : i32
        %get3A_513 = arith.index_cast %get3A_512 : i32 to index
        %get3A_514 = arith.index_cast %mul3A_511 : i32 to index
        %get3A_515 = arith.constant 32 : index
        %get3A_516 = tpu.vector_load %arg25[%get3A_513, %get3A_514, %get3A_515] {strides = array<i32>} : memref<4x128x128xf32, #tpu.memory_space<vmem>>, vector<16xf32>,
        %mul3A_517 = arith.constant 2 : i32
        %mul3A_518 = arith.muli %mul3A_517, %scan3A_491 : i32
        %get3A_519 = arith.constant 2 : i32
        %get3A_520 = arith.index_cast %get3A_519 : i32 to index
        %get3A_521 = arith.index_cast %mul3A_518 : i32 to index
        %get3A_522 = arith.constant 48 : index
        %get3A_523 = tpu.vector_load %arg25[%get3A_520, %get3A_521, %get3A_522] {strides = array<i32>} : memref<4x128x128xf32, #tpu.memory_space<vmem>>, vector<16xf32>,
        %mul3A_524 = arith.constant 2 : i32
        %mul3A_525 = arith.muli %mul3A_524, %scan3A_491 : i32
        %add3A_526 = arith.constant 1 : i32
        %add3A_527 = arith.addi %mul3A_525, %add3A_526 : i32
        %get3A_528 = arith.constant 2 : i32
        %get3A_529 = arith.index_cast %get3A_528 : i32 to index
        %get3A_530 = arith.index_cast %add3A_527 : i32 to index
        %get3A_531 = arith.constant 0 : index
        %get3A_532 = tpu.vector_load %arg25[%get3A_529, %get3A_530, %get3A_531] {strides = array<i32>} : memref<4x128x128xf32, #tpu.memory_space<vmem>>, vector<16xf32>,
        %mul3A_533 = arith.constant 2 : i32
        %mul3A_534 = arith.muli %mul3A_533, %scan3A_491 : i32
        %add3A_535 = arith.constant 1 : i32
        %add3A_536 = arith.addi %mul3A_534, %add3A_535 : i32
        %get3A_537 = arith.constant 2 : i32
        %get3A_538 = arith.index_cast %get3A_537 : i32 to index
        %get3A_539 = arith.index_cast %add3A_536 : i32 to index
        %get3A_540 = arith.constant 16 : index
        %get3A_541 = tpu.vector_load %arg25[%get3A_538, %get3A_539, %get3A_540] {strides = array<i32>} : memref<4x128x128xf32, #tpu.memory_space<vmem>>, vector<16xf32>,
        %mul3A_542 = arith.constant 2 : i32
        %mul3A_543 = arith.muli %mul3A_542, %scan3A_491 : i32
        %add3A_544 = arith.constant 1 : i32
        %add3A_545 = arith.addi %mul3A_543, %add3A_544 : i32
        %get3A_546 = arith.constant 2 : i32
        %get3A_547 = arith.index_cast %get3A_546 : i32 to index
        %get3A_548 = arith.index_cast %add3A_545 : i32 to index
        %get3A_549 = arith.constant 32 : index
        %get3A_550 = tpu.vector_load %arg25[%get3A_547, %get3A_548, %get3A_549] {strides = array<i32>} : memref<4x128x128xf32, #tpu.memory_space<vmem>>, vector<16xf32>,
        %mul3A_551 = arith.constant 2 : i32
        %mul3A_552 = arith.muli %mul3A_551, %scan3A_491 : i32
        %add3A_553 = arith.constant 1 : i32
        %add3A_554 = arith.addi %mul3A_552, %add3A_553 : i32
        %get3A_555 = arith.constant 2 : i32
        %get3A_556 = arith.index_cast %get3A_555 : i32 to index
        %get3A_557 = arith.index_cast %add3A_554 : i32 to index
        %get3A_558 = arith.constant 48 : index
        %get3A_559 = tpu.vector_load %arg25[%get3A_556, %get3A_557, %get3A_558] {strides = array<i32>} : memref<4x128x128xf32, #tpu.memory_space<vmem>>, vector<16xf32>,
        %scatter3A = arith.constant 0 : i32
        %scatter3A_560 = arith.constant 0 : i32
        %scatter3A_561 = tpu.memref_slice %arg26[%scan3A_411, %scatter3A, %scatter3A_560] : memref<2x64x128xf32, #tpu.memory_space<vmem>> -> memref<1x64x128xf32, #tpu.memory_space<vmem>>
        %scatter3A_562 = tpu.memref_squeeze %scatter3A_561 : memref<1x64x128xf32, #tpu.memory_space<vmem>> -> memref<64x128xf32, #tpu.memory_space<vmem>>
        tpu.vector_store_idx %scatter3A_562[%add3A_5, %scan3A_492], %get3A_502 : memref<64x128xf32, #tpu.memory_space<vmem>>[vector<16xi32>, vector<16xi32>], vector<16xf32>,
        %scatter3A_563 = arith.constant 0 : i32
        %scatter3A_564 = arith.constant 0 : i32
        %scatter3A_565 = tpu.memref_slice %arg26[%scan3A_411, %scatter3A_563, %scatter3A_564] : memref<2x64x128xf32, #tpu.memory_space<vmem>> -> memref<1x64x128xf32, #tpu.memory_space<vmem>>
        %scatter3A_566 = tpu.memref_squeeze %scatter3A_565 : memref<1x64x128xf32, #tpu.memory_space<vmem>> -> memref<64x128xf32, #tpu.memory_space<vmem>>
        tpu.vector_store_idx %scatter3A_566[%add3A_8, %scan3A_492], %get3A_509 : memref<64x128xf32, #tpu.memory_space<vmem>>[vector<16xi32>, vector<16xi32>], vector<16xf32>,
        %scatter3A_567 = arith.constant 0 : i32
        %scatter3A_568 = arith.constant 0 : i32
        %scatter3A_569 = tpu.memref_slice %arg26[%scan3A_411, %scatter3A_567, %scatter3A_568] : memref<2x64x128xf32, #tpu.memory_space<vmem>> -> memref<1x64x128xf32, #tpu.memory_space<vmem>>
        %scatter3A_570 = tpu.memref_squeeze %scatter3A_569 : memref<1x64x128xf32, #tpu.memory_space<vmem>> -> memref<64x128xf32, #tpu.memory_space<vmem>>
        tpu.vector_store_idx %scatter3A_570[%add3A_11, %scan3A_492], %get3A_516 : memref<64x128xf32, #tpu.memory_space<vmem>>[vector<16xi32>, vector<16xi32>], vector<16xf32>,
        %scatter3A_571 = arith.constant 0 : i32
        %scatter3A_572 = arith.constant 0 : i32
        %scatter3A_573 = tpu.memref_slice %arg26[%scan3A_411, %scatter3A_571, %scatter3A_572] : memref<2x64x128xf32, #tpu.memory_space<vmem>> -> memref<1x64x128xf32, #tpu.memory_space<vmem>>
        %scatter3A_574 = tpu.memref_squeeze %scatter3A_573 : memref<1x64x128xf32, #tpu.memory_space<vmem>> -> memref<64x128xf32, #tpu.memory_space<vmem>>
        tpu.vector_store_idx %scatter3A_574[%add3A_14, %scan3A_492], %get3A_523 : memref<64x128xf32, #tpu.memory_space<vmem>>[vector<16xi32>, vector<16xi32>], vector<16xf32>,
        %scatter3A_575 = arith.constant 0 : i32
        %scatter3A_576 = arith.constant 0 : i32
        %scatter3A_577 = tpu.memref_slice %arg26[%scan3A_411, %scatter3A_575, %scatter3A_576] : memref<2x64x128xf32, #tpu.memory_space<vmem>> -> memref<1x64x128xf32, #tpu.memory_space<vmem>>
        %scatter3A_578 = tpu.memref_squeeze %scatter3A_577 : memref<1x64x128xf32, #tpu.memory_space<vmem>> -> memref<64x128xf32, #tpu.memory_space<vmem>>
        tpu.vector_store_idx %scatter3A_578[%add3A_5, %add3A_495], %get3A_532 : memref<64x128xf32, #tpu.memory_space<vmem>>[vector<16xi32>, vector<16xi32>], vector<16xf32>,
        %scatter3A_579 = arith.constant 0 : i32
        %scatter3A_580 = arith.constant 0 : i32
        %scatter3A_581 = tpu.memref_slice %arg26[%scan3A_411, %scatter3A_579, %scatter3A_580] : memref<2x64x128xf32, #tpu.memory_space<vmem>> -> memref<1x64x128xf32, #tpu.memory_space<vmem>>
        %scatter3A_582 = tpu.memref_squeeze %scatter3A_581 : memref<1x64x128xf32, #tpu.memory_space<vmem>> -> memref<64x128xf32, #tpu.memory_space<vmem>>
        tpu.vector_store_idx %scatter3A_582[%add3A_8, %add3A_495], %get3A_541 : memref<64x128xf32, #tpu.memory_space<vmem>>[vector<16xi32>, vector<16xi32>], vector<16xf32>,
        %scatter3A_583 = arith.constant 0 : i32
        %scatter3A_584 = arith.constant 0 : i32
        %scatter3A_585 = tpu.memref_slice %arg26[%scan3A_411, %scatter3A_583, %scatter3A_584] : memref<2x64x128xf32, #tpu.memory_space<vmem>> -> memref<1x64x128xf32, #tpu.memory_space<vmem>>
        %scatter3A_586 = tpu.memref_squeeze %scatter3A_585 : memref<1x64x128xf32, #tpu.memory_space<vmem>> -> memref<64x128xf32, #tpu.memory_space<vmem>>
        tpu.vector_store_idx %scatter3A_586[%add3A_11, %add3A_495], %get3A_550 : memref<64x128xf32, #tpu.memory_space<vmem>>[vector<16xi32>, vector<16xi32>], vector<16xf32>,
        %scatter3A_587 = arith.constant 0 : i32
        %scatter3A_588 = arith.constant 0 : i32
        %scatter3A_589 = tpu.memref_slice %arg26[%scan3A_411, %scatter3A_587, %scatter3A_588] : memref<2x64x128xf32, #tpu.memory_space<vmem>> -> memref<1x64x128xf32, #tpu.memory_space<vmem>>
        %scatter3A_590 = tpu.memref_squeeze %scatter3A_589 : memref<1x64x128xf32, #tpu.memory_space<vmem>> -> memref<64x128xf32, #tpu.memory_space<vmem>>
        tpu.vector_store_idx %scatter3A_590[%add3A_14, %add3A_495], %get3A_559 : memref<64x128xf32, #tpu.memory_space<vmem>>[vector<16xi32>, vector<16xi32>], vector<16xf32>,
        %add3A_591 = arith.constant 2 : i32
        %add3A_592 = vector.broadcast %add3A_591 : i32 to vector<16xi32>
        %add3A_593 = arith.addi %scan3A_492, %add3A_592 : vector<16xi32>
        scf.yield %add3A_593 : vector<16xi32>
      }
      %scan3A_417 = arith.constant 64 : i32
      %mul3A_418 = arith.constant 64 : i32
      %mul3A_419 = arith.muli %add3A_390, %mul3A_418 : i32
      %multiple_of3A_420 = tpu.assume_multiple %mul3A_419, 64 : i32
      %dma_start3A_421 = arith.constant 0 : i32
      %dma_start3A_422 = arith.constant 0 : i32
      %dma_start3A_423 = arith.constant 0 : i32
      %dma_start3A_424 = tpu.memref_slice %arg26[%dma_start3A_421, %dma_start3A_422, %dma_start3A_423] : memref<2x64x128xf32, #tpu.memory_space<vmem>> -> memref<1x64x128xf32, #tpu.memory_space<vmem>>
      %dma_start3A_425 = tpu.memref_squeeze %dma_start3A_424 : memref<1x64x128xf32, #tpu.memory_space<vmem>> -> memref<64x128xf32, #tpu.memory_space<vmem>>
      %dma_start3A_426 = tpu.memref_slice %arg13[%multiple_of3A_420, %multiple_of3A] : memref<12800x4096xf32, #tpu.memory_space<hbm>> -> memref<64x128xf32, #tpu.memory_space<hbm>>
      %dma_start3A_427 = tpu.memref_slice %arg13[%multiple_of3A_420, %multiple_of3A] : memref<12800x4096xf32, #tpu.memory_space<hbm>> -> memref<64x128xf32, #tpu.memory_space<hbm>>
      %dma_start3A_428 = arith.constant 0 : i32
      %dma_start3A_429 = arith.constant 0 : i32
      %dma_start3A_430 = tpu.memref_slice %arg26[%dma_start3A_421, %dma_start3A_428, %dma_start3A_429] : memref<2x64x128xf32, #tpu.memory_space<vmem>> -> memref<1x64x128xf32, #tpu.memory_space<vmem>>
      %dma_start3A_431 = tpu.memref_squeeze %dma_start3A_430 : memref<1x64x128xf32, #tpu.memory_space<vmem>> -> memref<64x128xf32, #tpu.memory_space<vmem>>
      tpu.enqueue_dma source(%dma_start3A_431 : memref<64x128xf32, #tpu.memory_space<vmem>>) target(%dma_start3A_427 : memref<64x128xf32, #tpu.memory_space<hbm>>) target_semaphore(%arg30 : memref<!tpu.dma_semaphore, #tpu.memory_space<semaphore_mem>>)
      %add3A_432 = arith.constant 4 : i32
      %add3A_433 = arith.addi %add3A_390, %add3A_432 : i32
      %lt3A_434 = arith.constant 200 : i32
      %lt3A_435 = arith.cmpi slt, %add3A_433, %lt3A_434 : i32
      %convert_element_type3A_436 = arith.extui %lt3A_435 : i1 to i32
      %cond3A_437 = arith.constant 0 : i32
      %cond3A_438 = arith.cmpi ne, %convert_element_type3A_436, %cond3A_437 : i32
      scf.if %cond3A_438 {
        %add3A_491 = arith.constant 4 : i32
        %add3A_492 = arith.addi %add3A_390, %add3A_491 : i32
        %jit3A_493 = arith.constant 8 : i32
        %div3A = arith.divsi %add3A_492, %jit3A_493 : i32
        %sign3A = arith.constant 0 : i32
        %sign3A_494 = arith.cmpi sgt, %add3A_492, %sign3A : i32
        %sign3A_495 = arith.extui %sign3A_494 : i1 to i32
        %sign3A_496 = arith.constant 0 : i32
        %sign3A_497 = arith.cmpi slt, %add3A_492, %sign3A_496 : i32
        %sign3A_498 = arith.extui %sign3A_497 : i1 to i32
        %sign3A_499 = arith.subi %sign3A_495, %sign3A_498 : i32
        %sign3A_500 = arith.constant 0 : i32
        %sign3A_501 = arith.cmpi sgt, %jit3A_493, %sign3A_500 : i32
        %sign3A_502 = arith.extui %sign3A_501 : i1 to i32
        %sign3A_503 = arith.constant 0 : i32
        %sign3A_504 = arith.cmpi slt, %jit3A_493, %sign3A_503 : i32
        %sign3A_505 = arith.extui %sign3A_504 : i1 to i32
        %sign3A_506 = arith.subi %sign3A_502, %sign3A_505 : i32
        %ne3A_507 = arith.cmpi ne, %sign3A_499, %sign3A_506 : i32
        %rem3A_508 = arith.remsi %add3A_492, %jit3A_493 : i32
        %ne3A_509 = arith.constant 0 : i32
        %ne3A_510 = arith.cmpi ne, %rem3A_508, %ne3A_509 : i32
        %and3A_511 = arith.andi %ne3A_507, %ne3A_510 : i1
        %sub3A_512 = arith.constant 1 : i32
        %sub3A_513 = arith.subi %div3A, %sub3A_512 : i32
        %select_n3A_514 = arith.select %and3A_511, %sub3A_513, %div3A : i32
        %jit3A_515 = arith.constant 2 : i32
        %eq3A_516 = arith.constant 0 : i32
        %eq3A_517 = arith.cmpi eq, %jit3A_515, %eq3A_516 : i32
        %jit3A_518 = arith.constant 1 : i32
        %select_n3A_519 = arith.select %eq3A_517, %jit3A_518, %jit3A_515 : i32
        %rem3A_520 = arith.remsi %select_n3A_514, %select_n3A_519 : i32
        %ne3A_521 = arith.constant 0 : i32
        %ne3A_522 = arith.cmpi ne, %rem3A_520, %ne3A_521 : i32
        %lt3A_523 = arith.constant 0 : i32
        %lt3A_524 = arith.cmpi slt, %rem3A_520, %lt3A_523 : i32
        %lt3A_525 = arith.constant 0 : i32
        %lt3A_526 = arith.cmpi slt, %select_n3A_519, %lt3A_525 : i32
        %ne3A_527 = arith.xori %lt3A_524, %lt3A_526 : i1
        %and3A_528 = arith.andi %ne3A_527, %ne3A_522 : i1
        %add3A_529 = arith.addi %rem3A_520, %select_n3A_519 : i32
        %select_n3A_530 = arith.select %and3A_528, %add3A_529, %rem3A_520 : i32
        %jit3A_531 = arith.constant 8 : i32
        %eq3A_532 = arith.constant 0 : i32
        %eq3A_533 = arith.cmpi eq, %jit3A_531, %eq3A_532 : i32
        %jit3A_534 = arith.constant 1 : i32
        %select_n3A_535 = arith.select %eq3A_533, %jit3A_534, %jit3A_531 : i32
        %rem3A_536 = arith.remsi %add3A_492, %select_n3A_535 : i32
        %ne3A_537 = arith.constant 0 : i32
        %ne3A_538 = arith.cmpi ne, %rem3A_536, %ne3A_537 : i32
        %lt3A_539 = arith.constant 0 : i32
        %lt3A_540 = arith.cmpi slt, %rem3A_536, %lt3A_539 : i32
        %lt3A_541 = arith.constant 0 : i32
        %lt3A_542 = arith.cmpi slt, %select_n3A_535, %lt3A_541 : i32
        %ne3A_543 = arith.xori %lt3A_540, %lt3A_542 : i1
        %and3A_544 = arith.andi %ne3A_543, %ne3A_538 : i1
        %add3A_545 = arith.addi %rem3A_536, %select_n3A_535 : i32
        %select_n3A_546 = arith.select %and3A_544, %add3A_545, %rem3A_536 : i32
        %dma_start3A_547 = arith.constant 2 : i32
        %dma_start3A_548 = arith.constant 0 : i32
        %dma_start3A_549 = arith.constant 0 : i32
        %dma_start3A_550 = tpu.memref_slice %arg25[%dma_start3A_547, %dma_start3A_548, %dma_start3A_549] : memref<4x128x128xf32, #tpu.memory_space<vmem>> -> memref<1x128x128xf32, #tpu.memory_space<vmem>>
        %dma_start3A_551 = tpu.memref_squeeze %dma_start3A_550 : memref<1x128x128xf32, #tpu.memory_space<vmem>> -> memref<128x128xf32, #tpu.memory_space<vmem>>
        %dma_start3A_552 = arith.constant 0 : i32
        %dma_start3A_553 = tpu.memref_slice %arg24[%select_n3A_530, %select_n3A_546, %dma_start3A_552] : memref<2x8x128xi32, #tpu.memory_space<vmem>> -> memref<1x1x128xi32, #tpu.memory_space<vmem>>
        %dma_start3A_554 = tpu.memref_squeeze %dma_start3A_553 : memref<1x1x128xi32, #tpu.memory_space<vmem>> -> memref<128xi32, #tpu.memory_space<vmem>>
        %dma_start3A_555 = arith.constant 0 : i32
        %dma_start3A_556 = arith.constant 0 : i32
        %dma_start3A_557 = tpu.memref_slice %arg12[%dma_start3A_555, %dma_start3A_556] : memref<100000x128xf32, #tpu.memory_space<hbm>> -> memref<100000x128xf32, #tpu.memory_space<hbm>>
        tpu.enqueue_indirect_dma source(%dma_start3A_557 : memref<100000x128xf32, #tpu.memory_space<hbm>>) target(%dma_start3A_551 : memref<128x128xf32, #tpu.memory_space<vmem>>) offsets(%dma_start3A_554 : memref<128xi32, #tpu.memory_space<vmem>>) semaphore(%arg29 : memref<!tpu.dma_semaphore, #tpu.memory_space<semaphore_mem>>)
      } else {
      }
      %mul3A_439 = arith.constant 4 : i32
      %mul3A_440 = arith.muli %mul3A_439, %scan3A_241 : i32
      %add3A_441 = arith.constant 3 : i32
      %add3A_442 = arith.addi %mul3A_440, %add3A_441 : i32
      %dma_wait3A_443 = arith.constant 0 : i32
      %dma_wait3A_444 = arith.constant 0 : i32
      %dma_wait3A_445 = arith.constant 3 : i32
      %dma_wait3A_446 = arith.constant 0 : i32
      %dma_wait3A_447 = arith.constant 0 : i32
      %dma_wait3A_448 = tpu.memref_slice %arg25[%dma_wait3A_445, %dma_wait3A_446, %dma_wait3A_447] : memref<4x128x128xf32, #tpu.memory_space<vmem>> -> memref<1x128x128xf32, #tpu.memory_space<vmem>>
      %dma_wait3A_449 = tpu.memref_squeeze %dma_wait3A_448 : memref<1x128x128xf32, #tpu.memory_space<vmem>> -> memref<128x128xf32, #tpu.memory_space<vmem>>
      %dma_wait3A_450 = arith.constant 0 : i32
      %dma_wait3A_451 = tpu.memref_slice %arg24[%dma_wait3A_443, %dma_wait3A_444, %dma_wait3A_450] : memref<2x8x128xi32, #tpu.memory_space<vmem>> -> memref<1x1x128xi32, #tpu.memory_space<vmem>>
      %dma_wait3A_452 = tpu.memref_squeeze %dma_wait3A_451 : memref<1x1x128xi32, #tpu.memory_space<vmem>> -> memref<128xi32, #tpu.memory_space<vmem>>
      %dma_wait3A_453 = arith.constant 0 : i32
      %dma_wait3A_454 = arith.constant 0 : i32
      %dma_wait3A_455 = tpu.memref_slice %arg12[%dma_wait3A_453, %dma_wait3A_454] : memref<100000x128xf32, #tpu.memory_space<hbm>> -> memref<100000x128xf32, #tpu.memory_space<hbm>>
      tpu.wait_indirect_dma semaphore(%arg29 : memref<!tpu.dma_semaphore, #tpu.memory_space<semaphore_mem>>) src(%dma_wait3A_455 : memref<100000x128xf32, #tpu.memory_space<hbm>>) dst(%dma_wait3A_449 : memref<128x128xf32, #tpu.memory_space<vmem>>)
      %ge3A_456 = arith.constant 2 : i32
      %ge3A_457 = arith.cmpi sge, %add3A_442, %ge3A_456 : i32
      %convert_element_type3A_458 = arith.extui %ge3A_457 : i1 to i32
      %cond3A_459 = arith.constant 0 : i32
      %cond3A_460 = arith.cmpi ne, %convert_element_type3A_458, %cond3A_459 : i32
      scf.if %cond3A_460 {
        %sub3A_491 = arith.constant 2 : i32
        %sub3A_492 = arith.subi %add3A_442, %sub3A_491 : i32
        %mul3A_493 = arith.constant 64 : i32
        %mul3A_494 = arith.muli %sub3A_492, %mul3A_493 : i32
        %multiple_of3A_495 = tpu.assume_multiple %mul3A_494, 64 : i32
        %dma_wait3A_496 = arith.constant 1 : i32
        %dma_wait3A_497 = arith.constant 0 : i32
        %dma_wait3A_498 = arith.constant 0 : i32
        %dma_wait3A_499 = tpu.memref_slice %arg26[%dma_wait3A_496, %dma_wait3A_497, %dma_wait3A_498] : memref<2x64x128xf32, #tpu.memory_space<vmem>> -> memref<1x64x128xf32, #tpu.memory_space<vmem>>
        %dma_wait3A_500 = tpu.memref_squeeze %dma_wait3A_499 : memref<1x64x128xf32, #tpu.memory_space<vmem>> -> memref<64x128xf32, #tpu.memory_space<vmem>>
        %dma_wait3A_501 = tpu.memref_slice %arg13[%multiple_of3A_495, %multiple_of3A] : memref<12800x4096xf32, #tpu.memory_space<hbm>> -> memref<64x128xf32, #tpu.memory_space<hbm>>
        %dma_wait3A_502 = tpu.memref_slice %arg13[%multiple_of3A_495, %multiple_of3A] : memref<12800x4096xf32, #tpu.memory_space<hbm>> -> memref<64x128xf32, #tpu.memory_space<hbm>>
        %dma_wait3A_503 = arith.constant 0 : i32
        %dma_wait3A_504 = arith.constant 0 : i32
        %dma_wait3A_505 = tpu.memref_slice %arg26[%dma_wait3A_496, %dma_wait3A_503, %dma_wait3A_504] : memref<2x64x128xf32, #tpu.memory_space<vmem>> -> memref<1x64x128xf32, #tpu.memory_space<vmem>>
        %dma_wait3A_506 = tpu.memref_squeeze %dma_wait3A_505 : memref<1x64x128xf32, #tpu.memory_space<vmem>> -> memref<64x128xf32, #tpu.memory_space<vmem>>
        tpu.wait_dma2 semaphore(%arg30 : memref<!tpu.dma_semaphore, #tpu.memory_space<semaphore_mem>>) src(%dma_wait3A_506 : memref<64x128xf32, #tpu.memory_space<vmem>>) dst(%dma_wait3A_502 : memref<64x128xf32, #tpu.memory_space<hbm>>)
      } else {
      }
      %broadcast_in_dim3A_461 = arith.constant 0 : i32
      %broadcast_in_dim3A_462 = vector.broadcast %broadcast_in_dim3A_461 : i32 to vector<16xi32>
      %scan3A_463 = arith.constant 1 : i32
      %scan3A_464 = arith.constant 0 : i32
      %scan3A_465 = arith.constant 64 : i32
      %scan3A_466 = arith.addi %scan3A_464, %scan3A_465 : i32
      %scan3A_467 = arith.constant 1 : i32
      %scan3A_468 = scf.for %scan3A_491 = %scan3A_464 to %scan3A_466 step %scan3A_467 iter_args(%scan3A_492 = %broadcast_in_dim3A_462) -> (vector<16xi32>)  : i32 {
        %add3A_493 = arith.constant 1 : i32
        %add3A_494 = vector.broadcast %add3A_493 : i32 to vector<16xi32>
        %add3A_495 = arith.addi %scan3A_492, %add3A_494 : vector<16xi32>
        %mul3A_496 = arith.constant 2 : i32
        %mul3A_497 = arith.muli %mul3A_496, %scan3A_491 : i32
        %get3A_498 = arith.constant 3 : i32
        %get3A_499 = arith.index_cast %get3A_498 : i32 to index
        %get3A_500 = arith.index_cast %mul3A_497 : i32 to index
        %get3A_501 = arith.constant 0 : index
        %get3A_502 = tpu.vector_load %arg25[%get3A_499, %get3A_500, %get3A_501] {strides = array<i32>} : memref<4x128x128xf32, #tpu.memory_space<vmem>>, vector<16xf32>,
        %mul3A_503 = arith.constant 2 : i32
        %mul3A_504 = arith.muli %mul3A_503, %scan3A_491 : i32
        %get3A_505 = arith.constant 3 : i32
        %get3A_506 = arith.index_cast %get3A_505 : i32 to index
        %get3A_507 = arith.index_cast %mul3A_504 : i32 to index
        %get3A_508 = arith.constant 16 : index
        %get3A_509 = tpu.vector_load %arg25[%get3A_506, %get3A_507, %get3A_508] {strides = array<i32>} : memref<4x128x128xf32, #tpu.memory_space<vmem>>, vector<16xf32>,
        %mul3A_510 = arith.constant 2 : i32
        %mul3A_511 = arith.muli %mul3A_510, %scan3A_491 : i32
        %get3A_512 = arith.constant 3 : i32
        %get3A_513 = arith.index_cast %get3A_512 : i32 to index
        %get3A_514 = arith.index_cast %mul3A_511 : i32 to index
        %get3A_515 = arith.constant 32 : index
        %get3A_516 = tpu.vector_load %arg25[%get3A_513, %get3A_514, %get3A_515] {strides = array<i32>} : memref<4x128x128xf32, #tpu.memory_space<vmem>>, vector<16xf32>,
        %mul3A_517 = arith.constant 2 : i32
        %mul3A_518 = arith.muli %mul3A_517, %scan3A_491 : i32
        %get3A_519 = arith.constant 3 : i32
        %get3A_520 = arith.index_cast %get3A_519 : i32 to index
        %get3A_521 = arith.index_cast %mul3A_518 : i32 to index
        %get3A_522 = arith.constant 48 : index
        %get3A_523 = tpu.vector_load %arg25[%get3A_520, %get3A_521, %get3A_522] {strides = array<i32>} : memref<4x128x128xf32, #tpu.memory_space<vmem>>, vector<16xf32>,
        %mul3A_524 = arith.constant 2 : i32
        %mul3A_525 = arith.muli %mul3A_524, %scan3A_491 : i32
        %add3A_526 = arith.constant 1 : i32
        %add3A_527 = arith.addi %mul3A_525, %add3A_526 : i32
        %get3A_528 = arith.constant 3 : i32
        %get3A_529 = arith.index_cast %get3A_528 : i32 to index
        %get3A_530 = arith.index_cast %add3A_527 : i32 to index
        %get3A_531 = arith.constant 0 : index
        %get3A_532 = tpu.vector_load %arg25[%get3A_529, %get3A_530, %get3A_531] {strides = array<i32>} : memref<4x128x128xf32, #tpu.memory_space<vmem>>, vector<16xf32>,
        %mul3A_533 = arith.constant 2 : i32
        %mul3A_534 = arith.muli %mul3A_533, %scan3A_491 : i32
        %add3A_535 = arith.constant 1 : i32
        %add3A_536 = arith.addi %mul3A_534, %add3A_535 : i32
        %get3A_537 = arith.constant 3 : i32
        %get3A_538 = arith.index_cast %get3A_537 : i32 to index
        %get3A_539 = arith.index_cast %add3A_536 : i32 to index
        %get3A_540 = arith.constant 16 : index
        %get3A_541 = tpu.vector_load %arg25[%get3A_538, %get3A_539, %get3A_540] {strides = array<i32>} : memref<4x128x128xf32, #tpu.memory_space<vmem>>, vector<16xf32>,
        %mul3A_542 = arith.constant 2 : i32
        %mul3A_543 = arith.muli %mul3A_542, %scan3A_491 : i32
        %add3A_544 = arith.constant 1 : i32
        %add3A_545 = arith.addi %mul3A_543, %add3A_544 : i32
        %get3A_546 = arith.constant 3 : i32
        %get3A_547 = arith.index_cast %get3A_546 : i32 to index
        %get3A_548 = arith.index_cast %add3A_545 : i32 to index
        %get3A_549 = arith.constant 32 : index
        %get3A_550 = tpu.vector_load %arg25[%get3A_547, %get3A_548, %get3A_549] {strides = array<i32>} : memref<4x128x128xf32, #tpu.memory_space<vmem>>, vector<16xf32>,
        %mul3A_551 = arith.constant 2 : i32
        %mul3A_552 = arith.muli %mul3A_551, %scan3A_491 : i32
        %add3A_553 = arith.constant 1 : i32
        %add3A_554 = arith.addi %mul3A_552, %add3A_553 : i32
        %get3A_555 = arith.constant 3 : i32
        %get3A_556 = arith.index_cast %get3A_555 : i32 to index
        %get3A_557 = arith.index_cast %add3A_554 : i32 to index
        %get3A_558 = arith.constant 48 : index
        %get3A_559 = tpu.vector_load %arg25[%get3A_556, %get3A_557, %get3A_558] {strides = array<i32>} : memref<4x128x128xf32, #tpu.memory_space<vmem>>, vector<16xf32>,
        %scatter3A = arith.constant 0 : i32
        %scatter3A_560 = arith.constant 0 : i32
        %scatter3A_561 = tpu.memref_slice %arg26[%scan3A_463, %scatter3A, %scatter3A_560] : memref<2x64x128xf32, #tpu.memory_space<vmem>> -> memref<1x64x128xf32, #tpu.memory_space<vmem>>
        %scatter3A_562 = tpu.memref_squeeze %scatter3A_561 : memref<1x64x128xf32, #tpu.memory_space<vmem>> -> memref<64x128xf32, #tpu.memory_space<vmem>>
        tpu.vector_store_idx %scatter3A_562[%add3A_5, %scan3A_492], %get3A_502 : memref<64x128xf32, #tpu.memory_space<vmem>>[vector<16xi32>, vector<16xi32>], vector<16xf32>,
        %scatter3A_563 = arith.constant 0 : i32
        %scatter3A_564 = arith.constant 0 : i32
        %scatter3A_565 = tpu.memref_slice %arg26[%scan3A_463, %scatter3A_563, %scatter3A_564] : memref<2x64x128xf32, #tpu.memory_space<vmem>> -> memref<1x64x128xf32, #tpu.memory_space<vmem>>
        %scatter3A_566 = tpu.memref_squeeze %scatter3A_565 : memref<1x64x128xf32, #tpu.memory_space<vmem>> -> memref<64x128xf32, #tpu.memory_space<vmem>>
        tpu.vector_store_idx %scatter3A_566[%add3A_8, %scan3A_492], %get3A_509 : memref<64x128xf32, #tpu.memory_space<vmem>>[vector<16xi32>, vector<16xi32>], vector<16xf32>,
        %scatter3A_567 = arith.constant 0 : i32
        %scatter3A_568 = arith.constant 0 : i32
        %scatter3A_569 = tpu.memref_slice %arg26[%scan3A_463, %scatter3A_567, %scatter3A_568] : memref<2x64x128xf32, #tpu.memory_space<vmem>> -> memref<1x64x128xf32, #tpu.memory_space<vmem>>
        %scatter3A_570 = tpu.memref_squeeze %scatter3A_569 : memref<1x64x128xf32, #tpu.memory_space<vmem>> -> memref<64x128xf32, #tpu.memory_space<vmem>>
        tpu.vector_store_idx %scatter3A_570[%add3A_11, %scan3A_492], %get3A_516 : memref<64x128xf32, #tpu.memory_space<vmem>>[vector<16xi32>, vector<16xi32>], vector<16xf32>,
        %scatter3A_571 = arith.constant 0 : i32
        %scatter3A_572 = arith.constant 0 : i32
        %scatter3A_573 = tpu.memref_slice %arg26[%scan3A_463, %scatter3A_571, %scatter3A_572] : memref<2x64x128xf32, #tpu.memory_space<vmem>> -> memref<1x64x128xf32, #tpu.memory_space<vmem>>
        %scatter3A_574 = tpu.memref_squeeze %scatter3A_573 : memref<1x64x128xf32, #tpu.memory_space<vmem>> -> memref<64x128xf32, #tpu.memory_space<vmem>>
        tpu.vector_store_idx %scatter3A_574[%add3A_14, %scan3A_492], %get3A_523 : memref<64x128xf32, #tpu.memory_space<vmem>>[vector<16xi32>, vector<16xi32>], vector<16xf32>,
        %scatter3A_575 = arith.constant 0 : i32
        %scatter3A_576 = arith.constant 0 : i32
        %scatter3A_577 = tpu.memref_slice %arg26[%scan3A_463, %scatter3A_575, %scatter3A_576] : memref<2x64x128xf32, #tpu.memory_space<vmem>> -> memref<1x64x128xf32, #tpu.memory_space<vmem>>
        %scatter3A_578 = tpu.memref_squeeze %scatter3A_577 : memref<1x64x128xf32, #tpu.memory_space<vmem>> -> memref<64x128xf32, #tpu.memory_space<vmem>>
        tpu.vector_store_idx %scatter3A_578[%add3A_5, %add3A_495], %get3A_532 : memref<64x128xf32, #tpu.memory_space<vmem>>[vector<16xi32>, vector<16xi32>], vector<16xf32>,
        %scatter3A_579 = arith.constant 0 : i32
        %scatter3A_580 = arith.constant 0 : i32
        %scatter3A_581 = tpu.memref_slice %arg26[%scan3A_463, %scatter3A_579, %scatter3A_580] : memref<2x64x128xf32, #tpu.memory_space<vmem>> -> memref<1x64x128xf32, #tpu.memory_space<vmem>>
        %scatter3A_582 = tpu.memref_squeeze %scatter3A_581 : memref<1x64x128xf32, #tpu.memory_space<vmem>> -> memref<64x128xf32, #tpu.memory_space<vmem>>
        tpu.vector_store_idx %scatter3A_582[%add3A_8, %add3A_495], %get3A_541 : memref<64x128xf32, #tpu.memory_space<vmem>>[vector<16xi32>, vector<16xi32>], vector<16xf32>,
        %scatter3A_583 = arith.constant 0 : i32
        %scatter3A_584 = arith.constant 0 : i32
        %scatter3A_585 = tpu.memref_slice %arg26[%scan3A_463, %scatter3A_583, %scatter3A_584] : memref<2x64x128xf32, #tpu.memory_space<vmem>> -> memref<1x64x128xf32, #tpu.memory_space<vmem>>
        %scatter3A_586 = tpu.memref_squeeze %scatter3A_585 : memref<1x64x128xf32, #tpu.memory_space<vmem>> -> memref<64x128xf32, #tpu.memory_space<vmem>>
        tpu.vector_store_idx %scatter3A_586[%add3A_11, %add3A_495], %get3A_550 : memref<64x128xf32, #tpu.memory_space<vmem>>[vector<16xi32>, vector<16xi32>], vector<16xf32>,
        %scatter3A_587 = arith.constant 0 : i32
        %scatter3A_588 = arith.constant 0 : i32
        %scatter3A_589 = tpu.memref_slice %arg26[%scan3A_463, %scatter3A_587, %scatter3A_588] : memref<2x64x128xf32, #tpu.memory_space<vmem>> -> memref<1x64x128xf32, #tpu.memory_space<vmem>>
        %scatter3A_590 = tpu.memref_squeeze %scatter3A_589 : memref<1x64x128xf32, #tpu.memory_space<vmem>> -> memref<64x128xf32, #tpu.memory_space<vmem>>
        tpu.vector_store_idx %scatter3A_590[%add3A_14, %add3A_495], %get3A_559 : memref<64x128xf32, #tpu.memory_space<vmem>>[vector<16xi32>, vector<16xi32>], vector<16xf32>,
        %add3A_591 = arith.constant 2 : i32
        %add3A_592 = vector.broadcast %add3A_591 : i32 to vector<16xi32>
        %add3A_593 = arith.addi %scan3A_492, %add3A_592 : vector<16xi32>
        scf.yield %add3A_593 : vector<16xi32>
      }
      %scan3A_469 = arith.constant 64 : i32
      %mul3A_470 = arith.constant 64 : i32
      %mul3A_471 = arith.muli %add3A_442, %mul3A_470 : i32
      %multiple_of3A_472 = tpu.assume_multiple %mul3A_471, 64 : i32
      %dma_start3A_473 = arith.constant 1 : i32
      %dma_start3A_474 = arith.constant 0 : i32
      %dma_start3A_475 = arith.constant 0 : i32
      %dma_start3A_476 = tpu.memref_slice %arg26[%dma_start3A_473, %dma_start3A_474, %dma_start3A_475] : memref<2x64x128xf32, #tpu.memory_space<vmem>> -> memref<1x64x128xf32, #tpu.memory_space<vmem>>
      %dma_start3A_477 = tpu.memref_squeeze %dma_start3A_476 : memref<1x64x128xf32, #tpu.memory_space<vmem>> -> memref<64x128xf32, #tpu.memory_space<vmem>>
      %dma_start3A_478 = tpu.memref_slice %arg13[%multiple_of3A_472, %multiple_of3A] : memref<12800x4096xf32, #tpu.memory_space<hbm>> -> memref<64x128xf32, #tpu.memory_space<hbm>>
      %dma_start3A_479 = tpu.memref_slice %arg13[%multiple_of3A_472, %multiple_of3A] : memref<12800x4096xf32, #tpu.memory_space<hbm>> -> memref<64x128xf32, #tpu.memory_space<hbm>>
      %dma_start3A_480 = arith.constant 0 : i32
      %dma_start3A_481 = arith.constant 0 : i32
      %dma_start3A_482 = tpu.memref_slice %arg26[%dma_start3A_473, %dma_start3A_480, %dma_start3A_481] : memref<2x64x128xf32, #tpu.memory_space<vmem>> -> memref<1x64x128xf32, #tpu.memory_space<vmem>>
      %dma_start3A_483 = tpu.memref_squeeze %dma_start3A_482 : memref<1x64x128xf32, #tpu.memory_space<vmem>> -> memref<64x128xf32, #tpu.memory_space<vmem>>
      tpu.enqueue_dma source(%dma_start3A_483 : memref<64x128xf32, #tpu.memory_space<vmem>>) target(%dma_start3A_479 : memref<64x128xf32, #tpu.memory_space<hbm>>) target_semaphore(%arg30 : memref<!tpu.dma_semaphore, #tpu.memory_space<semaphore_mem>>)
      %add3A_484 = arith.constant 4 : i32
      %add3A_485 = arith.addi %add3A_442, %add3A_484 : i32
      %lt3A_486 = arith.constant 200 : i32
      %lt3A_487 = arith.cmpi slt, %add3A_485, %lt3A_486 : i32
      %convert_element_type3A_488 = arith.extui %lt3A_487 : i1 to i32
      %cond3A_489 = arith.constant 0 : i32
      %cond3A_490 = arith.cmpi ne, %convert_element_type3A_488, %cond3A_489 : i32
      scf.if %cond3A_490 {
        %add3A_491 = arith.constant 4 : i32
        %add3A_492 = arith.addi %add3A_442, %add3A_491 : i32
        %jit3A_493 = arith.constant 8 : i32
        %div3A = arith.divsi %add3A_492, %jit3A_493 : i32
        %sign3A = arith.constant 0 : i32
        %sign3A_494 = arith.cmpi sgt, %add3A_492, %sign3A : i32
        %sign3A_495 = arith.extui %sign3A_494 : i1 to i32
        %sign3A_496 = arith.constant 0 : i32
        %sign3A_497 = arith.cmpi slt, %add3A_492, %sign3A_496 : i32
        %sign3A_498 = arith.extui %sign3A_497 : i1 to i32
        %sign3A_499 = arith.subi %sign3A_495, %sign3A_498 : i32
        %sign3A_500 = arith.constant 0 : i32
        %sign3A_501 = arith.cmpi sgt, %jit3A_493, %sign3A_500 : i32
        %sign3A_502 = arith.extui %sign3A_501 : i1 to i32
        %sign3A_503 = arith.constant 0 : i32
        %sign3A_504 = arith.cmpi slt, %jit3A_493, %sign3A_503 : i32
        %sign3A_505 = arith.extui %sign3A_504 : i1 to i32
        %sign3A_506 = arith.subi %sign3A_502, %sign3A_505 : i32
        %ne3A_507 = arith.cmpi ne, %sign3A_499, %sign3A_506 : i32
        %rem3A_508 = arith.remsi %add3A_492, %jit3A_493 : i32
        %ne3A_509 = arith.constant 0 : i32
        %ne3A_510 = arith.cmpi ne, %rem3A_508, %ne3A_509 : i32
        %and3A_511 = arith.andi %ne3A_507, %ne3A_510 : i1
        %sub3A_512 = arith.constant 1 : i32
        %sub3A_513 = arith.subi %div3A, %sub3A_512 : i32
        %select_n3A_514 = arith.select %and3A_511, %sub3A_513, %div3A : i32
        %jit3A_515 = arith.constant 2 : i32
        %eq3A_516 = arith.constant 0 : i32
        %eq3A_517 = arith.cmpi eq, %jit3A_515, %eq3A_516 : i32
        %jit3A_518 = arith.constant 1 : i32
        %select_n3A_519 = arith.select %eq3A_517, %jit3A_518, %jit3A_515 : i32
        %rem3A_520 = arith.remsi %select_n3A_514, %select_n3A_519 : i32
        %ne3A_521 = arith.constant 0 : i32
        %ne3A_522 = arith.cmpi ne, %rem3A_520, %ne3A_521 : i32
        %lt3A_523 = arith.constant 0 : i32
        %lt3A_524 = arith.cmpi slt, %rem3A_520, %lt3A_523 : i32
        %lt3A_525 = arith.constant 0 : i32
        %lt3A_526 = arith.cmpi slt, %select_n3A_519, %lt3A_525 : i32
        %ne3A_527 = arith.xori %lt3A_524, %lt3A_526 : i1
        %and3A_528 = arith.andi %ne3A_527, %ne3A_522 : i1
        %add3A_529 = arith.addi %rem3A_520, %select_n3A_519 : i32
        %select_n3A_530 = arith.select %and3A_528, %add3A_529, %rem3A_520 : i32
        %jit3A_531 = arith.constant 8 : i32
        %eq3A_532 = arith.constant 0 : i32
        %eq3A_533 = arith.cmpi eq, %jit3A_531, %eq3A_532 : i32
        %jit3A_534 = arith.constant 1 : i32
        %select_n3A_535 = arith.select %eq3A_533, %jit3A_534, %jit3A_531 : i32
        %rem3A_536 = arith.remsi %add3A_492, %select_n3A_535 : i32
        %ne3A_537 = arith.constant 0 : i32
        %ne3A_538 = arith.cmpi ne, %rem3A_536, %ne3A_537 : i32
        %lt3A_539 = arith.constant 0 : i32
        %lt3A_540 = arith.cmpi slt, %rem3A_536, %lt3A_539 : i32
        %lt3A_541 = arith.constant 0 : i32
        %lt3A_542 = arith.cmpi slt, %select_n3A_535, %lt3A_541 : i32
        %ne3A_543 = arith.xori %lt3A_540, %lt3A_542 : i1
        %and3A_544 = arith.andi %ne3A_543, %ne3A_538 : i1
        %add3A_545 = arith.addi %rem3A_536, %select_n3A_535 : i32
        %select_n3A_546 = arith.select %and3A_544, %add3A_545, %rem3A_536 : i32
        %dma_start3A_547 = arith.constant 3 : i32
        %dma_start3A_548 = arith.constant 0 : i32
        %dma_start3A_549 = arith.constant 0 : i32
        %dma_start3A_550 = tpu.memref_slice %arg25[%dma_start3A_547, %dma_start3A_548, %dma_start3A_549] : memref<4x128x128xf32, #tpu.memory_space<vmem>> -> memref<1x128x128xf32, #tpu.memory_space<vmem>>
        %dma_start3A_551 = tpu.memref_squeeze %dma_start3A_550 : memref<1x128x128xf32, #tpu.memory_space<vmem>> -> memref<128x128xf32, #tpu.memory_space<vmem>>
        %dma_start3A_552 = arith.constant 0 : i32
        %dma_start3A_553 = tpu.memref_slice %arg24[%select_n3A_530, %select_n3A_546, %dma_start3A_552] : memref<2x8x128xi32, #tpu.memory_space<vmem>> -> memref<1x1x128xi32, #tpu.memory_space<vmem>>
        %dma_start3A_554 = tpu.memref_squeeze %dma_start3A_553 : memref<1x1x128xi32, #tpu.memory_space<vmem>> -> memref<128xi32, #tpu.memory_space<vmem>>
        %dma_start3A_555 = arith.constant 0 : i32
        %dma_start3A_556 = arith.constant 0 : i32
        %dma_start3A_557 = tpu.memref_slice %arg12[%dma_start3A_555, %dma_start3A_556] : memref<100000x128xf32, #tpu.memory_space<hbm>> -> memref<100000x128xf32, #tpu.memory_space<hbm>>
        tpu.enqueue_indirect_dma source(%dma_start3A_557 : memref<100000x128xf32, #tpu.memory_space<hbm>>) target(%dma_start3A_551 : memref<128x128xf32, #tpu.memory_space<vmem>>) offsets(%dma_start3A_554 : memref<128xi32, #tpu.memory_space<vmem>>) semaphore(%arg29 : memref<!tpu.dma_semaphore, #tpu.memory_space<semaphore_mem>>)
      } else {
      }
    }
    %scan3A_214 = arith.constant 50 : i32
    %multiple_of3A_215 = arith.constant 12672 : i32
    %multiple_of3A_216 = tpu.assume_multiple %multiple_of3A_215, 64 : i32
    %dma_wait3A_217 = arith.constant 0 : i32
    %dma_wait3A_218 = arith.constant 0 : i32
    %dma_wait3A_219 = arith.constant 0 : i32
    %dma_wait3A_220 = tpu.memref_slice %arg26[%dma_wait3A_217, %dma_wait3A_218, %dma_wait3A_219] : memref<2x64x128xf32, #tpu.memory_space<vmem>> -> memref<1x64x128xf32, #tpu.memory_space<vmem>>
    %dma_wait3A_221 = tpu.memref_squeeze %dma_wait3A_220 : memref<1x64x128xf32, #tpu.memory_space<vmem>> -> memref<64x128xf32, #tpu.memory_space<vmem>>
    %dma_wait3A_222 = tpu.memref_slice %arg13[%multiple_of3A_216, %multiple_of3A] : memref<12800x4096xf32, #tpu.memory_space<hbm>> -> memref<64x128xf32, #tpu.memory_space<hbm>>
    %dma_wait3A_223 = tpu.memref_slice %arg13[%multiple_of3A_216, %multiple_of3A] : memref<12800x4096xf32, #tpu.memory_space<hbm>> -> memref<64x128xf32, #tpu.memory_space<hbm>>
    %dma_wait3A_224 = arith.constant 0 : i32
    %dma_wait3A_225 = arith.constant 0 : i32
    %dma_wait3A_226 = tpu.memref_slice %arg26[%dma_wait3A_217, %dma_wait3A_224, %dma_wait3A_225] : memref<2x64x128xf32, #tpu.memory_space<vmem>> -> memref<1x64x128xf32, #tpu.memory_space<vmem>>
    %dma_wait3A_227 = tpu.memref_squeeze %dma_wait3A_226 : memref<1x64x128xf32, #tpu.memory_space<vmem>> -> memref<64x128xf32, #tpu.memory_space<vmem>>
    tpu.wait_dma2 semaphore(%arg30 : memref<!tpu.dma_semaphore, #tpu.memory_space<semaphore_mem>>) src(%dma_wait3A_227 : memref<64x128xf32, #tpu.memory_space<vmem>>) dst(%dma_wait3A_223 : memref<64x128xf32, #tpu.memory_space<hbm>>)
    %multiple_of3A_228 = arith.constant 12736 : i32
    %multiple_of3A_229 = tpu.assume_multiple %multiple_of3A_228, 64 : i32
    %dma_wait3A_230 = arith.constant 1 : i32
    %dma_wait3A_231 = arith.constant 0 : i32
    %dma_wait3A_232 = arith.constant 0 : i32
    %dma_wait3A_233 = tpu.memref_slice %arg26[%dma_wait3A_230, %dma_wait3A_231, %dma_wait3A_232] : memref<2x64x128xf32, #tpu.memory_space<vmem>> -> memref<1x64x128xf32, #tpu.memory_space<vmem>>
    %dma_wait3A_234 = tpu.memref_squeeze %dma_wait3A_233 : memref<1x64x128xf32, #tpu.memory_space<vmem>> -> memref<64x128xf32, #tpu.memory_space<vmem>>
    %dma_wait3A_235 = tpu.memref_slice %arg13[%multiple_of3A_229, %multiple_of3A] : memref<12800x4096xf32, #tpu.memory_space<hbm>> -> memref<64x128xf32, #tpu.memory_space<hbm>>
    %dma_wait3A_236 = tpu.memref_slice %arg13[%multiple_of3A_229, %multiple_of3A] : memref<12800x4096xf32, #tpu.memory_space<hbm>> -> memref<64x128xf32, #tpu.memory_space<hbm>>
    %dma_wait3A_237 = arith.constant 0 : i32
    %dma_wait3A_238 = arith.constant 0 : i32
    %dma_wait3A_239 = tpu.memref_slice %arg26[%dma_wait3A_230, %dma_wait3A_237, %dma_wait3A_238] : memref<2x64x128xf32, #tpu.memory_space<vmem>> -> memref<1x64x128xf32, #tpu.memory_space<vmem>>
    %dma_wait3A_240 = tpu.memref_squeeze %dma_wait3A_239 : memref<1x64x128xf32, #tpu.memory_space<vmem>> -> memref<64x128xf32, #tpu.memory_space<vmem>>
    tpu.wait_dma2 semaphore(%arg30 : memref<!tpu.dma_semaphore, #tpu.memory_space<semaphore_mem>>) src(%dma_wait3A_240 : memref<64x128xf32, #tpu.memory_space<vmem>>) dst(%dma_wait3A_236 : memref<64x128xf32, #tpu.memory_space<hbm>>)
    return
  }
}

</mosaic_0001>

<sc_bundles>
// kernel: _run.3.cloned.1.call-start
scs
__scs_entry_jumppad:
0x0: {  	(pc) =	sbr.rel $0x88, $3  }
0x1: {  	(tag) =	ssettag $0x0;
	lr =	simm.s32 $0x1  }
0x2: {  	[smem:$0x3F96] =	sst lr;
	_ =	strace $0xD0000000  }
0x3: {  	_ = 	snop  }
0x4: {  	_ = 	snop  }
0x5: {  	_ = 	snop  }
0x6: {  	_ = 	snop  }
0x7: {  	_ = 	snop  }
__scs_overlays_trampoline_lowered:
0x8: {  	[smem:$0x3FA5] =	sst s0  }
0x9: {  	[smem:$0x3FA6] =	sst s1  }
0xa: {  	[smem:$0x3FA7] =	sst s2  }
0xb: {  	[smem:$0x3FA8] =	sst s3  }
0xc: {  	[smem:$0x3FA9] =	sst s4  }
0xd: {  	[smem:$0x3FAA] =	sst s5  }
0xe: {  	[smem:$0x3FAB] =	sst s6  }
0xf: {  	[smem:$0x3FAC] =	sst s7  }
0x10: {  	[smem:$0x3FAD] =	sst s8  }
0x11: {  	[smem:$0x3FAE] =	sst s9;
	s0 =	simm.s32 @!p0 $0x0  }
0x12: {  	s1 =	sld [smem:$0x3F94];
	s0 =	simm.s32 @p0 $0x1  }
0x13: {  	[smem:$0x3FAF] =	sst s0;
	s0 =	simm.s32 @!p1 $0x0  }
0x14: {  	s2 =	sld [smem:$0x3F93];
	s0 =	simm.s32 @p1 $0x1  }
0x15: {  	[smem:$0x3FB0] =	sst s0;
	s0 =	simm.s32 @!p2 $0x0  }
0x16: {  	s3 =	sld [smem:$0x3FDB];
	s0 =	simm.s32 @p2 $0x1  }
0x17: {  	s4 =	simm.s32 $0x1BF5;
	[smem:$0x3FB2] =	sst s0  }
0x18: {  	s0 =	sld [smem:$0x3F95];
	_ =	swait.ge [sflag:s4], $0x0  }
0x19: {  	s7 =	sld [smem:$0x3F96]  }
0x1a: {  	s8 =	sadd.s32 $0xFFFFE003, lr  }
0x1b: {  	s9 =	sadd.s32 $0xFFFFFEF7, lr;
	s5 =	simm.s32 $0xFFFFFFFF;
	p2 =	slt.u32 s8, $0xFFFFF086  }
0x1c: {  	p1 =	slt.u32 s9, $0xF7A;
	s5 =	simm.s32 @!p2 $0x0  }
0x1d: {  	s5 =	simm.s32 @p1 $0x1;
	p0 =	seq.s32 s7, s2  }
0x1e: {  	s7 =	smul.u32 @!p0 $0xF7A, s2;
	p2 =	seq.s32 @!p0 s5, $0x0  }
0x1f: {  	s9 =	smul.u32 $0xF7A, s1;
	s8 =	simm.s32 @!p0 $0x1BF5;
	p2 =	por !p2, p0  }
0x20: {  	[sflag:s8] =	ssyncset.s32 @!p0 $0xFFFFF086;
	s6 =	sadd.s32 @!p0 s3, s7;
	s7 =	simm.s32 @!p0 $0x108  }
0x21: {  	s3 =	sadd.s32 s3, s9;
	s6 =	sadd.s32 @!p0 $0x88, s6;
	s7 =	simm.s32 @p2 $0x1082  }
0x22: {  	[simem:s7], [sflag:s8] =	dma.local @!p0 [hbm:s6], $0xF7A  }
0x23: {  	s9 =	sor.u32 $0xD0000000, s2;
	s6 =	simm.s32 $0x108;
	_ =	swait.ge @!p0 [sflag:s8], $0x0  }
0x24: {  	s3 =	sadd.s32 $0x88, s3;
	s6 =	simm.s32 @!p1 $0x1082;
	[sflag:s4] =	ssyncset.s32 $0xFFFFF086  }
0x25: {  	[simem:s6], [sflag:s4] =	dma.local [hbm:s3], $0xF7A  }
0x26: {  	[smem:$0x3F96] =	sst s1;
	(tag) =	ssettag s2;
	_ =	strace s9  }
0x27: {  	s1 =	sld [smem:$0x3FA6]  }
0x28: {  	s2 =	sld [smem:$0x3FA7]  }
0x29: {  	s4 =	sld [smem:$0x3FA9]  }
0x2a: {  	p0 =	seq.s32 s5, $0x0;
	s5 =	sld [smem:$0x3FAA]  }
0x2b: {  	s6 =	sld [smem:$0x3FAB]  }
0x2c: {  	s7 =	sld [smem:$0x3FAC]  }
0x2d: {  	s3 =	simm.s32 $0x108;
	s8 =	sld [smem:$0x3FAD]  }
0x2e: {  	s3 =	simm.s32 @!p0 $0x1082;
	s9 =	sld [smem:$0x3FAE]  }
0x2f: {  	lr =	sadd.s32 s0, s3;
	s0 =	sld [smem:$0x3FA5]  }
0x30: {  	s3 =	sld [smem:$0x3FA8]  }
0x31: {  	[smem:$0x3FB1] =	sst s10  }
0x32: {  	s10 =	sld [smem:$0x3FAF];
	_ =	sdelay $0x3  }
0x33: {  	p0 =	seq.s32 s10, $0x1;
	s10 =	sld [smem:$0x3FB1];
	_ =	sdelay $0x3  }
0x34: {  	[smem:$0x3FB1] =	sst s10  }
0x35: {  	s10 =	sld [smem:$0x3FB0];
	_ =	sdelay $0x3  }
0x36: {  	p1 =	seq.s32 s10, $0x1;
	s10 =	sld [smem:$0x3FB1];
	_ =	sdelay $0x3  }
0x37: {  	[smem:$0x3FB1] =	sst s10  }
0x38: {  	s10 =	sld [smem:$0x3FB2]  }
0x39: {  	_ = 	snop;
	(pc) =	sbr.ind lr, $3  }
0x3a: {  	_ = 	snop  }
0x3b: {  	_ = 	snop  }
0x3c: {  	p2 =	seq.s32 s10, $0x1;
	s10 =	sld [smem:$0x3FB1]  }
0x3d: {  	_ =	shalt  }
0x3e: {  	_ =	shalt  }
0x3f: {  	_ =	shalt  }
0x40: {  	_ =	shalt  }
0x41: {  	_ =	shalt  }
0x42: {  	_ =	shalt  }
0x43: {  	_ =	shalt  }
0x44: {  	_ =	shalt  }
0x45: {  	_ =	shalt  }
0x46: {  	_ =	shalt  }
0x47: {  	_ =	shalt  }
0x48: {  	_ =	shalt  }
0x49: {  	_ =	shalt  }
0x4a: {  	_ =	shalt  }
0x4b: {  	_ =	shalt  }
0x4c: {  	_ =	shalt  }
0x4d: {  	_ =	shalt  }
0x4e: {  	_ =	shalt  }
0x4f: {  	_ =	shalt  }
0x50: {  	_ =	shalt  }
0x51: {  	_ =	shalt  }
0x52: {  	_ =	shalt  }
0x53: {  	_ =	shalt  }
0x54: {  	_ =	shalt  }
0x55: {  	_ =	shalt  }
0x56: {  	_ =	shalt  }
0x57: {  	_ =	shalt  }
0x58: {  	_ =	shalt  }
0x59: {  	_ =	shalt  }
0x5a: {  	_ =	shalt  }
0x5b: {  	_ =	shalt  }
0x5c: {  	_ =	shalt  }
0x5d: {  	_ =	shalt  }
0x5e: {  	_ =	shalt  }
0x5f: {  	_ =	shalt  }
0x60: {  	_ =	shalt  }
0x61: {  	_ =	shalt  }
0x62: {  	_ =	shalt  }
0x63: {  	_ =	shalt  }
0x64: {  	_ =	shalt  }
0x65: {  	_ =	shalt  }
0x66: {  	_ =	shalt  }
0x67: {  	_ =	shalt  }
0x68: {  	_ =	shalt  }
0x69: {  	_ =	shalt  }
0x6a: {  	_ =	shalt  }
0x6b: {  	_ =	shalt  }
0x6c: {  	_ =	shalt  }
0x6d: {  	_ =	shalt  }
0x6e: {  	_ =	shalt  }
0x6f: {  	_ =	shalt  }
0x70: {  	_ =	shalt  }
0x71: {  	_ =	shalt  }
0x72: {  	_ =	shalt  }
0x73: {  	_ =	shalt  }
0x74: {  	_ =	shalt  }
0x75: {  	_ =	shalt  }
0x76: {  	_ =	shalt  }
0x77: {  	_ =	shalt  }
0x78: {  	_ =	shalt  }
0x79: {  	_ =	shalt  }
0x7a: {  	_ =	shalt  }
0x7b: {  	_ =	shalt  }
0x7c: {  	_ =	shalt  }
0x7d: {  	_ =	shalt  }
0x7e: {  	_ =	shalt  }
0x7f: {  	_ =	shalt  }
0x80: {  	_ =	shalt  }
0x81: {  	_ =	shalt  }
0x82: {  	_ =	shalt  }
0x83: {  	_ =	shalt  }
0x84: {  	_ =	shalt  }
0x85: {  	_ =	shalt  }
0x86: {  	_ =	shalt  }
0x87: {  	_ =	shalt  }
.Lfunc_end0:
.L_simem_size_0:
called_computation_lowered:
.L_overlay_start_0:
0x88: {  	s2 =	sld [smem:$0x3FD9]  }
0x89: {  	s3 =	sld [smem:$0x3FFE];
	_ =	sdelay $0x1  }
0x8a: {  	s1 =	srdreg.scid  }
0x8b: {  	s0 =	sand.u32 $0x1, s1  }
0x8c: {  	s25 =	sshll.u32 s0, $0xA;
	s2 =	sadd.s32 s3, s2  }
0x8d: {  	s2 =	sadd.s32 s2, s25  }
0x8e: {  	[smem:$0x3FBD] =	sst s2  }
0x8f: {  	_ = 	snop  }
0x90: {  	s2 =	sld [smem:$0x3FC9]  }
0x91: {  	s3 =	sld [smem:$0x3FC8]  }
0x92: {  	s4 =	sld [smem:$0x3FC7]  }
0x93: {  	s5 =	sld [smem:$0x3FC6]  }
0x94: {  	s6 =	sld [smem:$0x3FC5]  }
0x95: {  	s7 =	sld [smem:$0x3FC4]  }
0x96: {  	s8 =	sld [smem:$0x3FC3]  }
0x97: {  	s12 =	sld [smem:$0x3FD0]  }
0x98: {  	s10 =	sld [smem:$0x3FC2]  }
0x99: {  	s11 =	sld [smem:$0x3FC1]  }
0x9a: {  	s14 =	simm.s32 $0xA;
	s13 =	simm.s32 $0x10;
	s9 =	sld [smem:$0x3FBF]  }
0x9b: {  	[smem:s13], [sflag:s14] =	dma.local [hbm:s12], $0x1  }
0x9c: {  	_ =	swait.eq [sflag:s14], $0x1  }
0x9d: {  	s12 =	sld [smem:$0x10];
	[sflag:s14] =	ssyncset.done $0x0  }
0x9e: {  	s13 =	sld [smem:$0x11];
	[sflag:s14] =	ssyncadd.s32 $0xFFFFFFFF  }
0x9f: {  	s14 =	sld [smem:$0x12];
	(tm) =	ssettm $0x1  }
0xa0: {  	s15 =	sld [smem:$0x3FFB];
	_ =	sdelay $0x3  }
0xa1: {  	_ =	strace s15  }
0xa2: {  	s15 =	sld [smem:$0x3FFC];
	_ =	sdelay $0x3  }
0xa3: {  	_ =	strace s15  }
0xa4: {  	s15 =	sld [smem:$0x3FFD];
	_ =	sdelay $0x3  }
0xa5: {  	_ =	strace s15  }
0xa6: {  	_ =	strace $0x8FFFFFFF  }
0xa7: {  	s26 =	sld [smem:$0x3FDB];
	_ =	sdelay $0x1  }
0xa8: {  	s16 =	simm.s32 $_scs_section_size  }
0xa9: {  	s17 =	simm.s32 $_size__tile_task_arg_handler_lowered;
	s18 =	simm.s32 $_tile_task_arg_handler_lowered  }
0xaa: {  	s30 =	simm.s32 $0x1BFF;
	s29 =	sshll.u32 s18, $0x1;
	s16 =	sadd.s32 s16, s26  }
0xab: {  	s19 =	simm.s32 $0x60;
	s28 =	sshll.u32 s17, $0x1;
	s17 =	sadd.s32 s29, s16  }
0xac: {  	[timem:s19], [sflag:s30] =	dma.local [hbm:s17], s28  }
0xad: {  	_ =	swait.ge [sflag:s30], s28  }
0xae: {  	s31 =	simm.s32 $_tile_overlayer_lowered;
	s15 =	ssub.s32 $0x0, s28;
	[sflag:s30] =	ssyncset.done $0x0  }
0xaf: {  	s19 =	simm.s32 $_size__tile_overlayer_lowered;
	s17 =	sshll.u32 s31, $0x1;
	[sflag:s30] =	ssyncadd.s32 s15  }
0xb0: {  	s21 =	simm.s32 $0x0;
	s20 =	sshll.u32 s19, $0x1;
	s17 =	sadd.s32 s17, s16  }
0xb1: {  	[timem:s21], [sflag:s30] =	dma.local [hbm:s17], s20  }
0xb2: {  	_ =	swait.ge [sflag:s30], s20  }
0xb3: {  	s22 =	ssub.s32 $0x0, s20;
	[sflag:s30] =	ssyncset.done $0x0  }
0xb4: {  	[sflag:s30] =	ssyncadd.s32 s22;
	_ =	sdelay $0x1  }
0xb5: {  	s23 =	simm.s32 $0x1B8B  }
0xb6: {  	_ =	swait.ge [sflag:s23], $0x1  }
0xb7: {  	[sflag:s23] =	ssyncset.done $0x0  }
0xb8: {  	s25 =	simm.s32 $0x1B8E;
	s24 =	sld [smem:$0x3FFE];
	[sflag:s23] =	ssyncadd.s32 $0xFFFFFFFF  }
0xb9: {  	s26 =	simm.s32 $execute0_lowered;
	[smem:$0x3FD2] =	sst s25  }
0xba: {  	s18 =	sshll.u32 s26, $0x1;
	_ =	strace $0x80000046;
	[dreg:$0x1] =	wrdreg $0xFFFFFFFF  }
0xbb: {  	s16 =	sadd.s32 s16, s18;
	s28 =	simm.s32 $_size_execute0_lowered;
	[dreg:$0x0] =	wrdreg $0x0  }
0xbc: {  	s18 =	sshll.u32 s28, $0x1;
	[dreg:$0x2] =	wrdreg s16  }
0xbd: {  	[dreg:$0x3] =	wrdreg s18  }
0xbe: {  	[dreg:$0x4] =	wrdreg $0xC0  }
0xbf: {  	_ =	task [dreg:s21], $0x5FFFF  }
0xc0: {  	[dreg:$0x1] =	wrdreg $0xFFFFFFFF  }
0xc1: {  	[dreg:$0x0] =	wrdreg $0x30  }
0xc2: {  	[dreg:$0x2] =	wrdreg $0x0  }
0xc3: {  	[dreg:$0x3] =	wrdreg $0x9  }
0xc4: {  	_ =	task [dreg:s21], $0x4FFFF  }
0xc5: {  	[dreg:$0x1] =	wrdreg $0xFFFFFFFF  }
0xc6: {  	[dreg:$0x0] =	wrdreg $0x60  }
0xc7: {  	[dreg:$0x2] =	wrdreg s2  }
0xc8: {  	[dreg:$0x3] =	wrdreg s3  }
0xc9: {  	[dreg:$0x4] =	wrdreg s4  }
0xca: {  	[dreg:$0x5] =	wrdreg s5  }
0xcb: {  	[dreg:$0x6] =	wrdreg s6  }
0xcc: {  	[dreg:$0x7] =	wrdreg s7  }
0xcd: {  	[dreg:$0x8] =	wrdreg s8  }
0xce: {  	[dreg:$0x9] =	wrdreg s10  }
0xcf: {  	[dreg:$0xa] =	wrdreg s11  }
0xd0: {  	[dreg:$0xb] =	wrdreg s24  }
0xd1: {  	[dreg:$0xc] =	wrdreg s9  }
0xd2: {  	[dreg:$0xd] =	wrdreg s12  }
0xd3: {  	[dreg:$0xe] =	wrdreg s13  }
0xd4: {  	[dreg:$0xf] =	wrdreg s14  }
0xd5: {  	_ =	task.clear_ibuf [dreg:s21], $0x10FFFF;
	_ =	strace $0x90000046  }
0xd6: {  	s29 =	simm.s32 $0x9;
	_ =	strace $0x80000048  }
0xd7: {  	_ =	swait.ge [sflag:s29], $0x1  }
0xd8: {  	[sflag:s29] =	ssyncadd.s32 $0xFFFFFFFF  }
0xd9: {  	_ =	strace $0x90000048  }
0xda: {  	_ =	sfence  }
0xdb: {  	s30 =	sld [smem:$0x0];
	_ =	sdelay $0x2  }
0xdc: {  	s31 =	sshll.u32 s1, $0xD;
	s1 =	sshrl.u32 s1, $0x2  }
0xdd: {  	s3 =	sand.u32 $0x4000, s31;
	s1 =	sadd.s32 s1, s30  }
0xde: {  	s0 =	sor.u32 s3, s0;
	s1 =	sshll.u32 s1, $0x11  }
0xdf: {  	s0 =	sor.u32 s1, s0  }
0xe0: {  	s0 =	sadd.s32 $0x8F2B, s0  }
0xe1: {  	[sflag:s0] =	ssyncadd.remote.s32 $0x1  }
0xe2: {  	_ =	sfence.sel $0xFFFF  }
0xe3: {  	[dreg:$0x0] =	wrdreg $0xFFFFFFFF;
	(pc) =	sbr.abs _section_cstart, $3  }
0xe4: {  	[dreg:$0x1] =	wrdreg $0xFFFFFFFF  }
0xe5: {  	_ =	task.clear_ibuf [dreg:s21], $0x2FFFF;
	_ =	strace $0x9FFFFFFF  }
0xe6: {  	(tm) =	ssettm $0x7FFFFFFF  }
0xe7: {  	_ =	shalt  }
tec
_tile_task_arg_handler_lowered:
.L_overlay_start_1:
0x0: {  	(tag) =	ssettag $0x1  }
0x1: {  	s0 =	rddreg [dreg:$0x0]  }
0x2: {  	s1 =	rddreg [dreg:$0x1]  }
0x3: {  	s2 =	rddreg [dreg:$0x2]  }
0x4: {  	s3 =	rddreg [dreg:$0x3]  }
0x5: {  	s4 =	rddreg [dreg:$0x4]  }
0x6: {  	s5 =	rddreg [dreg:$0x5]  }
0x7: {  	s6 =	rddreg [dreg:$0x6]  }
0x8: {  	s7 =	rddreg [dreg:$0x7]  }
0x9: {  	s8 =	rddreg [dreg:$0x8]  }
0xa: {  	s9 =	rddreg [dreg:$0x9]  }
0xb: {  	s10 =	rddreg [dreg:$0xa]  }
0xc: {  	s11 =	rddreg [dreg:$0xb]  }
0xd: {  	s12 =	rddreg [dreg:$0xc]  }
0xe: {  	s13 =	rddreg [dreg:$0xd]  }
0xf: {  	[smem:s0] =	sst s1  }
0x10: {  	[smem:s0+$0x1] =	sst s2  }
0x11: {  	[smem:s0+$0x2] =	sst s3  }
0x12: {  	[smem:s0+$0x3] =	sst s4  }
0x13: {  	[smem:s0+$0x4] =	sst s5  }
0x14: {  	[smem:s0+$0x5] =	sst s6  }
0x15: {  	[smem:s0+$0x6] =	sst s7  }
0x16: {  	[smem:s0+$0x7] =	sst s8  }
0x17: {  	[smem:s0+$0x8] =	sst s9  }
0x18: {  	[smem:s0+$0x9] =	sst s10  }
0x19: {  	[smem:s0+$0xA] =	sst s11  }
0x1a: {  	[smem:s0+$0xB] =	sst s12  }
0x1b: {  	[smem:s0+$0xC] =	sst s13;
	_ =	shalt  }
.Lfunc_end2:
execute0_lowered:
.L_overlay_start_2:
0x1c: {  	(tag) =	ssettag $0x2  }
0x1d: {  	s2 =	rddreg [dreg:$0x0]  }
0x1e: {  	s3 =	rddreg [dreg:$0x1]  }
0x1f: {  	s6 =	rddreg [dreg:$0x2]  }
0x20: {  	s7 =	rddreg [dreg:$0x3]  }
0x21: {  	s9 =	rddreg [dreg:$0x4]  }
0x22: {  	s0 =	rddreg [dreg:$0x5]  }
0x23: {  	s1 =	rddreg [dreg:$0x6]  }
0x24: {  	s10 =	rddreg [dreg:$0x9]  }
0x25: {  	s4 =	rddreg [dreg:$0xa]  }
0x26: {  	s5 =	rddreg [dreg:$0xb]  }
0x27: {  	s11 =	rddreg [dreg:$0xc]  }
0x28: {  	s12 =	rddreg [dreg:$0xd]  }
0x29: {  	s8 =	simm.s32 $0x0;
	s13 =	srdreg.scid;
	s14 =	stileid.u32  }
0x2a: {  	s29 =	simm.s32 $0x280;
	s30 =	simm.s32 $0x380;
	s31 =	simm.s32 $0x780  }
0x2b: {  	s28 =	simm.s32 $0x11B80;
	[smem:$0x7FF] =	sst s8;
	s13 =	sand.u32 $0x1, s13  }
0x2c: {  	s14 =	sshll.u32 s14, $0x1;
	s17 =	sadd.s32 $0x600, s10;
	s15 =	ssub.s32 $0x2, s13  }
0x2d: {  	s8 =	sld [smem:$0x0];
	s13 =	sor.u32 s13, s14;
	s18 =	sshrl.u32 s15, $0x1  }
0x2e: {  	s14 =	sshll.u32 s13, $0x4;
	s22 =	sshll.u32 s13, $0x7;
	s10 =	ssub.s32 s15, s18  }
0x2f: {  	s2 =	sadd.s32 s2, s14;
	s19 =	sadd.s32 s3, s14;
	s20 =	sadd.s32 s6, s14  }
0x30: {  	s21 =	sadd.s32 s7, s14;
	s23 =	sadd.s32 s9, s14;
	[dreg:$0xe] =	wrdreg s8  }
0x31: {  	s15 =	sshll.u32 s13, $0xA;
	_ =	strace $0x80000047;
	[dreg:$0xf] =	wrdreg s17  }
0x32: {  	s24 =	sadd.s32 s12, s22;
	s25 =	sadd.s32 s11, s22;
	[dreg:$0x10] =	wrdreg s2  }
0x33: {  	s7 =	simm.s32 $0x400;
	s3 =	simm.s32 $0x4;
	[dreg:$0x11] =	wrdreg s19  }
0x34: {  	s6 =	simm.s32 $0x1B80;
	s9 =	simm.s32 $0x1;
	[dreg:$0x12] =	wrdreg s20  }
0x35: {  	s11 =	simm.s32 $0xDB80;
	s12 =	simm.s32 $0x2;
	[dreg:$0x13] =	wrdreg s21  }
0x36: {  	s13 =	simm.s32 $0x13B80;
	s14 =	simm.s32 $0x0;
	[dreg:$0x14] =	wrdreg s23  }
.Ltmp0:
0x37: {  	s26 =	smax.u32 s10, $0x1;
	[dreg:$0x15] =	wrdreg s24;
	(pc) =	sbr.rel .LBB3_1-.Ltmp0, $4  }
0x38: {  	v0 =	vlaneseq.u32;
	[dreg:$0x16] =	wrdreg s25;
	s2 =	sadd.s32 s0, s22;
	s19 =	sadd.s32 $0x8000, s5  }
0x39: {  	v1 =	vmul.u32 $0x80, v0;
	s20 =	sadd.s32 $0x10000, s5;
	s21 =	sadd.s32 $0x18000, s5;
	[dreg:$0x18] =	wrdreg s26  }
0x3a: {  	vm0 =	vmmov $0x1;
	s23 =	simm.s32 $0x5;
	s24 =	simm.s32 $0x80;
	s25 =	simm.s32 $0x19B80  }
0x3b: {  	v2 =	vor.u32 $0x800, v1;
	v3 =	vor.u32 $0x1000, v1;
	v4 =	vor.u32 $0x1800, v1;
	s26 =	simm.s32 $0x8000;
	[dreg:$0x17] =	wrdreg s2;
	s2 =	simm.s32 $0x15B80  }
.LBB3_36:
0x3c: {  	_ =	swait.ge [sflag:s12], $0x2000  }
0x3d: {  	[sflag:s12] =	ssyncset.done $0x0  }
0x3e: {  	[sflag:s12] =	ssyncadd.s32 $0xFFFFE000  }
0x3f: {  	_ =	swait.ge [sflag:s12], $0x2000  }
0x40: {  	s14 =	sadd.s32 $0x1, s14;
	s8 =	rddreg [dreg:$0x18]  }
0x41: {  	p0 =	sne.s32 s14, s8  }
.Ltmp1:
0x42: {  	_ = 	snop;
	(pc) =	sbr.rel @!p0 .LBB3_37-.Ltmp1, $3  }
0x43: {  	_ =	sdelay $0x1  }
0x44: {  	[sflag:s12] =	ssyncset.done $0x0  }
0x45: {  	[sflag:s12] =	ssyncadd.s32 $0xFFFFE000  }
.LBB3_1:
0x46: {  	s10 =	simm.s32 $0x0;
	s8 =	rddreg [dreg:$0x10]  }
0x47: {  	[tilespmem:s10], [sflag:$0x5] =	stream.linear.gather [hbm4b:s8+s10], $0x80, $0x38;
	[tilespmem:$0x1D380] =	vst v63  }
0x48: {  	_ =	swait.ge [sflag:s23], $0x80  }
0x49: {  	[sflag:s23] =	ssyncset.done $0x0  }
0x4a: {  	s18 =	rddreg [dreg:$0x11];
	[sflag:s23] =	ssyncadd.s32 $0xFFFFFF80  }
0x4b: {  	[tilespmem:s24], [sflag:$0x5] =	stream.linear.gather [hbm4b:s18+s10], $0x80, $0x38;
	[tilespmem:$0x1D380] =	vst v63  }
0x4c: {  	_ =	swait.ge [sflag:s23], $0x80  }
0x4d: {  	[sflag:s23] =	ssyncset.done $0x0  }
0x4e: {  	s16 =	simm.s32 $0x100;
	s22 =	rddreg [dreg:$0x12];
	[sflag:s23] =	ssyncadd.s32 $0xFFFFFF80  }
0x4f: {  	[tilespmem:s16], [sflag:$0x5] =	stream.linear.gather [hbm4b:s22+s10], $0x80, $0x38;
	[tilespmem:$0x1D380] =	vst v63  }
0x50: {  	_ =	swait.ge [sflag:s23], $0x80  }
0x51: {  	[sflag:s23] =	ssyncset.done $0x0  }
0x52: {  	s17 =	simm.s32 $0x180;
	s16 =	rddreg [dreg:$0x13];
	[sflag:s23] =	ssyncadd.s32 $0xFFFFFF80  }
0x53: {  	[tilespmem:s17], [sflag:$0x5] =	stream.linear.gather [hbm4b:s16+s10], $0x80, $0x38;
	[tilespmem:$0x1D380] =	vst v63  }
0x54: {  	_ =	swait.ge [sflag:s23], $0x80  }
0x55: {  	[sflag:s23] =	ssyncset.done $0x0  }
0x56: {  	s22 =	simm.s32 $0x200;
	s18 =	rddreg [dreg:$0x14];
	[sflag:s23] =	ssyncadd.s32 $0xFFFFFF80  }
0x57: {  	[tilespmem:s22], [sflag:$0x5] =	stream.linear.gather [hbm4b:s18+s10], $0x80, $0x38;
	[tilespmem:$0x1D380] =	vst v63  }
0x58: {  	_ =	swait.ge [sflag:s23], $0x80  }
0x59: {  	[sflag:s23] =	ssyncset.done $0x0  }
0x5a: {  	[sflag:s23] =	ssyncadd.s32 $0xFFFFFF80  }
0x5b: {  	s16 =	rddreg [dreg:$0x7]  }
0x5c: {  	[tilespmem:s29], [sflag:$0x5] =	stream.linear.gather [hbm4b:s16+s10], $0x100, $0x38;
	[tilespmem:$0x1D380] =	vst v63  }
0x5d: {  	_ =	swait.ge [sflag:s23], $0x100  }
0x5e: {  	[sflag:s23] =	ssyncset.done $0x0  }
0x5f: {  	[sflag:s23] =	ssyncadd.s32 $0xFFFFFF00  }
0x60: {  	s17 =	rddreg [dreg:$0x8]  }
0x61: {  	[tilespmem:s30], [sflag:$0x5] =	stream.linear.gather [hbm4b:s17+s10], $0x380, $0x38;
	[tilespmem:$0x1D380] =	vst v63  }
0x62: {  	_ =	swait.ge [sflag:s23], $0x380  }
0x63: {  	[sflag:s23] =	ssyncset.done $0x0  }
0x64: {  	s18 =	rddreg [dreg:$0xf];
	[sflag:s23] =	ssyncadd.s32 $0xFFFFFC80  }
0x65: {  	[tilespmem:s31], [sflag:$0x5] =	stream.linear.gather [hbm4b:s18+s10], $0xA80, $0x38;
	[tilespmem:$0x1D380] =	vst v63  }
0x66: {  	_ =	swait.ge [sflag:s23], $0xA80  }
0x67: {  	[sflag:s23] =	ssyncset.done $0x0  }
0x68: {  	[sflag:s23] =	ssyncadd.s32 $0xFFFFF580  }
0x69: {  	v5 =	vld [tilespmem:$0x80];
	_ =	sdelay $0x1  }
0x6a: {  	v6 =	vmov s10  }
0x6b: {  	v6 =	vand.u32 $0x7F, v6  }
0x6c: {  	v8 =	vbroadcast v6, $0x0  }
0x6d: {  	v5 =	vshll.u32 v5, $0x7  }
0x6e: {  	v6 =	vld [tilespmem:$0x100];
	v7 =	vor.u32 v5, v8;
	_ =	sdelay $0x4  }
0x6f: {  	v6 =	vshll.u32 v6, $0x7;
	v10 =	vld.idx.msk [tilespmem:v7+s29+$0x0], $0xffff  }
0x70: {  	v9 =	vld [tilespmem:$0x180];
	v11 =	vor.u32 v6, v8;
	_ =	sdelay $0x2  }
0x71: {  	s10 =	simm.s32 $0x1CB80  }
0x72: {  	[tilespmem:s10+$0xFFFFF000] =	vst v10  }
0x73: {  	v7 =	vshll.u32 v9, $0x7;
	v9 =	vld.idx.msk [tilespmem:v11+s30+$0x0], $0xffff  }
0x74: {  	v8 =	vor.u32 v7, v8;
	_ =	sdelay $0x1  }
0x75: {  	s22 =	simm.s32 $0x1  }
0x76: {  	s16 =	simm.s32 $0x2;
	v10 =	vmov s22  }
.LBB3_2:
0x77: {  	p0 =	sne.s32 s16, $0xF;
	v10 =	vand.u32 $0x7F, v10;
	[tilespmem:s10+$0xFFFFF800] =	vst v9  }
0x78: {  	v10 =	vbroadcast v10, $0x0;
	v8 =	vld.idx.msk [tilespmem:v8+s31+$0x0], $0xffff;
	_ =	sdelay $0x1  }
0x79: {  	v9 =	vor.u32 v5, v10;
	_ =	sdelay $0x3  }
0x7a: {  	[tilespmem:s10+$0x0] =	vst v8  }
0x7b: {  	v8 =	vld.idx.msk [tilespmem:v9+s29+$0x0], $0xffff;
	_ =	sdelay $0x1  }
0x7c: {  	v9 =	vor.u32 v6, v10;
	_ =	sdelay $0x2  }
0x7d: {  	s10 =	sadd.s32 $0x80, s10  }
0x7e: {  	[tilespmem:s10+$0xFFFFF000] =	vst v8  }
0x7f: {  	v9 =	vld.idx.msk [tilespmem:v9+s30+$0x0], $0xffff  }
.Ltmp2:
0x80: {  	(pc) =	sbr.rel @p0 .LBB3_2-.Ltmp2, $2  }
0x81: {  	v8 =	vor.u32 v7, v10;
	_ =	sdelay $0x2  }
0x82: {  	v10 =	vmov s16;
	s16 =	sadd.s32 $0x1, s16  }
0x83: {  	_ =	sdelay $0x1  }
0x84: {  	v10 =	vand.u32 $0x7F, v10  }
0x85: {  	[tilespmem:s10+$0xFFFFF800] =	vst v9;
	v9 =	vbroadcast v10, $0x0  }
0x86: {  	v8 =	vld.idx.msk [tilespmem:v8+s31+$0x0], $0xffff  }
0x87: {  	v5 =	vor.u32 v5, v9;
	_ =	sdelay $0x3  }
0x88: {  	[tilespmem:s10+$0x0] =	vst v8  }
0x89: {  	v5 =	vld.idx.msk [tilespmem:v5+s29+$0x0], $0xffff  }
0x8a: {  	v6 =	vor.u32 v6, v9;
	_ =	sdelay $0x2  }
0x8b: {  	s18 =	sadd.s32 $0x80, s10  }
0x8c: {  	[tilespmem:s18+$0xFFFFF000] =	vst v5  }
0x8d: {  	v5 =	vld.idx.msk [tilespmem:v6+s30+$0x0], $0xffff  }
0x8e: {  	v6 =	vor.u32 v7, v9;
	_ =	sdelay $0x3  }
0x8f: {  	[tilespmem:s18+$0xFFFFF800] =	vst v5  }
0x90: {  	v5 =	vld.idx.msk [tilespmem:v6+s31+$0x0], $0xffff;
	_ =	sdelay $0x4  }
0x91: {  	[tilespmem:s18+$0x0] =	vst v5  }
0x92: {  	v5 =	vld [tilespmem:$0x90]  }
0x93: {  	s22 =	simm.s32 $0x0  }
0x94: {  	v6 =	vmov s22  }
0x95: {  	v6 =	vand.u32 $0x7F, v6  }
0x96: {  	v8 =	vbroadcast v6, $0x0  }
0x97: {  	v5 =	vshll.u32 v5, $0x7  }
0x98: {  	v6 =	vld [tilespmem:$0x110];
	v7 =	vor.u32 v5, v8;
	_ =	sdelay $0x4  }
0x99: {  	v6 =	vshll.u32 v6, $0x7;
	v10 =	vld.idx.msk [tilespmem:v7+s29+$0x0], $0xffff  }
0x9a: {  	v9 =	vld [tilespmem:$0x190];
	v11 =	vor.u32 v6, v8;
	_ =	sdelay $0x2  }
0x9b: {  	s10 =	simm.s32 $0x1CB90  }
0x9c: {  	[tilespmem:s10+$0xFFFFF000] =	vst v10  }
0x9d: {  	v7 =	vshll.u32 v9, $0x7;
	v9 =	vld.idx.msk [tilespmem:v11+s30+$0x0], $0xffff  }
0x9e: {  	v8 =	vor.u32 v7, v8;
	_ =	sdelay $0x1  }
0x9f: {  	s16 =	simm.s32 $0x1  }
0xa0: {  	v10 =	vmov s16;
	s16 =	simm.s32 $0x2  }
.LBB3_4:
0xa1: {  	p0 =	sne.s32 s16, $0xF;
	v10 =	vand.u32 $0x7F, v10;
	[tilespmem:s10+$0xFFFFF800] =	vst v9  }
0xa2: {  	v10 =	vbroadcast v10, $0x0;
	v8 =	vld.idx.msk [tilespmem:v8+s31+$0x0], $0xffff;
	_ =	sdelay $0x1  }
0xa3: {  	v9 =	vor.u32 v5, v10;
	_ =	sdelay $0x3  }
0xa4: {  	[tilespmem:s10+$0x0] =	vst v8  }
0xa5: {  	v8 =	vld.idx.msk [tilespmem:v9+s29+$0x0], $0xffff;
	_ =	sdelay $0x1  }
0xa6: {  	v9 =	vor.u32 v6, v10;
	_ =	sdelay $0x2  }
0xa7: {  	s10 =	sadd.s32 $0x80, s10  }
0xa8: {  	[tilespmem:s10+$0xFFFFF000] =	vst v8  }
0xa9: {  	v9 =	vld.idx.msk [tilespmem:v9+s30+$0x0], $0xffff  }
.Ltmp3:
0xaa: {  	(pc) =	sbr.rel @p0 .LBB3_4-.Ltmp3, $2  }
0xab: {  	v8 =	vor.u32 v7, v10;
	_ =	sdelay $0x2  }
0xac: {  	v10 =	vmov s16;
	s16 =	sadd.s32 $0x1, s16  }
0xad: {  	_ =	sdelay $0x1  }
0xae: {  	v10 =	vand.u32 $0x7F, v10  }
0xaf: {  	[tilespmem:s10+$0xFFFFF800] =	vst v9;
	v9 =	vbroadcast v10, $0x0  }
0xb0: {  	v8 =	vld.idx.msk [tilespmem:v8+s31+$0x0], $0xffff  }
0xb1: {  	v5 =	vor.u32 v5, v9;
	_ =	sdelay $0x3  }
0xb2: {  	[tilespmem:s10+$0x0] =	vst v8  }
0xb3: {  	v5 =	vld.idx.msk [tilespmem:v5+s29+$0x0], $0xffff  }
0xb4: {  	v6 =	vor.u32 v6, v9;
	_ =	sdelay $0x2  }
0xb5: {  	s18 =	sadd.s32 $0x80, s10  }
0xb6: {  	[tilespmem:s18+$0xFFFFF000] =	vst v5  }
0xb7: {  	v5 =	vld.idx.msk [tilespmem:v6+s30+$0x0], $0xffff  }
0xb8: {  	v6 =	vor.u32 v7, v9;
	_ =	sdelay $0x3  }
0xb9: {  	[tilespmem:s18+$0xFFFFF800] =	vst v5  }
0xba: {  	v5 =	vld.idx.msk [tilespmem:v6+s31+$0x0], $0xffff;
	_ =	sdelay $0x4  }
0xbb: {  	[tilespmem:s18+$0x0] =	vst v5  }
0xbc: {  	v5 =	vld [tilespmem:$0xA0]  }
0xbd: {  	s22 =	simm.s32 $0x0  }
0xbe: {  	v6 =	vmov s22  }
0xbf: {  	v6 =	vand.u32 $0x7F, v6  }
0xc0: {  	v8 =	vbroadcast v6, $0x0  }
0xc1: {  	v5 =	vshll.u32 v5, $0x7  }
0xc2: {  	v6 =	vld [tilespmem:$0x120];
	v7 =	vor.u32 v5, v8;
	_ =	sdelay $0x4  }
0xc3: {  	v6 =	vshll.u32 v6, $0x7;
	v10 =	vld.idx.msk [tilespmem:v7+s29+$0x0], $0xffff  }
0xc4: {  	v9 =	vld [tilespmem:$0x1A0];
	v11 =	vor.u32 v6, v8;
	_ =	sdelay $0x2  }
0xc5: {  	s10 =	simm.s32 $0x1CBA0  }
0xc6: {  	[tilespmem:s10+$0xFFFFF000] =	vst v10  }
0xc7: {  	v7 =	vshll.u32 v9, $0x7;
	v9 =	vld.idx.msk [tilespmem:v11+s30+$0x0], $0xffff  }
0xc8: {  	v8 =	vor.u32 v7, v8;
	_ =	sdelay $0x1  }
0xc9: {  	s16 =	simm.s32 $0x1  }
0xca: {  	v10 =	vmov s16;
	s16 =	simm.s32 $0x2  }
.LBB3_6:
0xcb: {  	p0 =	sne.s32 s16, $0xF;
	v10 =	vand.u32 $0x7F, v10;
	[tilespmem:s10+$0xFFFFF800] =	vst v9  }
0xcc: {  	v10 =	vbroadcast v10, $0x0;
	v8 =	vld.idx.msk [tilespmem:v8+s31+$0x0], $0xffff;
	_ =	sdelay $0x1  }
0xcd: {  	v9 =	vor.u32 v5, v10;
	_ =	sdelay $0x3  }
0xce: {  	[tilespmem:s10+$0x0] =	vst v8  }
0xcf: {  	v8 =	vld.idx.msk [tilespmem:v9+s29+$0x0], $0xffff;
	_ =	sdelay $0x1  }
0xd0: {  	v9 =	vor.u32 v6, v10;
	_ =	sdelay $0x2  }
0xd1: {  	s10 =	sadd.s32 $0x80, s10  }
0xd2: {  	[tilespmem:s10+$0xFFFFF000] =	vst v8  }
0xd3: {  	v9 =	vld.idx.msk [tilespmem:v9+s30+$0x0], $0xffff  }
.Ltmp4:
0xd4: {  	(pc) =	sbr.rel @p0 .LBB3_6-.Ltmp4, $2  }
0xd5: {  	v8 =	vor.u32 v7, v10;
	_ =	sdelay $0x2  }
0xd6: {  	v10 =	vmov s16;
	s16 =	sadd.s32 $0x1, s16  }
0xd7: {  	_ =	sdelay $0x1  }
0xd8: {  	v10 =	vand.u32 $0x7F, v10  }
0xd9: {  	[tilespmem:s10+$0xFFFFF800] =	vst v9;
	v9 =	vbroadcast v10, $0x0  }
0xda: {  	v8 =	vld.idx.msk [tilespmem:v8+s31+$0x0], $0xffff  }
0xdb: {  	v5 =	vor.u32 v5, v9;
	_ =	sdelay $0x3  }
0xdc: {  	[tilespmem:s10+$0x0] =	vst v8  }
0xdd: {  	v5 =	vld.idx.msk [tilespmem:v5+s29+$0x0], $0xffff  }
0xde: {  	v6 =	vor.u32 v6, v9;
	_ =	sdelay $0x2  }
0xdf: {  	s18 =	sadd.s32 $0x80, s10  }
0xe0: {  	[tilespmem:s18+$0xFFFFF000] =	vst v5  }
0xe1: {  	v5 =	vld.idx.msk [tilespmem:v6+s30+$0x0], $0xffff  }
0xe2: {  	v6 =	vor.u32 v7, v9;
	_ =	sdelay $0x3  }
0xe3: {  	[tilespmem:s18+$0xFFFFF800] =	vst v5  }
0xe4: {  	v5 =	vld.idx.msk [tilespmem:v6+s31+$0x0], $0xffff;
	_ =	sdelay $0x4  }
0xe5: {  	[tilespmem:s18+$0x0] =	vst v5  }
0xe6: {  	v5 =	vld [tilespmem:$0xB0]  }
0xe7: {  	s22 =	simm.s32 $0x0  }
0xe8: {  	v6 =	vmov s22  }
0xe9: {  	v6 =	vand.u32 $0x7F, v6  }
0xea: {  	v8 =	vbroadcast v6, $0x0  }
0xeb: {  	v5 =	vshll.u32 v5, $0x7  }
0xec: {  	v6 =	vld [tilespmem:$0x130];
	v7 =	vor.u32 v5, v8;
	_ =	sdelay $0x4  }
0xed: {  	v6 =	vshll.u32 v6, $0x7;
	v10 =	vld.idx.msk [tilespmem:v7+s29+$0x0], $0xffff  }
0xee: {  	v9 =	vld [tilespmem:$0x1B0];
	v11 =	vor.u32 v6, v8;
	_ =	sdelay $0x2  }
0xef: {  	s10 =	simm.s32 $0x1CBB0  }
0xf0: {  	[tilespmem:s10+$0xFFFFF000] =	vst v10  }
0xf1: {  	v7 =	vshll.u32 v9, $0x7;
	v9 =	vld.idx.msk [tilespmem:v11+s30+$0x0], $0xffff  }
0xf2: {  	v8 =	vor.u32 v7, v8;
	_ =	sdelay $0x1  }
0xf3: {  	s16 =	simm.s32 $0x1  }
0xf4: {  	v10 =	vmov s16;
	s16 =	simm.s32 $0x2  }
.LBB3_8:
0xf5: {  	p0 =	sne.s32 s16, $0xF;
	v10 =	vand.u32 $0x7F, v10;
	[tilespmem:s10+$0xFFFFF800] =	vst v9  }
0xf6: {  	v10 =	vbroadcast v10, $0x0;
	v8 =	vld.idx.msk [tilespmem:v8+s31+$0x0], $0xffff;
	_ =	sdelay $0x1  }
0xf7: {  	v9 =	vor.u32 v5, v10;
	_ =	sdelay $0x3  }
0xf8: {  	[tilespmem:s10+$0x0] =	vst v8  }
0xf9: {  	v8 =	vld.idx.msk [tilespmem:v9+s29+$0x0], $0xffff;
	_ =	sdelay $0x1  }
0xfa: {  	v9 =	vor.u32 v6, v10;
	_ =	sdelay $0x2  }
0xfb: {  	s10 =	sadd.s32 $0x80, s10  }
0xfc: {  	[tilespmem:s10+$0xFFFFF000] =	vst v8  }
0xfd: {  	v9 =	vld.idx.msk [tilespmem:v9+s30+$0x0], $0xffff  }
.Ltmp5:
0xfe: {  	(pc) =	sbr.rel @p0 .LBB3_8-.Ltmp5, $2  }
0xff: {  	v8 =	vor.u32 v7, v10;
	_ =	sdelay $0x2  }
0x100: {  	v10 =	vmov s16;
	s16 =	sadd.s32 $0x1, s16  }
0x101: {  	_ =	sdelay $0x1  }
0x102: {  	v10 =	vand.u32 $0x7F, v10  }
0x103: {  	[tilespmem:s10+$0xFFFFF800] =	vst v9;
	v9 =	vbroadcast v10, $0x0  }
0x104: {  	v8 =	vld.idx.msk [tilespmem:v8+s31+$0x0], $0xffff  }
0x105: {  	v5 =	vor.u32 v5, v9;
	_ =	sdelay $0x3  }
0x106: {  	[tilespmem:s10+$0x0] =	vst v8  }
0x107: {  	v5 =	vld.idx.msk [tilespmem:v5+s29+$0x0], $0xffff  }
0x108: {  	v6 =	vor.u32 v6, v9;
	_ =	sdelay $0x2  }
0x109: {  	s18 =	sadd.s32 $0x80, s10  }
0x10a: {  	[tilespmem:s18+$0xFFFFF000] =	vst v5  }
0x10b: {  	v5 =	vld.idx.msk [tilespmem:v6+s30+$0x0], $0xffff  }
0x10c: {  	v6 =	vor.u32 v7, v9;
	_ =	sdelay $0x3  }
0x10d: {  	[tilespmem:s18+$0xFFFFF800] =	vst v5  }
0x10e: {  	v5 =	vld.idx.msk [tilespmem:v6+s31+$0x0], $0xffff;
	_ =	sdelay $0x4  }
0x10f: {  	[tilespmem:s18+$0x0] =	vst v5  }
0x110: {  	v5 =	vld [tilespmem:$0xC0]  }
0x111: {  	s22 =	simm.s32 $0x0  }
0x112: {  	v6 =	vmov s22  }
0x113: {  	v6 =	vand.u32 $0x7F, v6  }
0x114: {  	v8 =	vbroadcast v6, $0x0  }
0x115: {  	v5 =	vshll.u32 v5, $0x7  }
0x116: {  	v6 =	vld [tilespmem:$0x140];
	v7 =	vor.u32 v5, v8;
	_ =	sdelay $0x4  }
0x117: {  	v6 =	vshll.u32 v6, $0x7;
	v10 =	vld.idx.msk [tilespmem:v7+s29+$0x0], $0xffff  }
0x118: {  	v9 =	vld [tilespmem:$0x1C0];
	v11 =	vor.u32 v6, v8;
	_ =	sdelay $0x2  }
0x119: {  	s10 =	simm.s32 $0x1CBC0  }
0x11a: {  	[tilespmem:s10+$0xFFFFF000] =	vst v10  }
0x11b: {  	v7 =	vshll.u32 v9, $0x7;
	v9 =	vld.idx.msk [tilespmem:v11+s30+$0x0], $0xffff  }
0x11c: {  	v8 =	vor.u32 v7, v8;
	_ =	sdelay $0x1  }
0x11d: {  	s16 =	simm.s32 $0x1  }
0x11e: {  	v10 =	vmov s16;
	s16 =	simm.s32 $0x2  }
.LBB3_10:
0x11f: {  	p0 =	sne.s32 s16, $0xF;
	v10 =	vand.u32 $0x7F, v10;
	[tilespmem:s10+$0xFFFFF800] =	vst v9  }
0x120: {  	v10 =	vbroadcast v10, $0x0;
	v8 =	vld.idx.msk [tilespmem:v8+s31+$0x0], $0xffff;
	_ =	sdelay $0x1  }
0x121: {  	v9 =	vor.u32 v5, v10;
	_ =	sdelay $0x3  }
0x122: {  	[tilespmem:s10+$0x0] =	vst v8  }
0x123: {  	v8 =	vld.idx.msk [tilespmem:v9+s29+$0x0], $0xffff;
	_ =	sdelay $0x1  }
0x124: {  	v9 =	vor.u32 v6, v10;
	_ =	sdelay $0x2  }
0x125: {  	s10 =	sadd.s32 $0x80, s10  }
0x126: {  	[tilespmem:s10+$0xFFFFF000] =	vst v8  }
0x127: {  	v9 =	vld.idx.msk [tilespmem:v9+s30+$0x0], $0xffff  }
.Ltmp6:
0x128: {  	(pc) =	sbr.rel @p0 .LBB3_10-.Ltmp6, $2  }
0x129: {  	v8 =	vor.u32 v7, v10;
	_ =	sdelay $0x2  }
0x12a: {  	v10 =	vmov s16;
	s16 =	sadd.s32 $0x1, s16  }
0x12b: {  	_ =	sdelay $0x1  }
0x12c: {  	v10 =	vand.u32 $0x7F, v10  }
0x12d: {  	[tilespmem:s10+$0xFFFFF800] =	vst v9;
	v9 =	vbroadcast v10, $0x0  }
0x12e: {  	v8 =	vld.idx.msk [tilespmem:v8+s31+$0x0], $0xffff  }
0x12f: {  	v5 =	vor.u32 v5, v9;
	_ =	sdelay $0x3  }
0x130: {  	[tilespmem:s10+$0x0] =	vst v8  }
0x131: {  	v5 =	vld.idx.msk [tilespmem:v5+s29+$0x0], $0xffff  }
0x132: {  	v6 =	vor.u32 v6, v9;
	_ =	sdelay $0x2  }
0x133: {  	s18 =	sadd.s32 $0x80, s10  }
0x134: {  	[tilespmem:s18+$0xFFFFF000] =	vst v5  }
0x135: {  	v5 =	vld.idx.msk [tilespmem:v6+s30+$0x0], $0xffff  }
0x136: {  	v6 =	vor.u32 v7, v9;
	_ =	sdelay $0x3  }
0x137: {  	[tilespmem:s18+$0xFFFFF800] =	vst v5  }
0x138: {  	v5 =	vld.idx.msk [tilespmem:v6+s31+$0x0], $0xffff;
	_ =	sdelay $0x4  }
0x139: {  	[tilespmem:s18+$0x0] =	vst v5  }
0x13a: {  	v5 =	vld [tilespmem:$0xD0]  }
0x13b: {  	s22 =	simm.s32 $0x0  }
0x13c: {  	v6 =	vmov s22  }
0x13d: {  	v6 =	vand.u32 $0x7F, v6  }
0x13e: {  	v8 =	vbroadcast v6, $0x0  }
0x13f: {  	v5 =	vshll.u32 v5, $0x7  }
0x140: {  	v6 =	vld [tilespmem:$0x150];
	v7 =	vor.u32 v5, v8;
	_ =	sdelay $0x4  }
0x141: {  	v6 =	vshll.u32 v6, $0x7;
	v10 =	vld.idx.msk [tilespmem:v7+s29+$0x0], $0xffff  }
0x142: {  	v9 =	vld [tilespmem:$0x1D0];
	v11 =	vor.u32 v6, v8;
	_ =	sdelay $0x2  }
0x143: {  	s10 =	simm.s32 $0x1CBD0  }
0x144: {  	[tilespmem:s10+$0xFFFFF000] =	vst v10  }
0x145: {  	v7 =	vshll.u32 v9, $0x7;
	v9 =	vld.idx.msk [tilespmem:v11+s30+$0x0], $0xffff  }
0x146: {  	v8 =	vor.u32 v7, v8;
	_ =	sdelay $0x1  }
0x147: {  	s16 =	simm.s32 $0x1  }
0x148: {  	v10 =	vmov s16;
	s16 =	simm.s32 $0x2  }
.LBB3_12:
0x149: {  	p0 =	sne.s32 s16, $0xF;
	v10 =	vand.u32 $0x7F, v10;
	[tilespmem:s10+$0xFFFFF800] =	vst v9  }
0x14a: {  	v10 =	vbroadcast v10, $0x0;
	v8 =	vld.idx.msk [tilespmem:v8+s31+$0x0], $0xffff;
	_ =	sdelay $0x1  }
0x14b: {  	v9 =	vor.u32 v5, v10;
	_ =	sdelay $0x3  }
0x14c: {  	[tilespmem:s10+$0x0] =	vst v8  }
0x14d: {  	v8 =	vld.idx.msk [tilespmem:v9+s29+$0x0], $0xffff;
	_ =	sdelay $0x1  }
0x14e: {  	v9 =	vor.u32 v6, v10;
	_ =	sdelay $0x2  }
0x14f: {  	s10 =	sadd.s32 $0x80, s10  }
0x150: {  	[tilespmem:s10+$0xFFFFF000] =	vst v8  }
0x151: {  	v9 =	vld.idx.msk [tilespmem:v9+s30+$0x0], $0xffff  }
.Ltmp7:
0x152: {  	(pc) =	sbr.rel @p0 .LBB3_12-.Ltmp7, $2  }
0x153: {  	v8 =	vor.u32 v7, v10;
	_ =	sdelay $0x2  }
0x154: {  	v10 =	vmov s16;
	s16 =	sadd.s32 $0x1, s16  }
0x155: {  	_ =	sdelay $0x1  }
0x156: {  	v10 =	vand.u32 $0x7F, v10  }
0x157: {  	[tilespmem:s10+$0xFFFFF800] =	vst v9;
	v9 =	vbroadcast v10, $0x0  }
0x158: {  	v8 =	vld.idx.msk [tilespmem:v8+s31+$0x0], $0xffff  }
0x159: {  	v5 =	vor.u32 v5, v9;
	_ =	sdelay $0x3  }
0x15a: {  	[tilespmem:s10+$0x0] =	vst v8  }
0x15b: {  	v5 =	vld.idx.msk [tilespmem:v5+s29+$0x0], $0xffff  }
0x15c: {  	v6 =	vor.u32 v6, v9;
	_ =	sdelay $0x2  }
0x15d: {  	s18 =	sadd.s32 $0x80, s10  }
0x15e: {  	[tilespmem:s18+$0xFFFFF000] =	vst v5  }
0x15f: {  	v5 =	vld.idx.msk [tilespmem:v6+s30+$0x0], $0xffff  }
0x160: {  	v6 =	vor.u32 v7, v9;
	_ =	sdelay $0x3  }
0x161: {  	[tilespmem:s18+$0xFFFFF800] =	vst v5  }
0x162: {  	v5 =	vld.idx.msk [tilespmem:v6+s31+$0x0], $0xffff;
	_ =	sdelay $0x4  }
0x163: {  	[tilespmem:s18+$0x0] =	vst v5  }
0x164: {  	v5 =	vld [tilespmem:$0xE0]  }
0x165: {  	s22 =	simm.s32 $0x0  }
0x166: {  	v6 =	vmov s22  }
0x167: {  	v6 =	vand.u32 $0x7F, v6  }
0x168: {  	v8 =	vbroadcast v6, $0x0  }
0x169: {  	v5 =	vshll.u32 v5, $0x7  }
0x16a: {  	v6 =	vld [tilespmem:$0x160];
	v7 =	vor.u32 v5, v8;
	_ =	sdelay $0x4  }
0x16b: {  	v6 =	vshll.u32 v6, $0x7;
	v10 =	vld.idx.msk [tilespmem:v7+s29+$0x0], $0xffff  }
0x16c: {  	v9 =	vld [tilespmem:$0x1E0];
	v11 =	vor.u32 v6, v8;
	_ =	sdelay $0x2  }
0x16d: {  	s10 =	simm.s32 $0x1CBE0  }
0x16e: {  	[tilespmem:s10+$0xFFFFF000] =	vst v10  }
0x16f: {  	v7 =	vshll.u32 v9, $0x7;
	v9 =	vld.idx.msk [tilespmem:v11+s30+$0x0], $0xffff  }
0x170: {  	v8 =	vor.u32 v7, v8;
	_ =	sdelay $0x1  }
0x171: {  	s16 =	simm.s32 $0x1  }
0x172: {  	v10 =	vmov s16;
	s16 =	simm.s32 $0x2  }
.LBB3_14:
0x173: {  	p0 =	sne.s32 s16, $0xF;
	v10 =	vand.u32 $0x7F, v10;
	[tilespmem:s10+$0xFFFFF800] =	vst v9  }
0x174: {  	v10 =	vbroadcast v10, $0x0;
	v8 =	vld.idx.msk [tilespmem:v8+s31+$0x0], $0xffff;
	_ =	sdelay $0x1  }
0x175: {  	v9 =	vor.u32 v5, v10;
	_ =	sdelay $0x3  }
0x176: {  	[tilespmem:s10+$0x0] =	vst v8  }
0x177: {  	v8 =	vld.idx.msk [tilespmem:v9+s29+$0x0], $0xffff;
	_ =	sdelay $0x1  }
0x178: {  	v9 =	vor.u32 v6, v10;
	_ =	sdelay $0x2  }
0x179: {  	s10 =	sadd.s32 $0x80, s10  }
0x17a: {  	[tilespmem:s10+$0xFFFFF000] =	vst v8  }
0x17b: {  	v9 =	vld.idx.msk [tilespmem:v9+s30+$0x0], $0xffff  }
.Ltmp8:
0x17c: {  	(pc) =	sbr.rel @p0 .LBB3_14-.Ltmp8, $2  }
0x17d: {  	v8 =	vor.u32 v7, v10;
	_ =	sdelay $0x2  }
0x17e: {  	v10 =	vmov s16;
	s16 =	sadd.s32 $0x1, s16  }
0x17f: {  	_ =	sdelay $0x1  }
0x180: {  	v10 =	vand.u32 $0x7F, v10  }
0x181: {  	[tilespmem:s10+$0xFFFFF800] =	vst v9;
	v9 =	vbroadcast v10, $0x0  }
0x182: {  	v8 =	vld.idx.msk [tilespmem:v8+s31+$0x0], $0xffff  }
0x183: {  	v5 =	vor.u32 v5, v9;
	_ =	sdelay $0x3  }
0x184: {  	[tilespmem:s10+$0x0] =	vst v8  }
0x185: {  	v5 =	vld.idx.msk [tilespmem:v5+s29+$0x0], $0xffff  }
0x186: {  	v6 =	vor.u32 v6, v9;
	_ =	sdelay $0x2  }
0x187: {  	s18 =	sadd.s32 $0x80, s10  }
0x188: {  	[tilespmem:s18+$0xFFFFF000] =	vst v5  }
0x189: {  	v5 =	vld.idx.msk [tilespmem:v6+s30+$0x0], $0xffff  }
0x18a: {  	v6 =	vor.u32 v7, v9;
	_ =	sdelay $0x3  }
0x18b: {  	[tilespmem:s18+$0xFFFFF800] =	vst v5  }
0x18c: {  	v5 =	vld.idx.msk [tilespmem:v6+s31+$0x0], $0xffff;
	_ =	sdelay $0x4  }
0x18d: {  	[tilespmem:s18+$0x0] =	vst v5  }
0x18e: {  	v5 =	vld [tilespmem:$0xF0]  }
0x18f: {  	s22 =	simm.s32 $0x0  }
0x190: {  	v6 =	vmov s22  }
0x191: {  	v6 =	vand.u32 $0x7F, v6  }
0x192: {  	v8 =	vbroadcast v6, $0x0  }
0x193: {  	v5 =	vshll.u32 v5, $0x7  }
0x194: {  	v6 =	vld [tilespmem:$0x170];
	v7 =	vor.u32 v5, v8;
	_ =	sdelay $0x4  }
0x195: {  	v6 =	vshll.u32 v6, $0x7;
	v10 =	vld.idx.msk [tilespmem:v7+s29+$0x0], $0xffff  }
0x196: {  	v9 =	vld [tilespmem:$0x1F0];
	v11 =	vor.u32 v6, v8;
	_ =	sdelay $0x2  }
0x197: {  	s10 =	simm.s32 $0x1CBF0  }
0x198: {  	[tilespmem:s10+$0xFFFFF000] =	vst v10  }
0x199: {  	v7 =	vshll.u32 v9, $0x7;
	v9 =	vld.idx.msk [tilespmem:v11+s30+$0x0], $0xffff  }
0x19a: {  	v8 =	vor.u32 v7, v8;
	_ =	sdelay $0x1  }
0x19b: {  	s16 =	simm.s32 $0x1  }
0x19c: {  	v10 =	vmov s16;
	s16 =	simm.s32 $0x2  }
.LBB3_16:
0x19d: {  	p0 =	sne.s32 s16, $0xF;
	v10 =	vand.u32 $0x7F, v10;
	[tilespmem:s10+$0xFFFFF800] =	vst v9  }
0x19e: {  	v10 =	vbroadcast v10, $0x0;
	v8 =	vld.idx.msk [tilespmem:v8+s31+$0x0], $0xffff;
	_ =	sdelay $0x1  }
0x19f: {  	v9 =	vor.u32 v5, v10;
	_ =	sdelay $0x3  }
0x1a0: {  	[tilespmem:s10+$0x0] =	vst v8  }
0x1a1: {  	v8 =	vld.idx.msk [tilespmem:v9+s29+$0x0], $0xffff;
	_ =	sdelay $0x1  }
0x1a2: {  	v9 =	vor.u32 v6, v10;
	_ =	sdelay $0x2  }
0x1a3: {  	s10 =	sadd.s32 $0x80, s10  }
0x1a4: {  	[tilespmem:s10+$0xFFFFF000] =	vst v8  }
0x1a5: {  	v9 =	vld.idx.msk [tilespmem:v9+s30+$0x0], $0xffff  }
.Ltmp9:
0x1a6: {  	(pc) =	sbr.rel @p0 .LBB3_16-.Ltmp9, $2  }
0x1a7: {  	v8 =	vor.u32 v7, v10;
	_ =	sdelay $0x2  }
0x1a8: {  	v10 =	vmov s16;
	s16 =	sadd.s32 $0x1, s16  }
0x1a9: {  	_ =	sdelay $0x1  }
0x1aa: {  	v10 =	vand.u32 $0x7F, v10  }
0x1ab: {  	[tilespmem:s10+$0xFFFFF800] =	vst v9;
	v63 =	vbroadcast v10, $0x0  }
0x1ac: {  	v8 =	vld.idx.msk [tilespmem:v8+s31+$0x0], $0xffff  }
0x1ad: {  	v5 =	vor.u32 v5, v63;
	_ =	sdelay $0x3  }
0x1ae: {  	[tilespmem:s10+$0x0] =	vst v8  }
0x1af: {  	v5 =	vld.idx.msk [tilespmem:v5+s29+$0x0], $0xffff  }
0x1b0: {  	v6 =	vor.u32 v6, v63;
	_ =	sdelay $0x2  }
0x1b1: {  	s18 =	sadd.s32 $0x80, s10  }
0x1b2: {  	[tilespmem:s18+$0xFFFFF000] =	vst v5  }
0x1b3: {  	v5 =	vld.idx.msk [tilespmem:v6+s30+$0x0], $0xffff  }
0x1b4: {  	v6 =	vor.u32 v7, v63;
	_ =	sdelay $0x3  }
0x1b5: {  	[tilespmem:s18+$0xFFFFF800] =	vst v5  }
0x1b6: {  	v5 =	vld.idx.msk [tilespmem:v6+s31+$0x0], $0xffff;
	_ =	sdelay $0x4  }
0x1b7: {  	[tilespmem:s18+$0x0] =	vst v5  }
0x1b8: {  	v5 =	vld [tilespmem:$0x0];
	_ =	sdelay $0x4  }
0x1b9: {  	v5 =	vnsel vm0, $0x0, v5  }
0x1ba: {  	v5 =	vxor.u32 $0x80000000, v5  }
0x1bb: {  	(xrf0) =	vmax.scan.msk.u32 $0xffff, v5;
	_ =	sdelay $0x5  }
0x1bc: {  	v5, _, _ =	vpop (xrf0)  }
0x1bd: {  	(v2sf) =	vpush v5, $0xF;
	_ =	sdelay $0xe  }
0x1be: {  	s22 =	spop (v2sf)  }
0x1bf: {  	s10 =	sand.u32 $0xFFFFFF80, s22  }
0x1c0: {  	s10 =	sxor.u32 $0x80000000, s10  }
0x1c1: {  	p0 =	slt.s32 s10, $0xF4200  }
0x1c2: {  	s10 =	simm.s32 @!p0 $0xF4200  }
0x1c3: {  	s8 =	simm.s32 $0x7A1400;
	s16 =	simm.s32 $0x0;
	s10 =	sadd.s32 s1, s10  }
0x1c4: {  	[tilespmem:s2], [sflag:$0x4] =	stream.strided.gather [hbm4b:s10+s7], $0x2000, s8, s7, $0x38;
	[tilespmem:$0x1D380] =	vst v63  }
.LBB3_18:
0x1c5: {  	s18 =	sand.u32 $0x70, s16  }
0x1c6: {  	v5 =	vld [tilespmem:s18+$0x0];
	_ =	sdelay $0x1  }
0x1c7: {  	s10 =	smov.u32 s16  }
0x1c8: {  	s22 =	sand.u32 $0xF, s10  }
0x1c9: {  	v6 =	vmov s22  }
0x1ca: {  	vm1 =	veq.s32 v6, v0;
	v5 =	vxor.u32 $0x80000000, v5  }
0x1cb: {  	v5 =	vnsel vm1, $0x80000000, v5  }
0x1cc: {  	(xrf0) =	vmax.scan.msk.u32 $0xffff, v5;
	_ =	sdelay $0x5  }
0x1cd: {  	v5, _, _ =	vpop (xrf0)  }
0x1ce: {  	(v2sf) =	vpush v5, $0xF;
	_ =	sdelay $0xe  }
0x1cf: {  	s17 =	spop (v2sf)  }
0x1d0: {  	p0 =	seq.s32 s10, $0x7F;
	_ =	swait.ge [sflag:s3], $0x2000  }
0x1d1: {  	s16 =	sadd.s32 @!p0 $0x1, s10;
	[sflag:s3] =	ssyncset.done $0x0  }
0x1d2: {  	s18 =	sand.u32 @!p0 $0xF0, s16;
	[sflag:s3] =	ssyncadd.s32 $0xFFFFE000  }
0x1d3: {  	v5 =	vld @!p0 [tilespmem:s18+$0x0];
	_ =	sdelay $0x2  }
0x1d4: {  	s18 =	sand.u32 @!p0 $0xF, s16  }
0x1d5: {  	v7 =	vlaneseq.u32 @!p0;
	v6 =	vmov @!p0 s18  }
0x1d6: {  	vm1 =	veq.s32 @!p0 v6, v7;
	v5 =	vxor.u32 @!p0 $0x80000000, v5  }
0x1d7: {  	v5 =	vnsel @!p0 vm1, $0x80000000, v5  }
0x1d8: {  	(xrf0) =	vmax.scan.msk.u32 @!p0 $0xffff, v5;
	_ =	sdelay $0x5  }
0x1d9: {  	v5, _, _ =	vpop @!p0 (xrf0)  }
0x1da: {  	(v2sf) =	vpush @!p0 v5, $0xF;
	_ =	sdelay $0x8  }
0x1db: {  	s17 =	sxor.u32 $0x80000000, s17  }
0x1dc: {  	s18 =	sand.u32 $0xFFFFFF80, s17  }
0x1dd: {  	p1 =	slt.s32 s18, $0xF4200  }
0x1de: {  	s18 =	simm.s32 @!p1 $0xF4200  }
0x1df: {  	s17 =	ssub.s32 s17, s18  }
0x1e0: {  	s18 =	sand.u32 $0x1, s10;
	v5 =	vmov s17  }
0x1e1: {  	s22 =	sshll.u32 s18, $0xD;
	v6 =	vand.u32 $0xFFFFFF80, v5;
	s17 =	spop @!p0 (v2sf)  }
0x1e2: {  	v5 =	vand.u32 $0x7F, v5;
	v6 =	vadd.s32 s22, v6;
	s17 =	sand.u32 @!p0 $0xFFFFFF80, s17  }
0x1e3: {  	v5 =	vor.u32 v5, v6;
	s17 =	sxor.u32 @!p0 $0x80000000, s17  }
0x1e4: {  	s18 =	sshll.u32 @!p0 s18, $0xD;
	v6 =	vadd.s32 v1, v5;
	p1 =	slt.s32 @!p0 s17, $0xF4200  }
0x1e5: {  	v7 =	vmov s10;
	s18 =	sxor.u32 @!p0 $0x2000, s18;
	p1 =	por !p1, p0  }
0x1e6: {  	v7 =	vand.u32 $0x7F, v7;
	s10 =	sor.u32 @!p0 $0x15B80, s18;
	s17 =	simm.s32 @p1 $0xF4200  }
0x1e7: {  	v7 =	vbroadcast v7, $0x0;
	s18 =	simm.s32 @!p0 $0x400;
	s22 =	simm.s32 @!p0 $0x7A1400;
	s17 =	sadd.s32 @!p0 s1, s17  }
0x1e8: {  	[tilespmem:s10], [sflag:$0x4] =	stream.strided.gather @!p0 [hbm4b:s17+s18], $0x2000, s22, s18, $0x38;
	[tilespmem:$0x1D380] =	vst v63  }
0x1e9: {  	v8 =	vor.u32 v1, v7;
	v6 =	vld.idx.msk [tilespmem:v6+s2+$0x0], $0xffff  }
0x1ea: {  	v9 =	vadd.s32 v2, v5;
	_ =	sdelay $0x3  }
0x1eb: {  	[tilespmem:v8+s25+$0x0] =	vst.idx.msk $0xffff, v6  }
0x1ec: {  	v61 =	vor.u32 v2, v7;
	v6 =	vld.idx.msk [tilespmem:v9+s2+$0x0], $0xffff  }
0x1ed: {  	v62 =	vadd.s32 v3, v5;
	_ =	sdelay $0x3  }
0x1ee: {  	[tilespmem:v61+s25+$0x0] =	vst.idx.msk $0xffff, v6  }
0x1ef: {  	v63 =	vor.u32 v3, v7;
	v6 =	vld.idx.msk [tilespmem:v62+s2+$0x0], $0xffff  }
0x1f0: {  	v5 =	vadd.s32 v4, v5;
	_ =	sdelay $0x3  }
0x1f1: {  	s16 =	simm.s32 @p0 $0x80;
	[tilespmem:v63+s25+$0x0] =	vst.idx.msk $0xffff, v6  }
0x1f2: {  	p0 =	sne.s32 s16, $0x80;
	v6 =	vor.u32 v4, v7;
	v5 =	vld.idx.msk [tilespmem:v5+s2+$0x0], $0xffff  }
.Ltmp10:
0x1f3: {  	_ = 	snop;
	(pc) =	sbr.rel @p0 .LBB3_18-.Ltmp10, $2  }
0x1f4: {  	_ =	sdelay $0x2  }
0x1f5: {  	[tilespmem:v6+s25+$0x0] =	vst.idx.msk $0xffff, v5  }
0x1f6: {  	s8 =	rddreg [dreg:$0x15]  }
0x1f7: {  	[hbm4b:s8+s7] =	stream.strided.scatter [tilespmem:s25], [sflag:$0x5], $0x3800, s26, s7, $0x38;
	[tilespmem:$0x1D380] =	vst v63  }
0x1f8: {  	_ =	swait.ge [sflag:s23], $0x3800  }
0x1f9: {  	[sflag:s23] =	ssyncset.done $0x0  }
0x1fa: {  	s22 =	simm.s32 $0x200;
	[sflag:s23] =	ssyncadd.s32 $0xFFFFC800  }
0x1fb: {  	[tilespmem:s6], [sflag:$0x1] =	stream.indirect.gather [hbm4b:s4+s24], $0x80, s22, s24, $0xb8;
	[tilespmem:$0x1D380] =	vst v63  }
0x1fc: {  	_ =	swait.ge [sflag:s9], $0x4000  }
0x1fd: {  	[sflag:s9] =	ssyncset.done $0x0  }
0x1fe: {  	s10 =	simm.s32 $0x0;
	v5 =	vimm.s32 $0x0;
	[sflag:s9] =	ssyncadd.s32 $0xFFFFC000  }
0x1ff: {  	v6 =	vand.u32 $0xFFFFFF80, v5;
	v14 =	vld [tilespmem:s10+$0x1BB0]  }
0x200: {  	v9 =	vand.u32 $0x7E, v5;
	v11 =	vadd.s32 v1, v6;
	v7 =	vld [tilespmem:s10+$0x1BA0]  }
0x201: {  	v15 =	vadd.s32 v2, v6;
	v16 =	vor.u32 v9, v11;
	v17 =	vld [tilespmem:s10+$0x1B80]  }
0x202: {  	v18 =	vor.u32 v9, v15;
	v13 =	vld [tilespmem:s10+$0x1B90]  }
0x203: {  	v10 =	vld [tilespmem:s10+$0x1C00]  }
0x204: {  	v19 =	vadd.s32 v3, v6;
	v8 =	vld [tilespmem:s10+$0x1C10]  }
0x205: {  	v20 =	vadd.s32 v4, v6;
	v21 =	vor.u32 v9, v19;
	v6 =	vld [tilespmem:s10+$0x1C30]  }
0x206: {  	v63 =	vor.u32 $0x1, v9;
	v22 =	vor.u32 v9, v20;
	v12 =	vld [tilespmem:s10+$0x1C20];
	[tilespmem:v16+s28+$0x0] =	vst.idx.msk $0xffff, v17  }
0x207: {  	[tilespmem:v18+s28+$0x0] =	vst.idx.msk $0xffff, v13;
	v13 =	vor.u32 v63, v11  }
0x208: {  	v9 =	vor.u32 v63, v15  }
0x209: {  	v11 =	vor.u32 v63, v19  }
0x20a: {  	[tilespmem:v21+s28+$0x0] =	vst.idx.msk $0xffff, v7;
	v7 =	vor.u32 v63, v20  }
0x20b: {  	s16 =	simm.s32 $0x400;
	[tilespmem:v22+s28+$0x0] =	vst.idx.msk $0xffff, v14  }
.LBB3_20:
0x20c: {  	p0 =	sne.s32 s16, $0xFC00;
	[tilespmem:v13+s28+$0x0] =	vst.idx.msk $0xffff, v10;
	v5 =	vadd.s32 $0x2, v5;
	s10 =	smov.u32 s16;
	s16 =	sadd.s32 $0x400, s16  }
0x20d: {  	[tilespmem:v9+s28+$0x0] =	vst.idx.msk $0xffff, v8  }
0x20e: {  	v8 =	vand.u32 $0xFFFFFF80, v5;
	v9 =	vand.u32 $0x7E, v5;
	[tilespmem:v11+s28+$0x0] =	vst.idx.msk $0xffff, v12  }
0x20f: {  	s10 =	sshra.s32 s10, $0x2;
	v10 =	vadd.s32 v1, v8;
	v11 =	vadd.s32 v2, v8;
	[tilespmem:v7+s28+$0x0] =	vst.idx.msk $0xffff, v6  }
0x210: {  	v15 =	vor.u32 v9, v10;
	v16 =	vor.u32 v9, v11;
	v6 =	vadd.s32 v4, v8;
	v14 =	vld [tilespmem:s10+$0x1BB0]  }
0x211: {  	v7 =	vadd.s32 v3, v8;
	v8 =	vor.u32 $0x1, v9;
	v18 =	vor.u32 v9, v6;
	v17 =	vld [tilespmem:s10+$0x1BA0]  }
0x212: {  	v20 =	vor.u32 v9, v7;
	v13 =	vor.u32 v8, v10;
	v9 =	vor.u32 v8, v11;
	v19 =	vld [tilespmem:s10+$0x1B90]  }
0x213: {  	v11 =	vor.u32 v8, v7;
	v7 =	vor.u32 v8, v6;
	v21 =	vld [tilespmem:s10+$0x1B80]  }
0x214: {  	v10 =	vld [tilespmem:s10+$0x1C00]  }
0x215: {  	v8 =	vld [tilespmem:s10+$0x1C10]  }
0x216: {  	v6 =	vld [tilespmem:s10+$0x1C30]  }
.Ltmp11:
0x217: {  	v12 =	vld [tilespmem:s10+$0x1C20];
	(pc) =	sbr.rel @p0 .LBB3_20-.Ltmp11, $4  }
0x218: {  	[tilespmem:v15+s28+$0x0] =	vst.idx.msk $0xffff, v21  }
0x219: {  	[tilespmem:v16+s28+$0x0] =	vst.idx.msk $0xffff, v19  }
0x21a: {  	[tilespmem:v20+s28+$0x0] =	vst.idx.msk $0xffff, v17  }
0x21b: {  	[tilespmem:v18+s28+$0x0] =	vst.idx.msk $0xffff, v14  }
0x21c: {  	_ =	sdelay $0x3  }
0x21d: {  	[tilespmem:v13+s28+$0x0] =	vst.idx.msk $0xffff, v10  }
0x21e: {  	[tilespmem:v9+s28+$0x0] =	vst.idx.msk $0xffff, v8  }
0x21f: {  	[tilespmem:v11+s28+$0x0] =	vst.idx.msk $0xffff, v12  }
0x220: {  	s8 =	rddreg [dreg:$0x16];
	[tilespmem:v7+s28+$0x0] =	vst.idx.msk $0xffff, v6  }
0x221: {  	[hbm4b:s8+s7] =	stream.strided.scatter [tilespmem:s28], [sflag:$0x5], $0x2000, s26, s7, $0x38;
	[tilespmem:$0x1D380] =	vst v63  }
0x222: {  	_ =	swait.ge [sflag:s23], $0x2000  }
0x223: {  	s16 =	simm.s32 $0x0;
	[sflag:s23] =	ssyncset.done $0x0  }
0x224: {  	s10 =	simm.s32 $0x1380;
	s17 =	rddreg [dreg:$0x17];
	[sflag:s23] =	ssyncadd.s32 $0xFFFFE000  }
0x225: {  	[tilespmem:s10], [sflag:$0x5] =	stream.linear.gather [hbm4b:s17+s16], $0x400, $0x38;
	[tilespmem:$0x1D380] =	vst v63  }
0x226: {  	_ =	swait.ge [sflag:s23], $0x400  }
0x227: {  	[sflag:s23] =	ssyncset.done $0x0  }
0x228: {  	[sflag:s23] =	ssyncadd.s32 $0xFFFFFC00  }
0x229: {  	[tilespmem:s6], [sflag:$0x1] =	stream.indirect.gather [hbm4b:s4+s24], $0x80, s10, s24, $0xb8;
	[tilespmem:$0x1D380] =	vst v63  }
0x22a: {  	s18 =	simm.s32 $0x1400;
	s22 =	simm.s32 $0x5B80  }
0x22b: {  	[tilespmem:s22], [sflag:$0x1] =	stream.indirect.gather [hbm4b:s4+s24], $0x80, s18, s24, $0xb8;
	[tilespmem:$0x1D380] =	vst v63  }
0x22c: {  	s17 =	simm.s32 $0x1480;
	s18 =	simm.s32 $0x9B80  }
0x22d: {  	[tilespmem:s18], [sflag:$0x1] =	stream.indirect.gather [hbm4b:s4+s24], $0x80, s17, s24, $0xb8;
	[tilespmem:$0x1D380] =	vst v63  }
0x22e: {  	s22 =	simm.s32 $0x1500  }
0x22f: {  	[tilespmem:s11], [sflag:$0x1] =	stream.indirect.gather [hbm4b:s4+s24], $0x80, s22, s24, $0xb8;
	[tilespmem:$0x1D380] =	vst v63  }
.LBB3_22:
0x230: {  	s10 =	sand.u32 $0x1, s16;
	p0 =	sgt.u32 s16, $0x2F  }
0x231: {  	p1 =	sne.s32 @!p0 s10, $0x0  }
0x232: {  	p1 =	por p1, p0  }
0x233: {  	s17 =	sshrl.u32 @!p1 s16, $0x1  }
0x234: {  	s17 =	sadd.s32 @!p1 $0x1, s17  }
0x235: {  	p6 =	seq.s32 s10, $0x1;
	s18 =	sshll.u32 @!p1 s17, $0xF  }
0x236: {  	p0 =	por !p6, p0;
	s17 =	sshll.u32 @!p1 s17, $0xA;
	s18 =	sor.u32 @!p1 s15, s18  }
0x237: {  	s22 =	simm.s32 @!p1 $0x0;
	s17 =	sand.u32 @!p1 $0x400, s17;
	s18 =	sshrl.u32 @!p1 s18, $0x3  }
0x238: {  	s10 =	simm.s32 @!p0 $0x3;
	s17 =	sor.u32 @!p1 $0x1380, s17;
	s18 =	sadd.s32 @!p1 s0, s18  }
0x239: {  	[tilespmem:s17], [sflag:$0x3] =	stream.linear.gather @!p1 [hbm4b:s18+s22], $0x400, $0x38;
	[tilespmem:$0x1D380] =	vst v63  }
0x23a: {  	_ =	swait.ge @!p0 [sflag:s10], $0x400  }
0x23b: {  	[sflag:s10] =	ssyncset.done @!p0 $0x0  }
0x23c: {  	[sflag:s10] =	ssyncadd.s32 @!p0 $0xFFFFFC00  }
0x23d: {  	_ =	swait.ge [sflag:s9], $0x4000  }
0x23e: {  	p0 =	seq.s32 s16, $0x0;
	[sflag:s9] =	ssyncset.done $0x0  }
0x23f: {  	s10 =	simm.s32 @!p0 $0x2;
	[sflag:s9] =	ssyncadd.s32 $0xFFFFC000  }
0x240: {  	_ =	swait.ge @!p0 [sflag:s10], $0x2000  }
0x241: {  	[sflag:s10] =	ssyncset.done @!p0 $0x0  }
0x242: {  	v5 =	vimm.s32 $0x0;
	s22 =	simm.s32 $0x0;
	[sflag:s10] =	ssyncadd.s32 @!p0 $0xFFFFE000  }
0x243: {  	v6 =	vand.u32 $0xFFFFFF80, v5;
	v14 =	vld [tilespmem:s22+$0x1BB0]  }
0x244: {  	v9 =	vand.u32 $0x7E, v5;
	v11 =	vadd.s32 v1, v6;
	v7 =	vld [tilespmem:s22+$0x1BA0]  }
0x245: {  	v15 =	vadd.s32 v2, v6;
	v16 =	vor.u32 v9, v11;
	v17 =	vld [tilespmem:s22+$0x1B80]  }
0x246: {  	v18 =	vor.u32 v9, v15;
	v13 =	vld [tilespmem:s22+$0x1B90]  }
0x247: {  	v12 =	vld [tilespmem:s22+$0x1C00]  }
0x248: {  	v19 =	vadd.s32 v3, v6;
	v8 =	vld [tilespmem:s22+$0x1C10]  }
0x249: {  	v20 =	vadd.s32 v4, v6;
	v21 =	vor.u32 v9, v19;
	v6 =	vld [tilespmem:s22+$0x1C30]  }
0x24a: {  	v63 =	vor.u32 $0x1, v9;
	v22 =	vor.u32 v9, v20;
	v10 =	vld [tilespmem:s22+$0x1C20];
	[tilespmem:v16+s28+$0x0] =	vst.idx.msk $0xffff, v17  }
0x24b: {  	[tilespmem:v18+s28+$0x0] =	vst.idx.msk $0xffff, v13;
	v13 =	vor.u32 v63, v11  }
0x24c: {  	v9 =	vor.u32 v63, v15  }
0x24d: {  	v11 =	vor.u32 v63, v19  }
0x24e: {  	[tilespmem:v21+s28+$0x0] =	vst.idx.msk $0xffff, v7;
	v7 =	vor.u32 v63, v20  }
0x24f: {  	s17 =	sshll.u32 s16, $0x9;
	s18 =	simm.s32 $0x400;
	[tilespmem:v22+s28+$0x0] =	vst.idx.msk $0xffff, v14  }
.LBB3_23:
0x250: {  	p1 =	sne.s32 s18, $0xFC00;
	[tilespmem:v13+s28+$0x0] =	vst.idx.msk $0xffff, v12;
	v5 =	vadd.s32 $0x2, v5;
	s10 =	smov.u32 s18;
	s18 =	sadd.s32 $0x400, s18  }
0x251: {  	[tilespmem:v9+s28+$0x0] =	vst.idx.msk $0xffff, v8  }
0x252: {  	v8 =	vand.u32 $0xFFFFFF80, v5;
	v9 =	vand.u32 $0x7E, v5;
	[tilespmem:v11+s28+$0x0] =	vst.idx.msk $0xffff, v10  }
0x253: {  	s10 =	sshra.s32 s10, $0x2;
	v10 =	vadd.s32 v1, v8;
	v11 =	vadd.s32 v2, v8;
	[tilespmem:v7+s28+$0x0] =	vst.idx.msk $0xffff, v6  }
0x254: {  	v15 =	vor.u32 v9, v10;
	v16 =	vor.u32 v9, v11;
	v6 =	vadd.s32 v4, v8;
	v14 =	vld [tilespmem:s10+$0x1BB0]  }
0x255: {  	v7 =	vadd.s32 v3, v8;
	v8 =	vor.u32 $0x1, v9;
	v18 =	vor.u32 v9, v6;
	v17 =	vld [tilespmem:s10+$0x1BA0]  }
0x256: {  	v20 =	vor.u32 v9, v7;
	v13 =	vor.u32 v8, v10;
	v9 =	vor.u32 v8, v11;
	v19 =	vld [tilespmem:s10+$0x1B90]  }
0x257: {  	v11 =	vor.u32 v8, v7;
	v7 =	vor.u32 v8, v6;
	v21 =	vld [tilespmem:s10+$0x1B80]  }
0x258: {  	v12 =	vld [tilespmem:s10+$0x1C00]  }
0x259: {  	v8 =	vld [tilespmem:s10+$0x1C10]  }
0x25a: {  	v6 =	vld [tilespmem:s10+$0x1C30]  }
.Ltmp12:
0x25b: {  	v10 =	vld [tilespmem:s10+$0x1C20];
	(pc) =	sbr.rel @p1 .LBB3_23-.Ltmp12, $4  }
0x25c: {  	[tilespmem:v15+s28+$0x0] =	vst.idx.msk $0xffff, v21  }
0x25d: {  	[tilespmem:v16+s28+$0x0] =	vst.idx.msk $0xffff, v19  }
0x25e: {  	[tilespmem:v20+s28+$0x0] =	vst.idx.msk $0xffff, v17  }
0x25f: {  	[tilespmem:v18+s28+$0x0] =	vst.idx.msk $0xffff, v14  }
0x260: {  	_ =	sdelay $0x2  }
0x261: {  	p1 =	sne.s32 s16, $0x31  }
.Ltmp13:
0x262: {  	[tilespmem:v13+s28+$0x0] =	vst.idx.msk $0xffff, v12;
	s10 =	sshll.u32 s16, $0x14;
	(pc) =	sbr.rel @p1 .LBB3_26-.Ltmp13, $4  }
0x263: {  	[tilespmem:v9+s28+$0x0] =	vst.idx.msk $0xffff, v8;
	s10 =	sor.u32 s15, s10  }
0x264: {  	[tilespmem:v11+s28+$0x0] =	vst.idx.msk $0xffff, v10;
	s18 =	sshrl.u32 s10, $0x3  }
0x265: {  	[tilespmem:v7+s28+$0x0] =	vst.idx.msk $0xffff, v6;
	s10 =	sadd.s32 s5, s18  }
0x266: {  	[hbm4b:s10+s7] =	stream.strided.scatter [tilespmem:s28], [sflag:$0x2], $0x2000, s26, s7, $0x38;
	[tilespmem:$0x1D380] =	vst v63  }
.Ltmp14:
0x267: {  	(pc) =	sbr.rel .LBB3_27-.Ltmp14, $4  }
0x268: {  	_ = 	snop  }
0x269: {  	_ =	swait.ge [sflag:s9], $0x4000  }
0x26a: {  	[sflag:s9] =	ssyncset.done $0x0  }
0x26b: {  	[sflag:s9] =	ssyncadd.s32 $0xFFFFC000  }
.LBB3_26:
0x26c: {  	s10 =	sadd.s32 $0x200, s17  }
0x26d: {  	s10 =	sand.u32 $0x600, s10  }
.Ltmp15:
0x26e: {  	s10 =	sadd.s32 $0x1380, s10;
	(pc) =	sbr.rel @p0 .LBB3_28-.Ltmp15, $4  }
0x26f: {  	[tilespmem:s6], [sflag:$0x1] =	stream.indirect.gather [hbm4b:s4+s24], $0x80, s10, s24, $0xb8;
	[tilespmem:$0x1D380] =	vst v63  }
0x270: {  	_ =	swait.ge [sflag:s9], $0x4000  }
0x271: {  	[sflag:s9] =	ssyncset.done $0x0  }
0x272: {  	[sflag:s9] =	ssyncadd.s32 $0xFFFFC000  }
.LBB3_27:
0x273: {  	_ =	swait.ge [sflag:s12], $0x2000  }
0x274: {  	[sflag:s12] =	ssyncset.done $0x0  }
0x275: {  	[sflag:s12] =	ssyncadd.s32 $0xFFFFE000  }
.LBB3_28:
0x276: {  	s10 =	simm.s32 $0x0;
	v5 =	vimm.s32 $0x0  }
0x277: {  	v14 =	vld [tilespmem:s10+$0x5BB0];
	v6 =	vand.u32 $0xFFFFFF80, v5  }
0x278: {  	v7 =	vld [tilespmem:s10+$0x5BA0];
	v9 =	vand.u32 $0x7E, v5;
	v11 =	vadd.s32 v1, v6  }
0x279: {  	v17 =	vld [tilespmem:s10+$0x5B80];
	v15 =	vadd.s32 v2, v6;
	v16 =	vor.u32 v9, v11  }
0x27a: {  	v13 =	vld [tilespmem:s10+$0x5B90];
	v18 =	vor.u32 v9, v15  }
0x27b: {  	v10 =	vld [tilespmem:s10+$0x5C00]  }
0x27c: {  	v8 =	vld [tilespmem:s10+$0x5C10];
	v19 =	vadd.s32 v3, v6  }
0x27d: {  	v12 =	vld [tilespmem:s10+$0x5C20];
	v20 =	vadd.s32 v4, v6;
	v21 =	vor.u32 v9, v19  }
0x27e: {  	v6 =	vld [tilespmem:s10+$0x5C30];
	v63 =	vor.u32 $0x1, v9;
	v22 =	vor.u32 v9, v20;
	[tilespmem:v16+s13+$0x0] =	vst.idx.msk $0xffff, v17  }
0x27f: {  	[tilespmem:v18+s13+$0x0] =	vst.idx.msk $0xffff, v13;
	v13 =	vor.u32 v63, v11  }
0x280: {  	v9 =	vor.u32 v63, v15  }
0x281: {  	v11 =	vor.u32 v63, v19  }
0x282: {  	[tilespmem:v21+s13+$0x0] =	vst.idx.msk $0xffff, v7;
	v7 =	vor.u32 v63, v20  }
0x283: {  	s10 =	simm.s32 $0x400;
	[tilespmem:v22+s13+$0x0] =	vst.idx.msk $0xffff, v14  }
.LBB3_29:
0x284: {  	p0 =	sne.s32 s10, $0xFC00;
	[tilespmem:v13+s13+$0x0] =	vst.idx.msk $0xffff, v10;
	v5 =	vadd.s32 $0x2, v5;
	s22 =	smov.u32 s10;
	s10 =	sadd.s32 $0x400, s10  }
0x285: {  	[tilespmem:v9+s13+$0x0] =	vst.idx.msk $0xffff, v8  }
0x286: {  	v8 =	vand.u32 $0xFFFFFF80, v5;
	v9 =	vand.u32 $0x7E, v5;
	[tilespmem:v11+s13+$0x0] =	vst.idx.msk $0xffff, v12  }
0x287: {  	s22 =	sshra.s32 s22, $0x2;
	v10 =	vadd.s32 v1, v8;
	v11 =	vadd.s32 v2, v8;
	[tilespmem:v7+s13+$0x0] =	vst.idx.msk $0xffff, v6  }
0x288: {  	v15 =	vor.u32 v9, v10;
	v16 =	vor.u32 v9, v11;
	v6 =	vadd.s32 v4, v8;
	v14 =	vld [tilespmem:s22+$0x5BB0]  }
0x289: {  	v7 =	vadd.s32 v3, v8;
	v8 =	vor.u32 $0x1, v9;
	v18 =	vor.u32 v9, v6;
	v17 =	vld [tilespmem:s22+$0x5BA0]  }
0x28a: {  	v20 =	vor.u32 v9, v7;
	v13 =	vor.u32 v8, v10;
	v9 =	vor.u32 v8, v11;
	v19 =	vld [tilespmem:s22+$0x5B90]  }
0x28b: {  	v11 =	vor.u32 v8, v7;
	v7 =	vor.u32 v8, v6;
	v21 =	vld [tilespmem:s22+$0x5B80]  }
0x28c: {  	v10 =	vld [tilespmem:s22+$0x5C00]  }
0x28d: {  	v8 =	vld [tilespmem:s22+$0x5C10]  }
0x28e: {  	v6 =	vld [tilespmem:s22+$0x5C30]  }
.Ltmp16:
0x28f: {  	v12 =	vld [tilespmem:s22+$0x5C20];
	(pc) =	sbr.rel @p0 .LBB3_29-.Ltmp16, $4  }
0x290: {  	[tilespmem:v15+s13+$0x0] =	vst.idx.msk $0xffff, v21  }
0x291: {  	[tilespmem:v16+s13+$0x0] =	vst.idx.msk $0xffff, v19  }
0x292: {  	[tilespmem:v20+s13+$0x0] =	vst.idx.msk $0xffff, v17  }
0x293: {  	[tilespmem:v18+s13+$0x0] =	vst.idx.msk $0xffff, v14  }
0x294: {  	_ =	sdelay $0x3  }
0x295: {  	[tilespmem:v13+s13+$0x0] =	vst.idx.msk $0xffff, v10  }
0x296: {  	[tilespmem:v9+s13+$0x0] =	vst.idx.msk $0xffff, v8  }
0x297: {  	[tilespmem:v11+s13+$0x0] =	vst.idx.msk $0xffff, v12  }
0x298: {  	p0 =	seq.s32 s16, $0x31;
	s10 =	sadd.s32 s18, s19;
	[tilespmem:v7+s13+$0x0] =	vst.idx.msk $0xffff, v6  }
0x299: {  	[hbm4b:s10+s7] =	stream.strided.scatter [tilespmem:s13], [sflag:$0x2], $0x2000, s26, s7, $0x38;
	[tilespmem:$0x1D380] =	vst v63  }
0x29a: {  	s10 =	sadd.s32 @!p0 $0x280, s17  }
0x29b: {  	s10 =	sand.u32 @!p0 $0x680, s10  }
0x29c: {  	s22 =	simm.s32 @!p0 $0x80;
	s8 =	simm.s32 @!p0 $0x5B80;
	s10 =	sadd.s32 @!p0 $0x1380, s10  }
0x29d: {  	[tilespmem:s8], [sflag:$0x1] =	stream.indirect.gather @!p0 [hbm4b:s4+s22], $0x80, s10, s22, $0xb8;
	[tilespmem:$0x1D380] =	vst v63  }
0x29e: {  	_ =	swait.ge [sflag:s9], $0x4000  }
0x29f: {  	[sflag:s9] =	ssyncset.done $0x0  }
0x2a0: {  	[sflag:s9] =	ssyncadd.s32 $0xFFFFC000  }
0x2a1: {  	_ =	swait.ge [sflag:s12], $0x2000  }
0x2a2: {  	[sflag:s12] =	ssyncset.done $0x0  }
0x2a3: {  	v5 =	vimm.s32 $0x0;
	s22 =	simm.s32 $0x0;
	[sflag:s12] =	ssyncadd.s32 $0xFFFFE000  }
0x2a4: {  	v6 =	vand.u32 $0xFFFFFF80, v5;
	v14 =	vld [tilespmem:s22+$0x9BB0]  }
0x2a5: {  	v9 =	vand.u32 $0x7E, v5;
	v11 =	vadd.s32 v1, v6;
	v7 =	vld [tilespmem:s22+$0x9BA0]  }
0x2a6: {  	v15 =	vadd.s32 v2, v6;
	v16 =	vor.u32 v9, v11;
	v17 =	vld [tilespmem:s22+$0x9B80]  }
0x2a7: {  	v18 =	vor.u32 v9, v15;
	v13 =	vld [tilespmem:s22+$0x9B90]  }
0x2a8: {  	v10 =	vld [tilespmem:s22+$0x9C00]  }
0x2a9: {  	v19 =	vadd.s32 v3, v6;
	v8 =	vld [tilespmem:s22+$0x9C10]  }
0x2aa: {  	v20 =	vadd.s32 v4, v6;
	v21 =	vor.u32 v9, v19;
	v6 =	vld [tilespmem:s22+$0x9C30]  }
0x2ab: {  	v63 =	vor.u32 $0x1, v9;
	v22 =	vor.u32 v9, v20;
	v12 =	vld [tilespmem:s22+$0x9C20];
	[tilespmem:v16+s28+$0x0] =	vst.idx.msk $0xffff, v17  }
0x2ac: {  	[tilespmem:v18+s28+$0x0] =	vst.idx.msk $0xffff, v13;
	v13 =	vor.u32 v63, v11  }
0x2ad: {  	v9 =	vor.u32 v63, v15  }
0x2ae: {  	v11 =	vor.u32 v63, v19  }
0x2af: {  	[tilespmem:v21+s28+$0x0] =	vst.idx.msk $0xffff, v7;
	v7 =	vor.u32 v63, v20  }
0x2b0: {  	s10 =	simm.s32 $0x400;
	[tilespmem:v22+s28+$0x0] =	vst.idx.msk $0xffff, v14  }
.LBB3_31:
0x2b1: {  	p1 =	sne.s32 s10, $0xFC00;
	[tilespmem:v13+s28+$0x0] =	vst.idx.msk $0xffff, v10;
	v5 =	vadd.s32 $0x2, v5;
	s8 =	smov.u32 s10;
	s10 =	sadd.s32 $0x400, s10  }
0x2b2: {  	[tilespmem:v9+s28+$0x0] =	vst.idx.msk $0xffff, v8  }
0x2b3: {  	v8 =	vand.u32 $0xFFFFFF80, v5;
	v9 =	vand.u32 $0x7E, v5;
	[tilespmem:v11+s28+$0x0] =	vst.idx.msk $0xffff, v12  }
0x2b4: {  	s8 =	sshra.s32 s8, $0x2;
	v10 =	vadd.s32 v1, v8;
	v11 =	vadd.s32 v2, v8;
	[tilespmem:v7+s28+$0x0] =	vst.idx.msk $0xffff, v6  }
0x2b5: {  	v15 =	vor.u32 v9, v10;
	v16 =	vor.u32 v9, v11;
	v6 =	vadd.s32 v4, v8;
	v14 =	vld [tilespmem:s8+$0x9BB0]  }
0x2b6: {  	v7 =	vadd.s32 v3, v8;
	v8 =	vor.u32 $0x1, v9;
	v18 =	vor.u32 v9, v6;
	v17 =	vld [tilespmem:s8+$0x9BA0]  }
0x2b7: {  	v20 =	vor.u32 v9, v7;
	v13 =	vor.u32 v8, v10;
	v9 =	vor.u32 v8, v11;
	v19 =	vld [tilespmem:s8+$0x9B90]  }
0x2b8: {  	v11 =	vor.u32 v8, v7;
	v7 =	vor.u32 v8, v6;
	v21 =	vld [tilespmem:s8+$0x9B80]  }
0x2b9: {  	v10 =	vld [tilespmem:s8+$0x9C00]  }
0x2ba: {  	v8 =	vld [tilespmem:s8+$0x9C10]  }
0x2bb: {  	v6 =	vld [tilespmem:s8+$0x9C30]  }
.Ltmp17:
0x2bc: {  	v12 =	vld [tilespmem:s8+$0x9C20];
	(pc) =	sbr.rel @p1 .LBB3_31-.Ltmp17, $4  }
0x2bd: {  	[tilespmem:v15+s28+$0x0] =	vst.idx.msk $0xffff, v21  }
0x2be: {  	[tilespmem:v16+s28+$0x0] =	vst.idx.msk $0xffff, v19  }
0x2bf: {  	[tilespmem:v20+s28+$0x0] =	vst.idx.msk $0xffff, v17  }
0x2c0: {  	[tilespmem:v18+s28+$0x0] =	vst.idx.msk $0xffff, v14  }
0x2c1: {  	_ =	sdelay $0x3  }
0x2c2: {  	[tilespmem:v13+s28+$0x0] =	vst.idx.msk $0xffff, v10  }
0x2c3: {  	[tilespmem:v9+s28+$0x0] =	vst.idx.msk $0xffff, v8  }
0x2c4: {  	[tilespmem:v11+s28+$0x0] =	vst.idx.msk $0xffff, v12  }
0x2c5: {  	s8 =	sadd.s32 s18, s20;
	[tilespmem:v7+s28+$0x0] =	vst.idx.msk $0xffff, v6  }
0x2c6: {  	[hbm4b:s8+s7] =	stream.strided.scatter [tilespmem:s28], [sflag:$0x2], $0x2000, s26, s7, $0x38;
	[tilespmem:$0x1D380] =	vst v63  }
0x2c7: {  	s8 =	sadd.s32 @!p0 $0x300, s17  }
0x2c8: {  	s8 =	sand.u32 @!p0 $0x700, s8  }
0x2c9: {  	s10 =	simm.s32 @!p0 $0x80;
	s22 =	simm.s32 @!p0 $0x9B80;
	s8 =	sadd.s32 @!p0 $0x1380, s8  }
0x2ca: {  	[tilespmem:s22], [sflag:$0x1] =	stream.indirect.gather @!p0 [hbm4b:s4+s10], $0x80, s8, s10, $0xb8;
	[tilespmem:$0x1D380] =	vst v63  }
0x2cb: {  	_ =	swait.ge [sflag:s9], $0x4000  }
0x2cc: {  	[sflag:s9] =	ssyncset.done $0x0  }
0x2cd: {  	[sflag:s9] =	ssyncadd.s32 $0xFFFFC000  }
0x2ce: {  	_ =	swait.ge [sflag:s12], $0x2000  }
0x2cf: {  	[sflag:s12] =	ssyncset.done $0x0  }
0x2d0: {  	v5 =	vimm.s32 $0x0;
	s22 =	simm.s32 $0x0;
	[sflag:s12] =	ssyncadd.s32 $0xFFFFE000  }
0x2d1: {  	v6 =	vand.u32 $0xFFFFFF80, v5;
	v14 =	vld [tilespmem:s22+$0xDBB0]  }
0x2d2: {  	v9 =	vand.u32 $0x7E, v5;
	v11 =	vadd.s32 v1, v6;
	v7 =	vld [tilespmem:s22+$0xDBA0]  }
0x2d3: {  	v15 =	vadd.s32 v2, v6;
	v16 =	vor.u32 v9, v11;
	v17 =	vld [tilespmem:s22+$0xDB80]  }
0x2d4: {  	v18 =	vor.u32 v9, v15;
	v13 =	vld [tilespmem:s22+$0xDB90]  }
0x2d5: {  	v10 =	vld [tilespmem:s22+$0xDC00]  }
0x2d6: {  	v19 =	vadd.s32 v3, v6;
	v8 =	vld [tilespmem:s22+$0xDC10]  }
0x2d7: {  	v20 =	vadd.s32 v4, v6;
	v21 =	vor.u32 v9, v19;
	v6 =	vld [tilespmem:s22+$0xDC30]  }
0x2d8: {  	v63 =	vor.u32 $0x1, v9;
	v22 =	vor.u32 v9, v20;
	v12 =	vld [tilespmem:s22+$0xDC20];
	[tilespmem:v16+s13+$0x0] =	vst.idx.msk $0xffff, v17  }
0x2d9: {  	[tilespmem:v18+s13+$0x0] =	vst.idx.msk $0xffff, v13;
	v13 =	vor.u32 v63, v11  }
0x2da: {  	v9 =	vor.u32 v63, v15  }
0x2db: {  	v11 =	vor.u32 v63, v19  }
0x2dc: {  	[tilespmem:v21+s13+$0x0] =	vst.idx.msk $0xffff, v7;
	v7 =	vor.u32 v63, v20  }
0x2dd: {  	s10 =	simm.s32 $0x400;
	[tilespmem:v22+s13+$0x0] =	vst.idx.msk $0xffff, v14  }
.LBB3_33:
0x2de: {  	p1 =	sne.s32 s10, $0xFC00;
	[tilespmem:v13+s13+$0x0] =	vst.idx.msk $0xffff, v10;
	v5 =	vadd.s32 $0x2, v5;
	s8 =	smov.u32 s10;
	s10 =	sadd.s32 $0x400, s10  }
0x2df: {  	[tilespmem:v9+s13+$0x0] =	vst.idx.msk $0xffff, v8  }
0x2e0: {  	v8 =	vand.u32 $0xFFFFFF80, v5;
	v9 =	vand.u32 $0x7E, v5;
	[tilespmem:v11+s13+$0x0] =	vst.idx.msk $0xffff, v12  }
0x2e1: {  	s8 =	sshra.s32 s8, $0x2;
	v10 =	vadd.s32 v1, v8;
	v11 =	vadd.s32 v2, v8;
	[tilespmem:v7+s13+$0x0] =	vst.idx.msk $0xffff, v6  }
0x2e2: {  	v15 =	vor.u32 v9, v10;
	v16 =	vor.u32 v9, v11;
	v6 =	vadd.s32 v4, v8;
	v14 =	vld [tilespmem:s8+$0xDBB0]  }
0x2e3: {  	v7 =	vadd.s32 v3, v8;
	v8 =	vor.u32 $0x1, v9;
	v18 =	vor.u32 v9, v6;
	v17 =	vld [tilespmem:s8+$0xDBA0]  }
0x2e4: {  	v20 =	vor.u32 v9, v7;
	v13 =	vor.u32 v8, v10;
	v9 =	vor.u32 v8, v11;
	v19 =	vld [tilespmem:s8+$0xDB90]  }
0x2e5: {  	v11 =	vor.u32 v8, v7;
	v7 =	vor.u32 v8, v6;
	v21 =	vld [tilespmem:s8+$0xDB80]  }
0x2e6: {  	v10 =	vld [tilespmem:s8+$0xDC00]  }
0x2e7: {  	v8 =	vld [tilespmem:s8+$0xDC10]  }
0x2e8: {  	v6 =	vld [tilespmem:s8+$0xDC30]  }
.Ltmp18:
0x2e9: {  	v12 =	vld [tilespmem:s8+$0xDC20];
	(pc) =	sbr.rel @p1 .LBB3_33-.Ltmp18, $4  }
0x2ea: {  	[tilespmem:v15+s13+$0x0] =	vst.idx.msk $0xffff, v21  }
0x2eb: {  	[tilespmem:v16+s13+$0x0] =	vst.idx.msk $0xffff, v19  }
0x2ec: {  	[tilespmem:v20+s13+$0x0] =	vst.idx.msk $0xffff, v17  }
0x2ed: {  	[tilespmem:v18+s13+$0x0] =	vst.idx.msk $0xffff, v14  }
0x2ee: {  	_ =	sdelay $0x3  }
.Ltmp19:
0x2ef: {  	[tilespmem:v13+s13+$0x0] =	vst.idx.msk $0xffff, v10;
	(pc) =	sbr.rel @p0 .LBB3_36-.Ltmp19, $4  }
0x2f0: {  	[tilespmem:v9+s13+$0x0] =	vst.idx.msk $0xffff, v8  }
0x2f1: {  	[tilespmem:v11+s13+$0x0] =	vst.idx.msk $0xffff, v12  }
0x2f2: {  	s8 =	sadd.s32 s18, s21;
	[tilespmem:v7+s13+$0x0] =	vst.idx.msk $0xffff, v6  }
0x2f3: {  	[hbm4b:s8+s7] =	stream.strided.scatter [tilespmem:s13], [sflag:$0x2], $0x2000, s26, s7, $0x38;
	[tilespmem:$0x1D380] =	vst v63  }
.Ltmp20:
0x2f4: {  	(pc) =	sbr.rel .LBB3_22-.Ltmp20, $4  }
0x2f5: {  	s8 =	sadd.s32 $0x380, s17  }
0x2f6: {  	s8 =	sand.u32 $0x780, s8  }
0x2f7: {  	s16 =	sadd.s32 $0x1, s16;
	s8 =	sadd.s32 $0x1380, s8  }
0x2f8: {  	[tilespmem:s11], [sflag:$0x1] =	stream.indirect.gather [hbm4b:s4+s24], $0x80, s8, s24, $0xb8;
	[tilespmem:$0x1D380] =	vst v63  }
.LBB3_37:
0x2f9: {  	_ =	sfence.sel $0x180000  }
0x2fa: {  	[bflag:$0x0] =	sbarrier.arrive $0xFFFF  }
0x2fb: {  	_ =	strace $0x90000047  }
0x2fc: {  	s0 =	stileid.u32;
	[bflag:$0x2] =	sbarrier.arrive $0xFFFF  }
0x2fd: {  	p0 =	sne.s32 s0, $0x0;
	s0 =	rddreg [dreg:$0xe]  }
0x2fe: {  	s0 =	sadd.s32 @!p0 $0x100000, s0  }
0x2ff: {  	[sflag:s0] =	ssyncadd.tile.s32 @!p0 $0x1;
	_ =	shalt  }
.Lfunc_end3:
_tile_overlayer_lowered:
.L_overlay_start_3:
0x300: {  	(tag) =	ssettag $0x3  }
0x301: {  	s0 =	rddreg [dreg:$0x0];
	s2 =	stileid.u32  }
0x302: {  	s1 =	rddreg [dreg:$0x1];
	p0 =	sne.s32 s2, $0x0  }
0x303: {  	s3 =	rddreg [dreg:$0x2];
	[bflag:$0x3] =	sbarrier.arrive $0xFFFF;
	s2 =	simm.s32 @!p0 $0x1C05  }
0x304: {  	[timem:s3], [sflag:s2] =	dma.local @!p0 [hbm:s0], s1  }
0x305: {  	s0 =	simm.s32 @!p0 $0x5  }
0x306: {  	_ =	swait.ge @!p0 [sflag:s0], s1  }
0x307: {  	s1 =	ssub.s32 @!p0 $0x0, s1;
	[sflag:s0] =	ssyncset.done @!p0 $0x0  }
0x308: {  	[sflag:s0] =	ssyncadd.s32 @!p0 s1  }
0x309: {  	[bflag:$0x3] =	sbarrier.arrive $0xFFFF  }
0x30a: {  	_ =	shalt  }

</sc_bundles>
